<compile_context>
chip_gen: v7x
topology: tpu7x:2x2x1
jax: 0.10.2.dev20260603
libtpu: 0.0.44.dev20260713+nightly
codegen_flags: <defaults>
</compile_context>

<pallas_src>
import functools

import jax
import jax.numpy as jnp
from jax import lax
from jax.experimental import pallas as pl
from jax.experimental.pallas import tpu as pltpu
from jax.experimental.pallas import tpu_sc as plsc

N = 10000
K = 8
D0 = 16
D1 = 4
X0W = D0
X1W = D1 * 3
TBLW = 32
NPAD = 10240
NBLK = 512
NB = NPAD // NBLK
EB = NBLK * K
NW = 32
EPW = NPAD * K // NW
NCHUNK = EPW // 128

PAIR_OUT = {(0, 0): D0 * D0, (0, 1): D1 * D0, (1, 0): D0 * D1, (1, 1): D1 * D1 * 3}


def _sc_gather(table, idx3):
    mesh = plsc.VectorSubcoreMesh(core_axis_name="c", subcore_axis_name="s")

    @functools.partial(
        pl.kernel,
        mesh=mesh,
        out_type=jax.ShapeDtypeStruct((NPAD * K, TBLW), jnp.float32),
        scratch_types=[
            pltpu.VMEM((NCHUNK, 128), jnp.int32),
            pltpu.VMEM((EPW, TBLW), jnp.float32),
            pltpu.SemaphoreType.DMA,
        ],
        compiler_params=pltpu.CompilerParams(use_tc_tiling_on_sc=False),
    )
    def k(table_hbm, idx_hbm, out_hbm, idx_v, rows_v, sem):
        wid = lax.axis_index("s") * 2 + lax.axis_index("c")
        pltpu.sync_copy(idx_hbm.at[wid], idx_v)
        copies = []
        for j in range(NCHUNK):
            copies.append(
                pltpu.async_copy(
                    table_hbm.at[idx_v.at[j]],
                    rows_v.at[pl.ds(j * 128, 128)],
                    sem,
                )
            )
        for c in copies:
            c.wait()
        pltpu.sync_copy(rows_v, out_hbm.at[pl.ds(wid * EPW, EPW)])

    return k(table, idx3)


_CN = (((0,), (0,)), ((), ()))


def _ln_t(h, g, b, onesc):
    mu = lax.dot_general(onesc, h.astype(jnp.bfloat16), _CN,
                         preferred_element_type=jnp.float32)
    d = h - mu
    dd = (d * d).astype(jnp.bfloat16)
    var = lax.dot_general(onesc, dd, _CN, preferred_element_type=jnp.float32)
    return d * lax.rsqrt(var + 1e-5) * g + b


def _mlp_t(feat, W1, b1, g1, be1, W2, b2, g2, be2, W3, b3, onesc):
    h = lax.dot_general(W1, feat.astype(jnp.bfloat16), _CN,
                        preferred_element_type=jnp.float32)
    h = jax.nn.relu(_ln_t(h + b1, g1, be1, onesc))
    h = lax.dot_general(W2, h.astype(jnp.bfloat16), _CN,
                        preferred_element_type=jnp.float32)
    h = jax.nn.relu(_ln_t(h + b2, g2, be2, onesc))
    return lax.dot_general(W3, h.astype(jnp.bfloat16), _CN,
                           preferred_element_type=jnp.float32) + b3


def _lanecat(T, c):
    return jnp.concatenate([T[k * c:(k + 1) * c] for k in range(K)], axis=1)


def _tc_body(reld_r, edges_r, b00_r, b01_r, b10_r, b11_r, mask_r,
             xg_r, x0s_r, x1w_r, *rest):
    (W1a, b1a, g1a, be1a, W2a, b2a, g2a, be2a, W3a, b3a,
     W1b, b1b, g1b, be1b, W2b, b2b, g2b, be2b, W3b, b3b,
     W1c, b1c, g1c, be1c, W2c, b2c, g2c, be2c, W3c, b3c,
     W1d, b1d, g1d, be1d, W2d, b2d, g2d, be2d, W3d, b3d,
     w0_r, w1_r, out0_r, out1_r) = rest

    Trd = jnp.transpose(reld_r[...])
    Ted = jnp.transpose(edges_r[...])
    Tb00 = jnp.transpose(b00_r[...])
    Tb01 = jnp.transpose(b01_r[...])
    Tb10 = jnp.transpose(b10_r[...])
    Tb11 = jnp.transpose(b11_r[...])
    Tm = jnp.transpose(mask_r[...])

    feat = jnp.concatenate(
        [jnp.concatenate([Trd[k:k + 1], Ted[4 * k:4 * k + 4]], axis=0)
         for k in range(K)], axis=1)
    b00 = _lanecat(Tb00, 1)
    b01 = _lanecat(Tb01, 3)
    b10 = _lanecat(Tb10, 3)
    b11 = _lanecat(Tb11, 27)

    xg = jnp.transpose(xg_r[0])
    x0s = jnp.transpose(x0s_r[...])
    T12 = jnp.transpose(x1w_r[...])
    x1w = jnp.concatenate([T12[4 * m:4 * m + 4] for m in range(3)],
                          axis=1)

    xg0 = xg[:X0W]
    xg1 = xg[X0W:X0W + X1W]

    onesc = jnp.full((128, 1), 1.0 / 128, jnp.bfloat16)

    R00 = _mlp_t(feat, W1a[...], b1a[...], g1a[...], be1a[...], W2a[...],
                 b2a[...], g2a[...], be2a[...], W3a[...], b3a[...], onesc)
    R01 = _mlp_t(feat, W1b[...], b1b[...], g1b[...], be1b[...], W2b[...],
                 b2b[...], g2b[...], be2b[...], W3b[...], b3b[...], onesc)
    R10 = _mlp_t(feat, W1c[...], b1c[...], g1c[...], be1c[...], W2c[...],
                 b2c[...], g2c[...], be2c[...], W3c[...], b3c[...], onesc)
    R11 = _mlp_t(feat, W1d[...], b1d[...], g1d[...], be1d[...], W2d[...],
                 b2d[...], g2d[...], be2d[...], W3d[...], b3d[...], onesc)

    y0 = b00 * xg0
    acc0 = R00[0:D0] * y0[0:1]
    for i in range(1, D0):
        acc0 = acc0 + R00[i * D0:(i + 1) * D0] * y0[i:i + 1]
    u1 = (xg1[0:4] * b10[0:1] + xg1[4:8] * b10[1:2]
          + xg1[8:12] * b10[2:3])
    for i in range(D1):
        acc0 = acc0 + R10[i * D0:(i + 1) * D0] * u1[i:i + 1]

    v = R01[0:D1] * xg0[0:1]
    for i in range(1, D0):
        v = v + R01[i * D1:(i + 1) * D1] * xg0[i:i + 1]
    parts = []
    for mo in range(3):
        part = v * b01[mo:mo + 1]
        for f in range(3):
            r = mo * 9 + f
            Vmf = (xg1[0:4] * b11[r:r + 1]
                   + xg1[4:8] * b11[r + 3:r + 4]
                   + xg1[8:12] * b11[r + 6:r + 7])
            for i in range(D1):
                c = i * 12 + f * 4
                part = part + R11[c:c + 4] * Vmf[i:i + 1]
        parts.append(part)
    acc1 = jnp.concatenate(parts, axis=0)

    msum = jnp.zeros((1, NBLK), jnp.float32)
    s0 = jnp.zeros((D0, NBLK), jnp.float32)
    s1 = jnp.zeros((D1 * 3, NBLK), jnp.float32)
    for k in range(K):
        mk = Tm[k:k + 1]
        msum = msum + mk
        s0 = s0 + acc0[:, k * NBLK:(k + 1) * NBLK] * mk
        s1 = s1 + acc1[:, k * NBLK:(k + 1) * NBLK] * mk
    denom = jnp.maximum(msum, 1.0)
    s0 = s0 / denom
    s1 = s1 / denom

    s0 = s0 + lax.dot_general(w0_r[...], x0s, _CN,
                              preferred_element_type=jnp.float32)
    si1 = lax.dot_general(w1_r[...], x1w, _CN,
                          preferred_element_type=jnp.float32)
    s1 = s1 + jnp.concatenate(
        [si1[:, m * NBLK:(m + 1) * NBLK] for m in range(3)], axis=0)

    out0_r[...] = jnp.transpose(s0)
    s1p = jnp.concatenate(
        [s1[m * D1 + o:m * D1 + o + 1] for o in range(D1) for m in range(3)],
        axis=0)
    out1_r[...] = jnp.transpose(s1p)


def _tc_call_kwargs():
    def nblk(c):
        return pl.BlockSpec((NBLK, c), lambda i: (i, 0))

    def whole(shape):
        return pl.BlockSpec(shape, lambda i: (0, 0))

    in_specs = [
        nblk(K),
        nblk(4 * K),
        nblk(K),
        nblk(3 * K),
        nblk(3 * K),
        nblk(27 * K),
        nblk(K),
        pl.BlockSpec((1, EB, TBLW), lambda i: (i, 0, 0)),
        nblk(X0W),
        nblk(X1W),
    ]
    for (di, do) in ((0, 0), (0, 1), (1, 0), (1, 1)):
        op = PAIR_OUT[(di, do)]
        in_specs += [
            whole((5, 128)), whole((128, 1)), whole((128, 1)), whole((128, 1)),
            whole((128, 128)), whole((128, 1)), whole((128, 1)), whole((128, 1)),
            whole((128, op)), whole((op, 1)),
        ]
    in_specs += [whole((D0, D0)), whole((D1, D1))]

    return dict(
        grid=(NB,),
        in_specs=in_specs,
        out_specs=[
            pl.BlockSpec((NBLK, D0), lambda i: (i, 0)),
            pl.BlockSpec((NBLK, D1 * 3), lambda i: (i, 0)),
        ],
        out_shape=[
            jax.ShapeDtypeStruct((N, D0), jnp.float32),
            jax.ShapeDtypeStruct((N, D1 * 3), jnp.float32),
        ],
        compiler_params=pltpu.CompilerParams(
            dimension_semantics=("arbitrary",)),
    )


def _flatten_params(params):
    def perm3(W3, b3, shape, order):
        Wp = W3.reshape((128,) + shape).transpose((0,) + tuple(a + 1 for a in order))
        bp = b3.reshape(shape).transpose(order)
        op = W3.shape[1]
        return Wp.reshape(128, op), bp.reshape(op, 1)

    orders = {
        (0, 0): ((D0, D0), (1, 0)),
        (0, 1): ((D1, D0), (1, 0)),
        (1, 0): ((D0, D1), (1, 0)),
        (1, 1): ((D1, D1, 3), (1, 2, 0)),
    }
    flat = []
    for di in (0, 1):
        for do in (0, 1):
            p = params['rp%d%d' % (di, do)]
            shape, order = orders[(di, do)]
            W3p, b3p = perm3(p['W3'], p['b3'], shape, order)
            flat += [
                p['W1'].astype(jnp.bfloat16), p['b1'].reshape(128, 1),
                p['g1'].reshape(128, 1), p['be1'].reshape(128, 1),
                p['W2'].astype(jnp.bfloat16), p['b2'].reshape(128, 1),
                p['g2'].reshape(128, 1), p['be2'].reshape(128, 1),
                W3p.astype(jnp.bfloat16), b3p,
            ]
    flat += [params['w0'], params['w1']]
    return flat


def kernel(x0, x1, edges, rel_dist, basis00, basis01, basis10, basis11,
           params, neighbor_indices, neighbor_masks):
    x0f = x0.reshape(N, X0W)
    x1mm = x1.reshape(N, D1, 3).swapaxes(1, 2).reshape(N, X1W)
    table = jnp.concatenate(
        [x0f, x1mm, jnp.zeros((N, TBLW - X0W - X1W), jnp.float32)], axis=1)

    idx = jnp.pad(neighbor_indices.reshape(N, K).astype(jnp.int32),
                  ((0, NPAD - N), (0, 0)))
    idx3 = (idx.reshape(NB, NBLK, K).transpose(0, 2, 1)
            .reshape(NW, NCHUNK, 128))

    rows = _sc_gather(table, idx3)
    xg_raw = rows.reshape(NB, EB, TBLW)

    args = [
        rel_dist.reshape(N, K),
        edges.reshape(N, K * 4),
        basis00.reshape(N, K),
        basis01.reshape(N, K * 3),
        basis10.reshape(N, K * 3),
        basis11.reshape(N, K * 27),
        neighbor_masks.reshape(N, K).astype(jnp.float32),
        xg_raw,
        x0f,
        x1mm,
    ]
    args += _flatten_params(params)

    out0, out1 = pl.pallas_call(_tc_body, **_tc_call_kwargs())(*args)

    return (out0.reshape(1, N, D0, 1), out1.reshape(1, N, D1, 3))

# --- scband reference (transcript-rebuilt; emitter-appended) ---
"""Pipeline reference for scband-conv-se3-89928025244022 (READ-ONLY COPY).

The authoritative reference and input builder live on the scoring server;
editing this copy changes nothing except your own understanding.
"""

import jax, jax.numpy as jnp
import numpy as np

N = 10000
K = 8
DIMS = {0: 16, 1: 4}
EDGE_DIM = 4
MID = 128


def _ln(x, g, b):
    mu = x.mean(axis=-1, keepdims=True)
    var = ((x - mu) ** 2).mean(axis=-1, keepdims=True)
    return (x - mu) / jnp.sqrt(var + 1e-5) * g + b


def _radial(feat, p, nc_in, nc_out, nf):
    h = jax.nn.relu(_ln(feat @ p['W1'] + p['b1'], p['g1'], p['be1']))
    h = jax.nn.relu(_ln(h @ p['W2'] + p['b2'], p['g2'], p['be2']))
    y = h @ p['W3'] + p['b3']
    y = y.reshape(y.shape[:-1] + (nc_out, nc_in, nf))
    # rearrange '... (o i f) -> ... o () i () f'
    return y[..., :, None, :, None, :]


def _forward(x0, x1, edges, rel_dist, b00, b01, b10, b11, params, neighbor_indices, neighbor_masks):
    inp = {0: x0, 1: x1}
    basis = {(0, 0): b00, (0, 1): b01, (1, 0): b10, (1, 1): b11}
    # rel_dist 'b m n -> b m n ()' then concat edge features
    feat = jnp.concatenate([rel_dist[..., None], edges], axis=-1)
    kernels = {}
    for di in (0, 1):
        for do in (0, 1):
            nf = 2 * min(di, do) + 1
            R = _radial(feat, params['rp%d%d' % (di, do)], DIMS[di], DIMS[do], nf)
            kern = jnp.sum(R * basis[(di, do)], axis=-1)
            b, n, k = kern.shape[:3]
            kernels[(di, do)] = kern.reshape(b, n, k, (2 * do + 1) * DIMS[do], -1)
    outs = []
    for do in (0, 1):
        acc = 0.0
        for di in (0, 1):
            # batched_index_select(x, neighbor_indices, dim=1)
            xg = jax.vmap(lambda xb, ib: xb[ib])(inp[di], neighbor_indices)
            xg = xg.reshape(xg.shape[0], xg.shape[1], xg.shape[2], (2 * di + 1) * DIMS[di], 1)
            acc = acc + jnp.einsum('bnkoi,bnkic->bnkoc', kernels[(di, do)], xg)
        # masked_mean over neighbor dim (dim=2)
        m = neighbor_masks[..., None, None]
        acc = jnp.where(m, acc, 0.0)
        denom = jnp.maximum(m.sum(axis=2), 1.0)
        out = acc.sum(axis=2) / denom
        out = out.reshape(out.shape[0], out.shape[1], -1, 2 * do + 1)
        # self interaction (LinearSE3) + residual
        out = out + jnp.einsum('bndm,de->bnem', inp[do], params['w%d' % do])
        outs.append(out)
    return outs[0], outs[1]


def setup_inputs(seed: int = 0):
    key = jax.random.key(seed)
    ks = [jax.random.fold_in(key, i) for i in range(64)]
    x0 = jax.random.normal(ks[0], (1, N, DIMS[0], 1), jnp.float32)
    x1 = jax.random.normal(ks[1], (1, N, DIMS[1], 3), jnp.float32)
    neighbor_indices = jax.random.randint(ks[2], (1, N, K), 0, N)
    neighbor_masks = jnp.ones((1, N, K), dtype=bool)
    edges = jax.random.normal(ks[3], (1, N, K, EDGE_DIM), jnp.float32)
    rel_dist = jax.random.uniform(ks[4], (1, N, K), jnp.float32)
    basis00 = jax.random.normal(ks[5], (1, N, K, 1, 1, 1, 1, 1), jnp.float32)
    basis01 = jax.random.normal(ks[6], (1, N, K, 1, 3, 1, 1, 1), jnp.float32)
    basis10 = jax.random.normal(ks[7], (1, N, K, 1, 1, 1, 3, 1), jnp.float32)
    basis11 = jax.random.normal(ks[8], (1, N, K, 1, 3, 1, 3, 3), jnp.float32)
    params = {}
    i = 9
    for di in (0, 1):
        for do in (0, 1):
            nf = 2 * min(di, do) + 1
            nc_in, nc_out = DIMS[di], DIMS[do]
            p = {}
            p['W1'] = jax.random.normal(ks[i], (EDGE_DIM + 1, MID), jnp.float32) * (2.0 / (EDGE_DIM + 1)) ** 0.5; i += 1
            p['b1'] = jnp.zeros((MID,), jnp.float32)
            p['g1'] = jnp.ones((MID,), jnp.float32)
            p['be1'] = jnp.zeros((MID,), jnp.float32)
            p['W2'] = jax.random.normal(ks[i], (MID, MID), jnp.float32) * (2.0 / MID) ** 0.5; i += 1
            p['b2'] = jnp.zeros((MID,), jnp.float32)
            p['g2'] = jnp.ones((MID,), jnp.float32)
            p['be2'] = jnp.zeros((MID,), jnp.float32)
            p['W3'] = jax.random.normal(ks[i], (MID, nf * nc_in * nc_out), jnp.float32) * (2.0 / MID) ** 0.5; i += 1
            p['b3'] = jnp.zeros((nf * nc_in * nc_out,), jnp.float32)
            params['rp%d%d' % (di, do)] = p
    params['w0'] = jax.random.normal(ks[i], (DIMS[0], DIMS[0]), jnp.float32) / DIMS[0] ** 0.5; i += 1
    params['w1'] = jax.random.normal(ks[i], (DIMS[1], DIMS[1]), jnp.float32) / DIMS[1] ** 0.5
    return {'x0': x0, 'x1': x1, 'edges': edges, 'rel_dist': rel_dist,
            'basis00': basis00, 'basis01': basis01, 'basis10': basis10, 'basis11': basis11,
            'params': params, 'neighbor_indices': neighbor_indices, 'neighbor_masks': neighbor_masks}


def reference(x0, x1, edges, rel_dist, basis00, basis01, basis10, basis11, params, neighbor_indices, neighbor_masks):
    return _forward(x0, x1, edges, rel_dist, basis00, basis01, basis10, basis11, params, neighbor_indices, neighbor_masks)

if __name__ == "__main__":
    import jax
    _d = setup_inputs()
    print(jax.jit(kernel)(*tuple(_d.values())))

</pallas_src>

<mosaic_0001>
#map = affine_map<(d0, d1) -> (0, 0)>
#map1 = affine_map<(d0, d1) -> (0, 0, 0)>
module attributes {stable_mosaic.version = 14 : i64} {
  func.func @k(%arg0: i32, %arg1: i32, %arg2: memref<10000x32xf32, #tpu.memory_space<hbm>>, %arg3: memref<32x20x128xi32, #tpu.memory_space<hbm>>, %arg4: memref<81920x32xf32, #tpu.memory_space<hbm>>, %arg5: memref<20x128xi32, #tpu.memory_space<vmem>>, %arg6: memref<2560x32xf32, #tpu.memory_space<vmem>>, %arg7: memref<!tpu.dma_semaphore, #tpu.memory_space<semaphore_mem>>) attributes {dimension_semantics = [#tpu.dimension_semantics<core_parallel>, #tpu.dimension_semantics<subcore_parallel>], iteration_bounds = array<i64: 2, 16>, scalar_prefetch = 0 : i64, scratch_operands = 3 : i64, tpu.core_type = #tpu.core_type<sc_vector_subcore>, window_params = [{transform_indices = #map}, {transform_indices = #map1}, {transform_indices = #map}]} {
    %mul3A = arith.constant 2 : i32
    %mul3A_0 = arith.muli %arg1, %mul3A : i32
    %add3A = arith.addi %mul3A_0, %arg0 : i32
    "tpu.region"() ({
      %run_scoped3A = tpu.sem_alloc : memref<!tpu.dma_semaphore, #tpu.memory_space<semaphore_mem>>
      %dma_start3A_401 = arith.constant 0 : i32
      %dma_start3A_402 = arith.constant 0 : i32
      %dma_start3A_403 = tpu.memref_slice %arg3[%add3A, %dma_start3A_401, %dma_start3A_402] : memref<32x20x128xi32, #tpu.memory_space<hbm>> -> memref<1x20x128xi32, #tpu.memory_space<hbm>>
      %dma_start3A_404 = tpu.memref_squeeze %dma_start3A_403 : memref<1x20x128xi32, #tpu.memory_space<hbm>> -> memref<20x128xi32, #tpu.memory_space<hbm>>
      %dma_start3A_405 = arith.constant 0 : i32
      %dma_start3A_406 = arith.constant 0 : i32
      %dma_start3A_407 = tpu.memref_slice %arg3[%add3A, %dma_start3A_405, %dma_start3A_406] : memref<32x20x128xi32, #tpu.memory_space<hbm>> -> memref<1x20x128xi32, #tpu.memory_space<hbm>>
      %dma_start3A_408 = tpu.memref_squeeze %dma_start3A_407 : memref<1x20x128xi32, #tpu.memory_space<hbm>> -> memref<20x128xi32, #tpu.memory_space<hbm>>
      tpu.enqueue_dma source(%dma_start3A_408 : memref<20x128xi32, #tpu.memory_space<hbm>>) target(%arg5 : memref<20x128xi32, #tpu.memory_space<vmem>>) target_semaphore(%run_scoped3A : memref<!tpu.dma_semaphore, #tpu.memory_space<semaphore_mem>>)
      %dma_wait3A_409 = arith.constant 0 : i32
      %dma_wait3A_410 = arith.constant 0 : i32
      %dma_wait3A_411 = tpu.memref_slice %arg3[%add3A, %dma_wait3A_409, %dma_wait3A_410] : memref<32x20x128xi32, #tpu.memory_space<hbm>> -> memref<1x20x128xi32, #tpu.memory_space<hbm>>
      %dma_wait3A_412 = tpu.memref_squeeze %dma_wait3A_411 : memref<1x20x128xi32, #tpu.memory_space<hbm>> -> memref<20x128xi32, #tpu.memory_space<hbm>>
      %dma_wait3A_413 = arith.constant 0 : i32
      %dma_wait3A_414 = arith.constant 0 : i32
      %dma_wait3A_415 = tpu.memref_slice %arg3[%add3A, %dma_wait3A_413, %dma_wait3A_414] : memref<32x20x128xi32, #tpu.memory_space<hbm>> -> memref<1x20x128xi32, #tpu.memory_space<hbm>>
      %dma_wait3A_416 = tpu.memref_squeeze %dma_wait3A_415 : memref<1x20x128xi32, #tpu.memory_space<hbm>> -> memref<20x128xi32, #tpu.memory_space<hbm>>
      tpu.wait_dma2 semaphore(%run_scoped3A : memref<!tpu.dma_semaphore, #tpu.memory_space<semaphore_mem>>) src(%dma_wait3A_416 : memref<20x128xi32, #tpu.memory_space<hbm>>) dst(%arg5 : memref<20x128xi32, #tpu.memory_space<vmem>>)
      tpu.yield
    }) : () -> ()
    %dma_start3A = arith.constant 0 : i32
    %dma_start3A_1 = arith.constant 0 : i32
    %dma_start3A_2 = arith.constant 0 : i32
    %dma_start3A_3 = tpu.memref_slice %arg6[%dma_start3A_1, %dma_start3A_2] : memref<2560x32xf32, #tpu.memory_space<vmem>> -> memref<128x32xf32, #tpu.memory_space<vmem>>
    %dma_start3A_4 = arith.constant 0 : i32
    %dma_start3A_5 = tpu.memref_slice %arg5[%dma_start3A, %dma_start3A_4] : memref<20x128xi32, #tpu.memory_space<vmem>> -> memref<1x128xi32, #tpu.memory_space<vmem>>
    %dma_start3A_6 = tpu.memref_squeeze %dma_start3A_5 : memref<1x128xi32, #tpu.memory_space<vmem>> -> memref<128xi32, #tpu.memory_space<vmem>>
    %dma_start3A_7 = arith.constant 0 : i32
    %dma_start3A_8 = arith.constant 0 : i32
    %dma_start3A_9 = tpu.memref_slice %arg2[%dma_start3A_7, %dma_start3A_8] : memref<10000x32xf32, #tpu.memory_space<hbm>> -> memref<10000x32xf32, #tpu.memory_space<hbm>>
    tpu.enqueue_indirect_dma source(%dma_start3A_9 : memref<10000x32xf32, #tpu.memory_space<hbm>>) target(%dma_start3A_3 : memref<128x32xf32, #tpu.memory_space<vmem>>) offsets(%dma_start3A_6 : memref<128xi32, #tpu.memory_space<vmem>>) semaphore(%arg7 : memref<!tpu.dma_semaphore, #tpu.memory_space<semaphore_mem>>)
    %dma_start3A_10 = arith.constant 1 : i32
    %dma_start3A_11 = arith.constant 128 : i32
    %dma_start3A_12 = arith.constant 0 : i32
    %dma_start3A_13 = tpu.memref_slice %arg6[%dma_start3A_11, %dma_start3A_12] : memref<2560x32xf32, #tpu.memory_space<vmem>> -> memref<128x32xf32, #tpu.memory_space<vmem>>
    %dma_start3A_14 = arith.constant 0 : i32
    %dma_start3A_15 = tpu.memref_slice %arg5[%dma_start3A_10, %dma_start3A_14] : memref<20x128xi32, #tpu.memory_space<vmem>> -> memref<1x128xi32, #tpu.memory_space<vmem>>
    %dma_start3A_16 = tpu.memref_squeeze %dma_start3A_15 : memref<1x128xi32, #tpu.memory_space<vmem>> -> memref<128xi32, #tpu.memory_space<vmem>>
    %dma_start3A_17 = arith.constant 0 : i32
    %dma_start3A_18 = arith.constant 0 : i32
    %dma_start3A_19 = tpu.memref_slice %arg2[%dma_start3A_17, %dma_start3A_18] : memref<10000x32xf32, #tpu.memory_space<hbm>> -> memref<10000x32xf32, #tpu.memory_space<hbm>>
    tpu.enqueue_indirect_dma source(%dma_start3A_19 : memref<10000x32xf32, #tpu.memory_space<hbm>>) target(%dma_start3A_13 : memref<128x32xf32, #tpu.memory_space<vmem>>) offsets(%dma_start3A_16 : memref<128xi32, #tpu.memory_space<vmem>>) semaphore(%arg7 : memref<!tpu.dma_semaphore, #tpu.memory_space<semaphore_mem>>)
    %dma_start3A_20 = arith.constant 2 : i32
    %dma_start3A_21 = arith.constant 256 : i32
    %dma_start3A_22 = arith.constant 0 : i32
    %dma_start3A_23 = tpu.memref_slice %arg6[%dma_start3A_21, %dma_start3A_22] : memref<2560x32xf32, #tpu.memory_space<vmem>> -> memref<128x32xf32, #tpu.memory_space<vmem>>
    %dma_start3A_24 = arith.constant 0 : i32
    %dma_start3A_25 = tpu.memref_slice %arg5[%dma_start3A_20, %dma_start3A_24] : memref<20x128xi32, #tpu.memory_space<vmem>> -> memref<1x128xi32, #tpu.memory_space<vmem>>
    %dma_start3A_26 = tpu.memref_squeeze %dma_start3A_25 : memref<1x128xi32, #tpu.memory_space<vmem>> -> memref<128xi32, #tpu.memory_space<vmem>>
    %dma_start3A_27 = arith.constant 0 : i32
    %dma_start3A_28 = arith.constant 0 : i32
    %dma_start3A_29 = tpu.memref_slice %arg2[%dma_start3A_27, %dma_start3A_28] : memref<10000x32xf32, #tpu.memory_space<hbm>> -> memref<10000x32xf32, #tpu.memory_space<hbm>>
    tpu.enqueue_indirect_dma source(%dma_start3A_29 : memref<10000x32xf32, #tpu.memory_space<hbm>>) target(%dma_start3A_23 : memref<128x32xf32, #tpu.memory_space<vmem>>) offsets(%dma_start3A_26 : memref<128xi32, #tpu.memory_space<vmem>>) semaphore(%arg7 : memref<!tpu.dma_semaphore, #tpu.memory_space<semaphore_mem>>)
    %dma_start3A_30 = arith.constant 3 : i32
    %dma_start3A_31 = arith.constant 384 : i32
    %dma_start3A_32 = arith.constant 0 : i32
    %dma_start3A_33 = tpu.memref_slice %arg6[%dma_start3A_31, %dma_start3A_32] : memref<2560x32xf32, #tpu.memory_space<vmem>> -> memref<128x32xf32, #tpu.memory_space<vmem>>
    %dma_start3A_34 = arith.constant 0 : i32
    %dma_start3A_35 = tpu.memref_slice %arg5[%dma_start3A_30, %dma_start3A_34] : memref<20x128xi32, #tpu.memory_space<vmem>> -> memref<1x128xi32, #tpu.memory_space<vmem>>
    %dma_start3A_36 = tpu.memref_squeeze %dma_start3A_35 : memref<1x128xi32, #tpu.memory_space<vmem>> -> memref<128xi32, #tpu.memory_space<vmem>>
    %dma_start3A_37 = arith.constant 0 : i32
    %dma_start3A_38 = arith.constant 0 : i32
    %dma_start3A_39 = tpu.memref_slice %arg2[%dma_start3A_37, %dma_start3A_38] : memref<10000x32xf32, #tpu.memory_space<hbm>> -> memref<10000x32xf32, #tpu.memory_space<hbm>>
    tpu.enqueue_indirect_dma source(%dma_start3A_39 : memref<10000x32xf32, #tpu.memory_space<hbm>>) target(%dma_start3A_33 : memref<128x32xf32, #tpu.memory_space<vmem>>) offsets(%dma_start3A_36 : memref<128xi32, #tpu.memory_space<vmem>>) semaphore(%arg7 : memref<!tpu.dma_semaphore, #tpu.memory_space<semaphore_mem>>)
    %dma_start3A_40 = arith.constant 4 : i32
    %dma_start3A_41 = arith.constant 512 : i32
    %dma_start3A_42 = arith.constant 0 : i32
    %dma_start3A_43 = tpu.memref_slice %arg6[%dma_start3A_41, %dma_start3A_42] : memref<2560x32xf32, #tpu.memory_space<vmem>> -> memref<128x32xf32, #tpu.memory_space<vmem>>
    %dma_start3A_44 = arith.constant 0 : i32
    %dma_start3A_45 = tpu.memref_slice %arg5[%dma_start3A_40, %dma_start3A_44] : memref<20x128xi32, #tpu.memory_space<vmem>> -> memref<1x128xi32, #tpu.memory_space<vmem>>
    %dma_start3A_46 = tpu.memref_squeeze %dma_start3A_45 : memref<1x128xi32, #tpu.memory_space<vmem>> -> memref<128xi32, #tpu.memory_space<vmem>>
    %dma_start3A_47 = arith.constant 0 : i32
    %dma_start3A_48 = arith.constant 0 : i32
    %dma_start3A_49 = tpu.memref_slice %arg2[%dma_start3A_47, %dma_start3A_48] : memref<10000x32xf32, #tpu.memory_space<hbm>> -> memref<10000x32xf32, #tpu.memory_space<hbm>>
    tpu.enqueue_indirect_dma source(%dma_start3A_49 : memref<10000x32xf32, #tpu.memory_space<hbm>>) target(%dma_start3A_43 : memref<128x32xf32, #tpu.memory_space<vmem>>) offsets(%dma_start3A_46 : memref<128xi32, #tpu.memory_space<vmem>>) semaphore(%arg7 : memref<!tpu.dma_semaphore, #tpu.memory_space<semaphore_mem>>)
    %dma_start3A_50 = arith.constant 5 : i32
    %dma_start3A_51 = arith.constant 640 : i32
    %dma_start3A_52 = arith.constant 0 : i32
    %dma_start3A_53 = tpu.memref_slice %arg6[%dma_start3A_51, %dma_start3A_52] : memref<2560x32xf32, #tpu.memory_space<vmem>> -> memref<128x32xf32, #tpu.memory_space<vmem>>
    %dma_start3A_54 = arith.constant 0 : i32
    %dma_start3A_55 = tpu.memref_slice %arg5[%dma_start3A_50, %dma_start3A_54] : memref<20x128xi32, #tpu.memory_space<vmem>> -> memref<1x128xi32, #tpu.memory_space<vmem>>
    %dma_start3A_56 = tpu.memref_squeeze %dma_start3A_55 : memref<1x128xi32, #tpu.memory_space<vmem>> -> memref<128xi32, #tpu.memory_space<vmem>>
    %dma_start3A_57 = arith.constant 0 : i32
    %dma_start3A_58 = arith.constant 0 : i32
    %dma_start3A_59 = tpu.memref_slice %arg2[%dma_start3A_57, %dma_start3A_58] : memref<10000x32xf32, #tpu.memory_space<hbm>> -> memref<10000x32xf32, #tpu.memory_space<hbm>>
    tpu.enqueue_indirect_dma source(%dma_start3A_59 : memref<10000x32xf32, #tpu.memory_space<hbm>>) target(%dma_start3A_53 : memref<128x32xf32, #tpu.memory_space<vmem>>) offsets(%dma_start3A_56 : memref<128xi32, #tpu.memory_space<vmem>>) semaphore(%arg7 : memref<!tpu.dma_semaphore, #tpu.memory_space<semaphore_mem>>)
    %dma_start3A_60 = arith.constant 6 : i32
    %dma_start3A_61 = arith.constant 768 : i32
    %dma_start3A_62 = arith.constant 0 : i32
    %dma_start3A_63 = tpu.memref_slice %arg6[%dma_start3A_61, %dma_start3A_62] : memref<2560x32xf32, #tpu.memory_space<vmem>> -> memref<128x32xf32, #tpu.memory_space<vmem>>
    %dma_start3A_64 = arith.constant 0 : i32
    %dma_start3A_65 = tpu.memref_slice %arg5[%dma_start3A_60, %dma_start3A_64] : memref<20x128xi32, #tpu.memory_space<vmem>> -> memref<1x128xi32, #tpu.memory_space<vmem>>
    %dma_start3A_66 = tpu.memref_squeeze %dma_start3A_65 : memref<1x128xi32, #tpu.memory_space<vmem>> -> memref<128xi32, #tpu.memory_space<vmem>>
    %dma_start3A_67 = arith.constant 0 : i32
    %dma_start3A_68 = arith.constant 0 : i32
    %dma_start3A_69 = tpu.memref_slice %arg2[%dma_start3A_67, %dma_start3A_68] : memref<10000x32xf32, #tpu.memory_space<hbm>> -> memref<10000x32xf32, #tpu.memory_space<hbm>>
    tpu.enqueue_indirect_dma source(%dma_start3A_69 : memref<10000x32xf32, #tpu.memory_space<hbm>>) target(%dma_start3A_63 : memref<128x32xf32, #tpu.memory_space<vmem>>) offsets(%dma_start3A_66 : memref<128xi32, #tpu.memory_space<vmem>>) semaphore(%arg7 : memref<!tpu.dma_semaphore, #tpu.memory_space<semaphore_mem>>)
    %dma_start3A_70 = arith.constant 7 : i32
    %dma_start3A_71 = arith.constant 896 : i32
    %dma_start3A_72 = arith.constant 0 : i32
    %dma_start3A_73 = tpu.memref_slice %arg6[%dma_start3A_71, %dma_start3A_72] : memref<2560x32xf32, #tpu.memory_space<vmem>> -> memref<128x32xf32, #tpu.memory_space<vmem>>
    %dma_start3A_74 = arith.constant 0 : i32
    %dma_start3A_75 = tpu.memref_slice %arg5[%dma_start3A_70, %dma_start3A_74] : memref<20x128xi32, #tpu.memory_space<vmem>> -> memref<1x128xi32, #tpu.memory_space<vmem>>
    %dma_start3A_76 = tpu.memref_squeeze %dma_start3A_75 : memref<1x128xi32, #tpu.memory_space<vmem>> -> memref<128xi32, #tpu.memory_space<vmem>>
    %dma_start3A_77 = arith.constant 0 : i32
    %dma_start3A_78 = arith.constant 0 : i32
    %dma_start3A_79 = tpu.memref_slice %arg2[%dma_start3A_77, %dma_start3A_78] : memref<10000x32xf32, #tpu.memory_space<hbm>> -> memref<10000x32xf32, #tpu.memory_space<hbm>>
    tpu.enqueue_indirect_dma source(%dma_start3A_79 : memref<10000x32xf32, #tpu.memory_space<hbm>>) target(%dma_start3A_73 : memref<128x32xf32, #tpu.memory_space<vmem>>) offsets(%dma_start3A_76 : memref<128xi32, #tpu.memory_space<vmem>>) semaphore(%arg7 : memref<!tpu.dma_semaphore, #tpu.memory_space<semaphore_mem>>)
    %dma_start3A_80 = arith.constant 8 : i32
    %dma_start3A_81 = arith.constant 1024 : i32
    %dma_start3A_82 = arith.constant 0 : i32
    %dma_start3A_83 = tpu.memref_slice %arg6[%dma_start3A_81, %dma_start3A_82] : memref<2560x32xf32, #tpu.memory_space<vmem>> -> memref<128x32xf32, #tpu.memory_space<vmem>>
    %dma_start3A_84 = arith.constant 0 : i32
    %dma_start3A_85 = tpu.memref_slice %arg5[%dma_start3A_80, %dma_start3A_84] : memref<20x128xi32, #tpu.memory_space<vmem>> -> memref<1x128xi32, #tpu.memory_space<vmem>>
    %dma_start3A_86 = tpu.memref_squeeze %dma_start3A_85 : memref<1x128xi32, #tpu.memory_space<vmem>> -> memref<128xi32, #tpu.memory_space<vmem>>
    %dma_start3A_87 = arith.constant 0 : i32
    %dma_start3A_88 = arith.constant 0 : i32
    %dma_start3A_89 = tpu.memref_slice %arg2[%dma_start3A_87, %dma_start3A_88] : memref<10000x32xf32, #tpu.memory_space<hbm>> -> memref<10000x32xf32, #tpu.memory_space<hbm>>
    tpu.enqueue_indirect_dma source(%dma_start3A_89 : memref<10000x32xf32, #tpu.memory_space<hbm>>) target(%dma_start3A_83 : memref<128x32xf32, #tpu.memory_space<vmem>>) offsets(%dma_start3A_86 : memref<128xi32, #tpu.memory_space<vmem>>) semaphore(%arg7 : memref<!tpu.dma_semaphore, #tpu.memory_space<semaphore_mem>>)
    %dma_start3A_90 = arith.constant 9 : i32
    %dma_start3A_91 = arith.constant 1152 : i32
    %dma_start3A_92 = arith.constant 0 : i32
    %dma_start3A_93 = tpu.memref_slice %arg6[%dma_start3A_91, %dma_start3A_92] : memref<2560x32xf32, #tpu.memory_space<vmem>> -> memref<128x32xf32, #tpu.memory_space<vmem>>
    %dma_start3A_94 = arith.constant 0 : i32
    %dma_start3A_95 = tpu.memref_slice %arg5[%dma_start3A_90, %dma_start3A_94] : memref<20x128xi32, #tpu.memory_space<vmem>> -> memref<1x128xi32, #tpu.memory_space<vmem>>
    %dma_start3A_96 = tpu.memref_squeeze %dma_start3A_95 : memref<1x128xi32, #tpu.memory_space<vmem>> -> memref<128xi32, #tpu.memory_space<vmem>>
    %dma_start3A_97 = arith.constant 0 : i32
    %dma_start3A_98 = arith.constant 0 : i32
    %dma_start3A_99 = tpu.memref_slice %arg2[%dma_start3A_97, %dma_start3A_98] : memref<10000x32xf32, #tpu.memory_space<hbm>> -> memref<10000x32xf32, #tpu.memory_space<hbm>>
    tpu.enqueue_indirect_dma source(%dma_start3A_99 : memref<10000x32xf32, #tpu.memory_space<hbm>>) target(%dma_start3A_93 : memref<128x32xf32, #tpu.memory_space<vmem>>) offsets(%dma_start3A_96 : memref<128xi32, #tpu.memory_space<vmem>>) semaphore(%arg7 : memref<!tpu.dma_semaphore, #tpu.memory_space<semaphore_mem>>)
    %dma_start3A_100 = arith.constant 10 : i32
    %dma_start3A_101 = arith.constant 1280 : i32
    %dma_start3A_102 = arith.constant 0 : i32
    %dma_start3A_103 = tpu.memref_slice %arg6[%dma_start3A_101, %dma_start3A_102] : memref<2560x32xf32, #tpu.memory_space<vmem>> -> memref<128x32xf32, #tpu.memory_space<vmem>>
    %dma_start3A_104 = arith.constant 0 : i32
    %dma_start3A_105 = tpu.memref_slice %arg5[%dma_start3A_100, %dma_start3A_104] : memref<20x128xi32, #tpu.memory_space<vmem>> -> memref<1x128xi32, #tpu.memory_space<vmem>>
    %dma_start3A_106 = tpu.memref_squeeze %dma_start3A_105 : memref<1x128xi32, #tpu.memory_space<vmem>> -> memref<128xi32, #tpu.memory_space<vmem>>
    %dma_start3A_107 = arith.constant 0 : i32
    %dma_start3A_108 = arith.constant 0 : i32
    %dma_start3A_109 = tpu.memref_slice %arg2[%dma_start3A_107, %dma_start3A_108] : memref<10000x32xf32, #tpu.memory_space<hbm>> -> memref<10000x32xf32, #tpu.memory_space<hbm>>
    tpu.enqueue_indirect_dma source(%dma_start3A_109 : memref<10000x32xf32, #tpu.memory_space<hbm>>) target(%dma_start3A_103 : memref<128x32xf32, #tpu.memory_space<vmem>>) offsets(%dma_start3A_106 : memref<128xi32, #tpu.memory_space<vmem>>) semaphore(%arg7 : memref<!tpu.dma_semaphore, #tpu.memory_space<semaphore_mem>>)
    %dma_start3A_110 = arith.constant 11 : i32
    %dma_start3A_111 = arith.constant 1408 : i32
    %dma_start3A_112 = arith.constant 0 : i32
    %dma_start3A_113 = tpu.memref_slice %arg6[%dma_start3A_111, %dma_start3A_112] : memref<2560x32xf32, #tpu.memory_space<vmem>> -> memref<128x32xf32, #tpu.memory_space<vmem>>
    %dma_start3A_114 = arith.constant 0 : i32
    %dma_start3A_115 = tpu.memref_slice %arg5[%dma_start3A_110, %dma_start3A_114] : memref<20x128xi32, #tpu.memory_space<vmem>> -> memref<1x128xi32, #tpu.memory_space<vmem>>
    %dma_start3A_116 = tpu.memref_squeeze %dma_start3A_115 : memref<1x128xi32, #tpu.memory_space<vmem>> -> memref<128xi32, #tpu.memory_space<vmem>>
    %dma_start3A_117 = arith.constant 0 : i32
    %dma_start3A_118 = arith.constant 0 : i32
    %dma_start3A_119 = tpu.memref_slice %arg2[%dma_start3A_117, %dma_start3A_118] : memref<10000x32xf32, #tpu.memory_space<hbm>> -> memref<10000x32xf32, #tpu.memory_space<hbm>>
    tpu.enqueue_indirect_dma source(%dma_start3A_119 : memref<10000x32xf32, #tpu.memory_space<hbm>>) target(%dma_start3A_113 : memref<128x32xf32, #tpu.memory_space<vmem>>) offsets(%dma_start3A_116 : memref<128xi32, #tpu.memory_space<vmem>>) semaphore(%arg7 : memref<!tpu.dma_semaphore, #tpu.memory_space<semaphore_mem>>)
    %dma_start3A_120 = arith.constant 12 : i32
    %dma_start3A_121 = arith.constant 1536 : i32
    %dma_start3A_122 = arith.constant 0 : i32
    %dma_start3A_123 = tpu.memref_slice %arg6[%dma_start3A_121, %dma_start3A_122] : memref<2560x32xf32, #tpu.memory_space<vmem>> -> memref<128x32xf32, #tpu.memory_space<vmem>>
    %dma_start3A_124 = arith.constant 0 : i32
    %dma_start3A_125 = tpu.memref_slice %arg5[%dma_start3A_120, %dma_start3A_124] : memref<20x128xi32, #tpu.memory_space<vmem>> -> memref<1x128xi32, #tpu.memory_space<vmem>>
    %dma_start3A_126 = tpu.memref_squeeze %dma_start3A_125 : memref<1x128xi32, #tpu.memory_space<vmem>> -> memref<128xi32, #tpu.memory_space<vmem>>
    %dma_start3A_127 = arith.constant 0 : i32
    %dma_start3A_128 = arith.constant 0 : i32
    %dma_start3A_129 = tpu.memref_slice %arg2[%dma_start3A_127, %dma_start3A_128] : memref<10000x32xf32, #tpu.memory_space<hbm>> -> memref<10000x32xf32, #tpu.memory_space<hbm>>
    tpu.enqueue_indirect_dma source(%dma_start3A_129 : memref<10000x32xf32, #tpu.memory_space<hbm>>) target(%dma_start3A_123 : memref<128x32xf32, #tpu.memory_space<vmem>>) offsets(%dma_start3A_126 : memref<128xi32, #tpu.memory_space<vmem>>) semaphore(%arg7 : memref<!tpu.dma_semaphore, #tpu.memory_space<semaphore_mem>>)
    %dma_start3A_130 = arith.constant 13 : i32
    %dma_start3A_131 = arith.constant 1664 : i32
    %dma_start3A_132 = arith.constant 0 : i32
    %dma_start3A_133 = tpu.memref_slice %arg6[%dma_start3A_131, %dma_start3A_132] : memref<2560x32xf32, #tpu.memory_space<vmem>> -> memref<128x32xf32, #tpu.memory_space<vmem>>
    %dma_start3A_134 = arith.constant 0 : i32
    %dma_start3A_135 = tpu.memref_slice %arg5[%dma_start3A_130, %dma_start3A_134] : memref<20x128xi32, #tpu.memory_space<vmem>> -> memref<1x128xi32, #tpu.memory_space<vmem>>
    %dma_start3A_136 = tpu.memref_squeeze %dma_start3A_135 : memref<1x128xi32, #tpu.memory_space<vmem>> -> memref<128xi32, #tpu.memory_space<vmem>>
    %dma_start3A_137 = arith.constant 0 : i32
    %dma_start3A_138 = arith.constant 0 : i32
    %dma_start3A_139 = tpu.memref_slice %arg2[%dma_start3A_137, %dma_start3A_138] : memref<10000x32xf32, #tpu.memory_space<hbm>> -> memref<10000x32xf32, #tpu.memory_space<hbm>>
    tpu.enqueue_indirect_dma source(%dma_start3A_139 : memref<10000x32xf32, #tpu.memory_space<hbm>>) target(%dma_start3A_133 : memref<128x32xf32, #tpu.memory_space<vmem>>) offsets(%dma_start3A_136 : memref<128xi32, #tpu.memory_space<vmem>>) semaphore(%arg7 : memref<!tpu.dma_semaphore, #tpu.memory_space<semaphore_mem>>)
    %dma_start3A_140 = arith.constant 14 : i32
    %dma_start3A_141 = arith.constant 1792 : i32
    %dma_start3A_142 = arith.constant 0 : i32
    %dma_start3A_143 = tpu.memref_slice %arg6[%dma_start3A_141, %dma_start3A_142] : memref<2560x32xf32, #tpu.memory_space<vmem>> -> memref<128x32xf32, #tpu.memory_space<vmem>>
    %dma_start3A_144 = arith.constant 0 : i32
    %dma_start3A_145 = tpu.memref_slice %arg5[%dma_start3A_140, %dma_start3A_144] : memref<20x128xi32, #tpu.memory_space<vmem>> -> memref<1x128xi32, #tpu.memory_space<vmem>>
    %dma_start3A_146 = tpu.memref_squeeze %dma_start3A_145 : memref<1x128xi32, #tpu.memory_space<vmem>> -> memref<128xi32, #tpu.memory_space<vmem>>
    %dma_start3A_147 = arith.constant 0 : i32
    %dma_start3A_148 = arith.constant 0 : i32
    %dma_start3A_149 = tpu.memref_slice %arg2[%dma_start3A_147, %dma_start3A_148] : memref<10000x32xf32, #tpu.memory_space<hbm>> -> memref<10000x32xf32, #tpu.memory_space<hbm>>
    tpu.enqueue_indirect_dma source(%dma_start3A_149 : memref<10000x32xf32, #tpu.memory_space<hbm>>) target(%dma_start3A_143 : memref<128x32xf32, #tpu.memory_space<vmem>>) offsets(%dma_start3A_146 : memref<128xi32, #tpu.memory_space<vmem>>) semaphore(%arg7 : memref<!tpu.dma_semaphore, #tpu.memory_space<semaphore_mem>>)
    %dma_start3A_150 = arith.constant 15 : i32
    %dma_start3A_151 = arith.constant 1920 : i32
    %dma_start3A_152 = arith.constant 0 : i32
    %dma_start3A_153 = tpu.memref_slice %arg6[%dma_start3A_151, %dma_start3A_152] : memref<2560x32xf32, #tpu.memory_space<vmem>> -> memref<128x32xf32, #tpu.memory_space<vmem>>
    %dma_start3A_154 = arith.constant 0 : i32
    %dma_start3A_155 = tpu.memref_slice %arg5[%dma_start3A_150, %dma_start3A_154] : memref<20x128xi32, #tpu.memory_space<vmem>> -> memref<1x128xi32, #tpu.memory_space<vmem>>
    %dma_start3A_156 = tpu.memref_squeeze %dma_start3A_155 : memref<1x128xi32, #tpu.memory_space<vmem>> -> memref<128xi32, #tpu.memory_space<vmem>>
    %dma_start3A_157 = arith.constant 0 : i32
    %dma_start3A_158 = arith.constant 0 : i32
    %dma_start3A_159 = tpu.memref_slice %arg2[%dma_start3A_157, %dma_start3A_158] : memref<10000x32xf32, #tpu.memory_space<hbm>> -> memref<10000x32xf32, #tpu.memory_space<hbm>>
    tpu.enqueue_indirect_dma source(%dma_start3A_159 : memref<10000x32xf32, #tpu.memory_space<hbm>>) target(%dma_start3A_153 : memref<128x32xf32, #tpu.memory_space<vmem>>) offsets(%dma_start3A_156 : memref<128xi32, #tpu.memory_space<vmem>>) semaphore(%arg7 : memref<!tpu.dma_semaphore, #tpu.memory_space<semaphore_mem>>)
    %dma_start3A_160 = arith.constant 16 : i32
    %dma_start3A_161 = arith.constant 2048 : i32
    %dma_start3A_162 = arith.constant 0 : i32
    %dma_start3A_163 = tpu.memref_slice %arg6[%dma_start3A_161, %dma_start3A_162] : memref<2560x32xf32, #tpu.memory_space<vmem>> -> memref<128x32xf32, #tpu.memory_space<vmem>>
    %dma_start3A_164 = arith.constant 0 : i32
    %dma_start3A_165 = tpu.memref_slice %arg5[%dma_start3A_160, %dma_start3A_164] : memref<20x128xi32, #tpu.memory_space<vmem>> -> memref<1x128xi32, #tpu.memory_space<vmem>>
    %dma_start3A_166 = tpu.memref_squeeze %dma_start3A_165 : memref<1x128xi32, #tpu.memory_space<vmem>> -> memref<128xi32, #tpu.memory_space<vmem>>
    %dma_start3A_167 = arith.constant 0 : i32
    %dma_start3A_168 = arith.constant 0 : i32
    %dma_start3A_169 = tpu.memref_slice %arg2[%dma_start3A_167, %dma_start3A_168] : memref<10000x32xf32, #tpu.memory_space<hbm>> -> memref<10000x32xf32, #tpu.memory_space<hbm>>
    tpu.enqueue_indirect_dma source(%dma_start3A_169 : memref<10000x32xf32, #tpu.memory_space<hbm>>) target(%dma_start3A_163 : memref<128x32xf32, #tpu.memory_space<vmem>>) offsets(%dma_start3A_166 : memref<128xi32, #tpu.memory_space<vmem>>) semaphore(%arg7 : memref<!tpu.dma_semaphore, #tpu.memory_space<semaphore_mem>>)
    %dma_start3A_170 = arith.constant 17 : i32
    %dma_start3A_171 = arith.constant 2176 : i32
    %dma_start3A_172 = arith.constant 0 : i32
    %dma_start3A_173 = tpu.memref_slice %arg6[%dma_start3A_171, %dma_start3A_172] : memref<2560x32xf32, #tpu.memory_space<vmem>> -> memref<128x32xf32, #tpu.memory_space<vmem>>
    %dma_start3A_174 = arith.constant 0 : i32
    %dma_start3A_175 = tpu.memref_slice %arg5[%dma_start3A_170, %dma_start3A_174] : memref<20x128xi32, #tpu.memory_space<vmem>> -> memref<1x128xi32, #tpu.memory_space<vmem>>
    %dma_start3A_176 = tpu.memref_squeeze %dma_start3A_175 : memref<1x128xi32, #tpu.memory_space<vmem>> -> memref<128xi32, #tpu.memory_space<vmem>>
    %dma_start3A_177 = arith.constant 0 : i32
    %dma_start3A_178 = arith.constant 0 : i32
    %dma_start3A_179 = tpu.memref_slice %arg2[%dma_start3A_177, %dma_start3A_178] : memref<10000x32xf32, #tpu.memory_space<hbm>> -> memref<10000x32xf32, #tpu.memory_space<hbm>>
    tpu.enqueue_indirect_dma source(%dma_start3A_179 : memref<10000x32xf32, #tpu.memory_space<hbm>>) target(%dma_start3A_173 : memref<128x32xf32, #tpu.memory_space<vmem>>) offsets(%dma_start3A_176 : memref<128xi32, #tpu.memory_space<vmem>>) semaphore(%arg7 : memref<!tpu.dma_semaphore, #tpu.memory_space<semaphore_mem>>)
    %dma_start3A_180 = arith.constant 18 : i32
    %dma_start3A_181 = arith.constant 2304 : i32
    %dma_start3A_182 = arith.constant 0 : i32
    %dma_start3A_183 = tpu.memref_slice %arg6[%dma_start3A_181, %dma_start3A_182] : memref<2560x32xf32, #tpu.memory_space<vmem>> -> memref<128x32xf32, #tpu.memory_space<vmem>>
    %dma_start3A_184 = arith.constant 0 : i32
    %dma_start3A_185 = tpu.memref_slice %arg5[%dma_start3A_180, %dma_start3A_184] : memref<20x128xi32, #tpu.memory_space<vmem>> -> memref<1x128xi32, #tpu.memory_space<vmem>>
    %dma_start3A_186 = tpu.memref_squeeze %dma_start3A_185 : memref<1x128xi32, #tpu.memory_space<vmem>> -> memref<128xi32, #tpu.memory_space<vmem>>
    %dma_start3A_187 = arith.constant 0 : i32
    %dma_start3A_188 = arith.constant 0 : i32
    %dma_start3A_189 = tpu.memref_slice %arg2[%dma_start3A_187, %dma_start3A_188] : memref<10000x32xf32, #tpu.memory_space<hbm>> -> memref<10000x32xf32, #tpu.memory_space<hbm>>
    tpu.enqueue_indirect_dma source(%dma_start3A_189 : memref<10000x32xf32, #tpu.memory_space<hbm>>) target(%dma_start3A_183 : memref<128x32xf32, #tpu.memory_space<vmem>>) offsets(%dma_start3A_186 : memref<128xi32, #tpu.memory_space<vmem>>) semaphore(%arg7 : memref<!tpu.dma_semaphore, #tpu.memory_space<semaphore_mem>>)
    %dma_start3A_190 = arith.constant 19 : i32
    %dma_start3A_191 = arith.constant 2432 : i32
    %dma_start3A_192 = arith.constant 0 : i32
    %dma_start3A_193 = tpu.memref_slice %arg6[%dma_start3A_191, %dma_start3A_192] : memref<2560x32xf32, #tpu.memory_space<vmem>> -> memref<128x32xf32, #tpu.memory_space<vmem>>
    %dma_start3A_194 = arith.constant 0 : i32
    %dma_start3A_195 = tpu.memref_slice %arg5[%dma_start3A_190, %dma_start3A_194] : memref<20x128xi32, #tpu.memory_space<vmem>> -> memref<1x128xi32, #tpu.memory_space<vmem>>
    %dma_start3A_196 = tpu.memref_squeeze %dma_start3A_195 : memref<1x128xi32, #tpu.memory_space<vmem>> -> memref<128xi32, #tpu.memory_space<vmem>>
    %dma_start3A_197 = arith.constant 0 : i32
    %dma_start3A_198 = arith.constant 0 : i32
    %dma_start3A_199 = tpu.memref_slice %arg2[%dma_start3A_197, %dma_start3A_198] : memref<10000x32xf32, #tpu.memory_space<hbm>> -> memref<10000x32xf32, #tpu.memory_space<hbm>>
    tpu.enqueue_indirect_dma source(%dma_start3A_199 : memref<10000x32xf32, #tpu.memory_space<hbm>>) target(%dma_start3A_193 : memref<128x32xf32, #tpu.memory_space<vmem>>) offsets(%dma_start3A_196 : memref<128xi32, #tpu.memory_space<vmem>>) semaphore(%arg7 : memref<!tpu.dma_semaphore, #tpu.memory_space<semaphore_mem>>)
    %dma_wait3A = arith.constant 0 : i32
    %dma_wait3A_200 = arith.constant 0 : i32
    %dma_wait3A_201 = arith.constant 0 : i32
    %dma_wait3A_202 = tpu.memref_slice %arg6[%dma_wait3A_200, %dma_wait3A_201] : memref<2560x32xf32, #tpu.memory_space<vmem>> -> memref<128x32xf32, #tpu.memory_space<vmem>>
    %dma_wait3A_203 = arith.constant 0 : i32
    %dma_wait3A_204 = tpu.memref_slice %arg5[%dma_wait3A, %dma_wait3A_203] : memref<20x128xi32, #tpu.memory_space<vmem>> -> memref<1x128xi32, #tpu.memory_space<vmem>>
    %dma_wait3A_205 = tpu.memref_squeeze %dma_wait3A_204 : memref<1x128xi32, #tpu.memory_space<vmem>> -> memref<128xi32, #tpu.memory_space<vmem>>
    %dma_wait3A_206 = arith.constant 0 : i32
    %dma_wait3A_207 = arith.constant 0 : i32
    %dma_wait3A_208 = tpu.memref_slice %arg2[%dma_wait3A_206, %dma_wait3A_207] : memref<10000x32xf32, #tpu.memory_space<hbm>> -> memref<10000x32xf32, #tpu.memory_space<hbm>>
    tpu.wait_indirect_dma semaphore(%arg7 : memref<!tpu.dma_semaphore, #tpu.memory_space<semaphore_mem>>) src(%dma_wait3A_208 : memref<10000x32xf32, #tpu.memory_space<hbm>>) dst(%dma_wait3A_202 : memref<128x32xf32, #tpu.memory_space<vmem>>)
    %dma_wait3A_209 = arith.constant 1 : i32
    %dma_wait3A_210 = arith.constant 128 : i32
    %dma_wait3A_211 = arith.constant 0 : i32
    %dma_wait3A_212 = tpu.memref_slice %arg6[%dma_wait3A_210, %dma_wait3A_211] : memref<2560x32xf32, #tpu.memory_space<vmem>> -> memref<128x32xf32, #tpu.memory_space<vmem>>
    %dma_wait3A_213 = arith.constant 0 : i32
    %dma_wait3A_214 = tpu.memref_slice %arg5[%dma_wait3A_209, %dma_wait3A_213] : memref<20x128xi32, #tpu.memory_space<vmem>> -> memref<1x128xi32, #tpu.memory_space<vmem>>
    %dma_wait3A_215 = tpu.memref_squeeze %dma_wait3A_214 : memref<1x128xi32, #tpu.memory_space<vmem>> -> memref<128xi32, #tpu.memory_space<vmem>>
    %dma_wait3A_216 = arith.constant 0 : i32
    %dma_wait3A_217 = arith.constant 0 : i32
    %dma_wait3A_218 = tpu.memref_slice %arg2[%dma_wait3A_216, %dma_wait3A_217] : memref<10000x32xf32, #tpu.memory_space<hbm>> -> memref<10000x32xf32, #tpu.memory_space<hbm>>
    tpu.wait_indirect_dma semaphore(%arg7 : memref<!tpu.dma_semaphore, #tpu.memory_space<semaphore_mem>>) src(%dma_wait3A_218 : memref<10000x32xf32, #tpu.memory_space<hbm>>) dst(%dma_wait3A_212 : memref<128x32xf32, #tpu.memory_space<vmem>>)
    %dma_wait3A_219 = arith.constant 2 : i32
    %dma_wait3A_220 = arith.constant 256 : i32
    %dma_wait3A_221 = arith.constant 0 : i32
    %dma_wait3A_222 = tpu.memref_slice %arg6[%dma_wait3A_220, %dma_wait3A_221] : memref<2560x32xf32, #tpu.memory_space<vmem>> -> memref<128x32xf32, #tpu.memory_space<vmem>>
    %dma_wait3A_223 = arith.constant 0 : i32
    %dma_wait3A_224 = tpu.memref_slice %arg5[%dma_wait3A_219, %dma_wait3A_223] : memref<20x128xi32, #tpu.memory_space<vmem>> -> memref<1x128xi32, #tpu.memory_space<vmem>>
    %dma_wait3A_225 = tpu.memref_squeeze %dma_wait3A_224 : memref<1x128xi32, #tpu.memory_space<vmem>> -> memref<128xi32, #tpu.memory_space<vmem>>
    %dma_wait3A_226 = arith.constant 0 : i32
    %dma_wait3A_227 = arith.constant 0 : i32
    %dma_wait3A_228 = tpu.memref_slice %arg2[%dma_wait3A_226, %dma_wait3A_227] : memref<10000x32xf32, #tpu.memory_space<hbm>> -> memref<10000x32xf32, #tpu.memory_space<hbm>>
    tpu.wait_indirect_dma semaphore(%arg7 : memref<!tpu.dma_semaphore, #tpu.memory_space<semaphore_mem>>) src(%dma_wait3A_228 : memref<10000x32xf32, #tpu.memory_space<hbm>>) dst(%dma_wait3A_222 : memref<128x32xf32, #tpu.memory_space<vmem>>)
    %dma_wait3A_229 = arith.constant 3 : i32
    %dma_wait3A_230 = arith.constant 384 : i32
    %dma_wait3A_231 = arith.constant 0 : i32
    %dma_wait3A_232 = tpu.memref_slice %arg6[%dma_wait3A_230, %dma_wait3A_231] : memref<2560x32xf32, #tpu.memory_space<vmem>> -> memref<128x32xf32, #tpu.memory_space<vmem>>
    %dma_wait3A_233 = arith.constant 0 : i32
    %dma_wait3A_234 = tpu.memref_slice %arg5[%dma_wait3A_229, %dma_wait3A_233] : memref<20x128xi32, #tpu.memory_space<vmem>> -> memref<1x128xi32, #tpu.memory_space<vmem>>
    %dma_wait3A_235 = tpu.memref_squeeze %dma_wait3A_234 : memref<1x128xi32, #tpu.memory_space<vmem>> -> memref<128xi32, #tpu.memory_space<vmem>>
    %dma_wait3A_236 = arith.constant 0 : i32
    %dma_wait3A_237 = arith.constant 0 : i32
    %dma_wait3A_238 = tpu.memref_slice %arg2[%dma_wait3A_236, %dma_wait3A_237] : memref<10000x32xf32, #tpu.memory_space<hbm>> -> memref<10000x32xf32, #tpu.memory_space<hbm>>
    tpu.wait_indirect_dma semaphore(%arg7 : memref<!tpu.dma_semaphore, #tpu.memory_space<semaphore_mem>>) src(%dma_wait3A_238 : memref<10000x32xf32, #tpu.memory_space<hbm>>) dst(%dma_wait3A_232 : memref<128x32xf32, #tpu.memory_space<vmem>>)
    %dma_wait3A_239 = arith.constant 4 : i32
    %dma_wait3A_240 = arith.constant 512 : i32
    %dma_wait3A_241 = arith.constant 0 : i32
    %dma_wait3A_242 = tpu.memref_slice %arg6[%dma_wait3A_240, %dma_wait3A_241] : memref<2560x32xf32, #tpu.memory_space<vmem>> -> memref<128x32xf32, #tpu.memory_space<vmem>>
    %dma_wait3A_243 = arith.constant 0 : i32
    %dma_wait3A_244 = tpu.memref_slice %arg5[%dma_wait3A_239, %dma_wait3A_243] : memref<20x128xi32, #tpu.memory_space<vmem>> -> memref<1x128xi32, #tpu.memory_space<vmem>>
    %dma_wait3A_245 = tpu.memref_squeeze %dma_wait3A_244 : memref<1x128xi32, #tpu.memory_space<vmem>> -> memref<128xi32, #tpu.memory_space<vmem>>
    %dma_wait3A_246 = arith.constant 0 : i32
    %dma_wait3A_247 = arith.constant 0 : i32
    %dma_wait3A_248 = tpu.memref_slice %arg2[%dma_wait3A_246, %dma_wait3A_247] : memref<10000x32xf32, #tpu.memory_space<hbm>> -> memref<10000x32xf32, #tpu.memory_space<hbm>>
    tpu.wait_indirect_dma semaphore(%arg7 : memref<!tpu.dma_semaphore, #tpu.memory_space<semaphore_mem>>) src(%dma_wait3A_248 : memref<10000x32xf32, #tpu.memory_space<hbm>>) dst(%dma_wait3A_242 : memref<128x32xf32, #tpu.memory_space<vmem>>)
    %dma_wait3A_249 = arith.constant 5 : i32
    %dma_wait3A_250 = arith.constant 640 : i32
    %dma_wait3A_251 = arith.constant 0 : i32
    %dma_wait3A_252 = tpu.memref_slice %arg6[%dma_wait3A_250, %dma_wait3A_251] : memref<2560x32xf32, #tpu.memory_space<vmem>> -> memref<128x32xf32, #tpu.memory_space<vmem>>
    %dma_wait3A_253 = arith.constant 0 : i32
    %dma_wait3A_254 = tpu.memref_slice %arg5[%dma_wait3A_249, %dma_wait3A_253] : memref<20x128xi32, #tpu.memory_space<vmem>> -> memref<1x128xi32, #tpu.memory_space<vmem>>
    %dma_wait3A_255 = tpu.memref_squeeze %dma_wait3A_254 : memref<1x128xi32, #tpu.memory_space<vmem>> -> memref<128xi32, #tpu.memory_space<vmem>>
    %dma_wait3A_256 = arith.constant 0 : i32
    %dma_wait3A_257 = arith.constant 0 : i32
    %dma_wait3A_258 = tpu.memref_slice %arg2[%dma_wait3A_256, %dma_wait3A_257] : memref<10000x32xf32, #tpu.memory_space<hbm>> -> memref<10000x32xf32, #tpu.memory_space<hbm>>
    tpu.wait_indirect_dma semaphore(%arg7 : memref<!tpu.dma_semaphore, #tpu.memory_space<semaphore_mem>>) src(%dma_wait3A_258 : memref<10000x32xf32, #tpu.memory_space<hbm>>) dst(%dma_wait3A_252 : memref<128x32xf32, #tpu.memory_space<vmem>>)
    %dma_wait3A_259 = arith.constant 6 : i32
    %dma_wait3A_260 = arith.constant 768 : i32
    %dma_wait3A_261 = arith.constant 0 : i32
    %dma_wait3A_262 = tpu.memref_slice %arg6[%dma_wait3A_260, %dma_wait3A_261] : memref<2560x32xf32, #tpu.memory_space<vmem>> -> memref<128x32xf32, #tpu.memory_space<vmem>>
    %dma_wait3A_263 = arith.constant 0 : i32
    %dma_wait3A_264 = tpu.memref_slice %arg5[%dma_wait3A_259, %dma_wait3A_263] : memref<20x128xi32, #tpu.memory_space<vmem>> -> memref<1x128xi32, #tpu.memory_space<vmem>>
    %dma_wait3A_265 = tpu.memref_squeeze %dma_wait3A_264 : memref<1x128xi32, #tpu.memory_space<vmem>> -> memref<128xi32, #tpu.memory_space<vmem>>
    %dma_wait3A_266 = arith.constant 0 : i32
    %dma_wait3A_267 = arith.constant 0 : i32
    %dma_wait3A_268 = tpu.memref_slice %arg2[%dma_wait3A_266, %dma_wait3A_267] : memref<10000x32xf32, #tpu.memory_space<hbm>> -> memref<10000x32xf32, #tpu.memory_space<hbm>>
    tpu.wait_indirect_dma semaphore(%arg7 : memref<!tpu.dma_semaphore, #tpu.memory_space<semaphore_mem>>) src(%dma_wait3A_268 : memref<10000x32xf32, #tpu.memory_space<hbm>>) dst(%dma_wait3A_262 : memref<128x32xf32, #tpu.memory_space<vmem>>)
    %dma_wait3A_269 = arith.constant 7 : i32
    %dma_wait3A_270 = arith.constant 896 : i32
    %dma_wait3A_271 = arith.constant 0 : i32
    %dma_wait3A_272 = tpu.memref_slice %arg6[%dma_wait3A_270, %dma_wait3A_271] : memref<2560x32xf32, #tpu.memory_space<vmem>> -> memref<128x32xf32, #tpu.memory_space<vmem>>
    %dma_wait3A_273 = arith.constant 0 : i32
    %dma_wait3A_274 = tpu.memref_slice %arg5[%dma_wait3A_269, %dma_wait3A_273] : memref<20x128xi32, #tpu.memory_space<vmem>> -> memref<1x128xi32, #tpu.memory_space<vmem>>
    %dma_wait3A_275 = tpu.memref_squeeze %dma_wait3A_274 : memref<1x128xi32, #tpu.memory_space<vmem>> -> memref<128xi32, #tpu.memory_space<vmem>>
    %dma_wait3A_276 = arith.constant 0 : i32
    %dma_wait3A_277 = arith.constant 0 : i32
    %dma_wait3A_278 = tpu.memref_slice %arg2[%dma_wait3A_276, %dma_wait3A_277] : memref<10000x32xf32, #tpu.memory_space<hbm>> -> memref<10000x32xf32, #tpu.memory_space<hbm>>
    tpu.wait_indirect_dma semaphore(%arg7 : memref<!tpu.dma_semaphore, #tpu.memory_space<semaphore_mem>>) src(%dma_wait3A_278 : memref<10000x32xf32, #tpu.memory_space<hbm>>) dst(%dma_wait3A_272 : memref<128x32xf32, #tpu.memory_space<vmem>>)
    %dma_wait3A_279 = arith.constant 8 : i32
    %dma_wait3A_280 = arith.constant 1024 : i32
    %dma_wait3A_281 = arith.constant 0 : i32
    %dma_wait3A_282 = tpu.memref_slice %arg6[%dma_wait3A_280, %dma_wait3A_281] : memref<2560x32xf32, #tpu.memory_space<vmem>> -> memref<128x32xf32, #tpu.memory_space<vmem>>
    %dma_wait3A_283 = arith.constant 0 : i32
    %dma_wait3A_284 = tpu.memref_slice %arg5[%dma_wait3A_279, %dma_wait3A_283] : memref<20x128xi32, #tpu.memory_space<vmem>> -> memref<1x128xi32, #tpu.memory_space<vmem>>
    %dma_wait3A_285 = tpu.memref_squeeze %dma_wait3A_284 : memref<1x128xi32, #tpu.memory_space<vmem>> -> memref<128xi32, #tpu.memory_space<vmem>>
    %dma_wait3A_286 = arith.constant 0 : i32
    %dma_wait3A_287 = arith.constant 0 : i32
    %dma_wait3A_288 = tpu.memref_slice %arg2[%dma_wait3A_286, %dma_wait3A_287] : memref<10000x32xf32, #tpu.memory_space<hbm>> -> memref<10000x32xf32, #tpu.memory_space<hbm>>
    tpu.wait_indirect_dma semaphore(%arg7 : memref<!tpu.dma_semaphore, #tpu.memory_space<semaphore_mem>>) src(%dma_wait3A_288 : memref<10000x32xf32, #tpu.memory_space<hbm>>) dst(%dma_wait3A_282 : memref<128x32xf32, #tpu.memory_space<vmem>>)
    %dma_wait3A_289 = arith.constant 9 : i32
    %dma_wait3A_290 = arith.constant 1152 : i32
    %dma_wait3A_291 = arith.constant 0 : i32
    %dma_wait3A_292 = tpu.memref_slice %arg6[%dma_wait3A_290, %dma_wait3A_291] : memref<2560x32xf32, #tpu.memory_space<vmem>> -> memref<128x32xf32, #tpu.memory_space<vmem>>
    %dma_wait3A_293 = arith.constant 0 : i32
    %dma_wait3A_294 = tpu.memref_slice %arg5[%dma_wait3A_289, %dma_wait3A_293] : memref<20x128xi32, #tpu.memory_space<vmem>> -> memref<1x128xi32, #tpu.memory_space<vmem>>
    %dma_wait3A_295 = tpu.memref_squeeze %dma_wait3A_294 : memref<1x128xi32, #tpu.memory_space<vmem>> -> memref<128xi32, #tpu.memory_space<vmem>>
    %dma_wait3A_296 = arith.constant 0 : i32
    %dma_wait3A_297 = arith.constant 0 : i32
    %dma_wait3A_298 = tpu.memref_slice %arg2[%dma_wait3A_296, %dma_wait3A_297] : memref<10000x32xf32, #tpu.memory_space<hbm>> -> memref<10000x32xf32, #tpu.memory_space<hbm>>
    tpu.wait_indirect_dma semaphore(%arg7 : memref<!tpu.dma_semaphore, #tpu.memory_space<semaphore_mem>>) src(%dma_wait3A_298 : memref<10000x32xf32, #tpu.memory_space<hbm>>) dst(%dma_wait3A_292 : memref<128x32xf32, #tpu.memory_space<vmem>>)
    %dma_wait3A_299 = arith.constant 10 : i32
    %dma_wait3A_300 = arith.constant 1280 : i32
    %dma_wait3A_301 = arith.constant 0 : i32
    %dma_wait3A_302 = tpu.memref_slice %arg6[%dma_wait3A_300, %dma_wait3A_301] : memref<2560x32xf32, #tpu.memory_space<vmem>> -> memref<128x32xf32, #tpu.memory_space<vmem>>
    %dma_wait3A_303 = arith.constant 0 : i32
    %dma_wait3A_304 = tpu.memref_slice %arg5[%dma_wait3A_299, %dma_wait3A_303] : memref<20x128xi32, #tpu.memory_space<vmem>> -> memref<1x128xi32, #tpu.memory_space<vmem>>
    %dma_wait3A_305 = tpu.memref_squeeze %dma_wait3A_304 : memref<1x128xi32, #tpu.memory_space<vmem>> -> memref<128xi32, #tpu.memory_space<vmem>>
    %dma_wait3A_306 = arith.constant 0 : i32
    %dma_wait3A_307 = arith.constant 0 : i32
    %dma_wait3A_308 = tpu.memref_slice %arg2[%dma_wait3A_306, %dma_wait3A_307] : memref<10000x32xf32, #tpu.memory_space<hbm>> -> memref<10000x32xf32, #tpu.memory_space<hbm>>
    tpu.wait_indirect_dma semaphore(%arg7 : memref<!tpu.dma_semaphore, #tpu.memory_space<semaphore_mem>>) src(%dma_wait3A_308 : memref<10000x32xf32, #tpu.memory_space<hbm>>) dst(%dma_wait3A_302 : memref<128x32xf32, #tpu.memory_space<vmem>>)
    %dma_wait3A_309 = arith.constant 11 : i32
    %dma_wait3A_310 = arith.constant 1408 : i32
    %dma_wait3A_311 = arith.constant 0 : i32
    %dma_wait3A_312 = tpu.memref_slice %arg6[%dma_wait3A_310, %dma_wait3A_311] : memref<2560x32xf32, #tpu.memory_space<vmem>> -> memref<128x32xf32, #tpu.memory_space<vmem>>
    %dma_wait3A_313 = arith.constant 0 : i32
    %dma_wait3A_314 = tpu.memref_slice %arg5[%dma_wait3A_309, %dma_wait3A_313] : memref<20x128xi32, #tpu.memory_space<vmem>> -> memref<1x128xi32, #tpu.memory_space<vmem>>
    %dma_wait3A_315 = tpu.memref_squeeze %dma_wait3A_314 : memref<1x128xi32, #tpu.memory_space<vmem>> -> memref<128xi32, #tpu.memory_space<vmem>>
    %dma_wait3A_316 = arith.constant 0 : i32
    %dma_wait3A_317 = arith.constant 0 : i32
    %dma_wait3A_318 = tpu.memref_slice %arg2[%dma_wait3A_316, %dma_wait3A_317] : memref<10000x32xf32, #tpu.memory_space<hbm>> -> memref<10000x32xf32, #tpu.memory_space<hbm>>
    tpu.wait_indirect_dma semaphore(%arg7 : memref<!tpu.dma_semaphore, #tpu.memory_space<semaphore_mem>>) src(%dma_wait3A_318 : memref<10000x32xf32, #tpu.memory_space<hbm>>) dst(%dma_wait3A_312 : memref<128x32xf32, #tpu.memory_space<vmem>>)
    %dma_wait3A_319 = arith.constant 12 : i32
    %dma_wait3A_320 = arith.constant 1536 : i32
    %dma_wait3A_321 = arith.constant 0 : i32
    %dma_wait3A_322 = tpu.memref_slice %arg6[%dma_wait3A_320, %dma_wait3A_321] : memref<2560x32xf32, #tpu.memory_space<vmem>> -> memref<128x32xf32, #tpu.memory_space<vmem>>
    %dma_wait3A_323 = arith.constant 0 : i32
    %dma_wait3A_324 = tpu.memref_slice %arg5[%dma_wait3A_319, %dma_wait3A_323] : memref<20x128xi32, #tpu.memory_space<vmem>> -> memref<1x128xi32, #tpu.memory_space<vmem>>
    %dma_wait3A_325 = tpu.memref_squeeze %dma_wait3A_324 : memref<1x128xi32, #tpu.memory_space<vmem>> -> memref<128xi32, #tpu.memory_space<vmem>>
    %dma_wait3A_326 = arith.constant 0 : i32
    %dma_wait3A_327 = arith.constant 0 : i32
    %dma_wait3A_328 = tpu.memref_slice %arg2[%dma_wait3A_326, %dma_wait3A_327] : memref<10000x32xf32, #tpu.memory_space<hbm>> -> memref<10000x32xf32, #tpu.memory_space<hbm>>
    tpu.wait_indirect_dma semaphore(%arg7 : memref<!tpu.dma_semaphore, #tpu.memory_space<semaphore_mem>>) src(%dma_wait3A_328 : memref<10000x32xf32, #tpu.memory_space<hbm>>) dst(%dma_wait3A_322 : memref<128x32xf32, #tpu.memory_space<vmem>>)
    %dma_wait3A_329 = arith.constant 13 : i32
    %dma_wait3A_330 = arith.constant 1664 : i32
    %dma_wait3A_331 = arith.constant 0 : i32
    %dma_wait3A_332 = tpu.memref_slice %arg6[%dma_wait3A_330, %dma_wait3A_331] : memref<2560x32xf32, #tpu.memory_space<vmem>> -> memref<128x32xf32, #tpu.memory_space<vmem>>
    %dma_wait3A_333 = arith.constant 0 : i32
    %dma_wait3A_334 = tpu.memref_slice %arg5[%dma_wait3A_329, %dma_wait3A_333] : memref<20x128xi32, #tpu.memory_space<vmem>> -> memref<1x128xi32, #tpu.memory_space<vmem>>
    %dma_wait3A_335 = tpu.memref_squeeze %dma_wait3A_334 : memref<1x128xi32, #tpu.memory_space<vmem>> -> memref<128xi32, #tpu.memory_space<vmem>>
    %dma_wait3A_336 = arith.constant 0 : i32
    %dma_wait3A_337 = arith.constant 0 : i32
    %dma_wait3A_338 = tpu.memref_slice %arg2[%dma_wait3A_336, %dma_wait3A_337] : memref<10000x32xf32, #tpu.memory_space<hbm>> -> memref<10000x32xf32, #tpu.memory_space<hbm>>
    tpu.wait_indirect_dma semaphore(%arg7 : memref<!tpu.dma_semaphore, #tpu.memory_space<semaphore_mem>>) src(%dma_wait3A_338 : memref<10000x32xf32, #tpu.memory_space<hbm>>) dst(%dma_wait3A_332 : memref<128x32xf32, #tpu.memory_space<vmem>>)
    %dma_wait3A_339 = arith.constant 14 : i32
    %dma_wait3A_340 = arith.constant 1792 : i32
    %dma_wait3A_341 = arith.constant 0 : i32
    %dma_wait3A_342 = tpu.memref_slice %arg6[%dma_wait3A_340, %dma_wait3A_341] : memref<2560x32xf32, #tpu.memory_space<vmem>> -> memref<128x32xf32, #tpu.memory_space<vmem>>
    %dma_wait3A_343 = arith.constant 0 : i32
    %dma_wait3A_344 = tpu.memref_slice %arg5[%dma_wait3A_339, %dma_wait3A_343] : memref<20x128xi32, #tpu.memory_space<vmem>> -> memref<1x128xi32, #tpu.memory_space<vmem>>
    %dma_wait3A_345 = tpu.memref_squeeze %dma_wait3A_344 : memref<1x128xi32, #tpu.memory_space<vmem>> -> memref<128xi32, #tpu.memory_space<vmem>>
    %dma_wait3A_346 = arith.constant 0 : i32
    %dma_wait3A_347 = arith.constant 0 : i32
    %dma_wait3A_348 = tpu.memref_slice %arg2[%dma_wait3A_346, %dma_wait3A_347] : memref<10000x32xf32, #tpu.memory_space<hbm>> -> memref<10000x32xf32, #tpu.memory_space<hbm>>
    tpu.wait_indirect_dma semaphore(%arg7 : memref<!tpu.dma_semaphore, #tpu.memory_space<semaphore_mem>>) src(%dma_wait3A_348 : memref<10000x32xf32, #tpu.memory_space<hbm>>) dst(%dma_wait3A_342 : memref<128x32xf32, #tpu.memory_space<vmem>>)
    %dma_wait3A_349 = arith.constant 15 : i32
    %dma_wait3A_350 = arith.constant 1920 : i32
    %dma_wait3A_351 = arith.constant 0 : i32
    %dma_wait3A_352 = tpu.memref_slice %arg6[%dma_wait3A_350, %dma_wait3A_351] : memref<2560x32xf32, #tpu.memory_space<vmem>> -> memref<128x32xf32, #tpu.memory_space<vmem>>
    %dma_wait3A_353 = arith.constant 0 : i32
    %dma_wait3A_354 = tpu.memref_slice %arg5[%dma_wait3A_349, %dma_wait3A_353] : memref<20x128xi32, #tpu.memory_space<vmem>> -> memref<1x128xi32, #tpu.memory_space<vmem>>
    %dma_wait3A_355 = tpu.memref_squeeze %dma_wait3A_354 : memref<1x128xi32, #tpu.memory_space<vmem>> -> memref<128xi32, #tpu.memory_space<vmem>>
    %dma_wait3A_356 = arith.constant 0 : i32
    %dma_wait3A_357 = arith.constant 0 : i32
    %dma_wait3A_358 = tpu.memref_slice %arg2[%dma_wait3A_356, %dma_wait3A_357] : memref<10000x32xf32, #tpu.memory_space<hbm>> -> memref<10000x32xf32, #tpu.memory_space<hbm>>
    tpu.wait_indirect_dma semaphore(%arg7 : memref<!tpu.dma_semaphore, #tpu.memory_space<semaphore_mem>>) src(%dma_wait3A_358 : memref<10000x32xf32, #tpu.memory_space<hbm>>) dst(%dma_wait3A_352 : memref<128x32xf32, #tpu.memory_space<vmem>>)
    %dma_wait3A_359 = arith.constant 16 : i32
    %dma_wait3A_360 = arith.constant 2048 : i32
    %dma_wait3A_361 = arith.constant 0 : i32
    %dma_wait3A_362 = tpu.memref_slice %arg6[%dma_wait3A_360, %dma_wait3A_361] : memref<2560x32xf32, #tpu.memory_space<vmem>> -> memref<128x32xf32, #tpu.memory_space<vmem>>
    %dma_wait3A_363 = arith.constant 0 : i32
    %dma_wait3A_364 = tpu.memref_slice %arg5[%dma_wait3A_359, %dma_wait3A_363] : memref<20x128xi32, #tpu.memory_space<vmem>> -> memref<1x128xi32, #tpu.memory_space<vmem>>
    %dma_wait3A_365 = tpu.memref_squeeze %dma_wait3A_364 : memref<1x128xi32, #tpu.memory_space<vmem>> -> memref<128xi32, #tpu.memory_space<vmem>>
    %dma_wait3A_366 = arith.constant 0 : i32
    %dma_wait3A_367 = arith.constant 0 : i32
    %dma_wait3A_368 = tpu.memref_slice %arg2[%dma_wait3A_366, %dma_wait3A_367] : memref<10000x32xf32, #tpu.memory_space<hbm>> -> memref<10000x32xf32, #tpu.memory_space<hbm>>
    tpu.wait_indirect_dma semaphore(%arg7 : memref<!tpu.dma_semaphore, #tpu.memory_space<semaphore_mem>>) src(%dma_wait3A_368 : memref<10000x32xf32, #tpu.memory_space<hbm>>) dst(%dma_wait3A_362 : memref<128x32xf32, #tpu.memory_space<vmem>>)
    %dma_wait3A_369 = arith.constant 17 : i32
    %dma_wait3A_370 = arith.constant 2176 : i32
    %dma_wait3A_371 = arith.constant 0 : i32
    %dma_wait3A_372 = tpu.memref_slice %arg6[%dma_wait3A_370, %dma_wait3A_371] : memref<2560x32xf32, #tpu.memory_space<vmem>> -> memref<128x32xf32, #tpu.memory_space<vmem>>
    %dma_wait3A_373 = arith.constant 0 : i32
    %dma_wait3A_374 = tpu.memref_slice %arg5[%dma_wait3A_369, %dma_wait3A_373] : memref<20x128xi32, #tpu.memory_space<vmem>> -> memref<1x128xi32, #tpu.memory_space<vmem>>
    %dma_wait3A_375 = tpu.memref_squeeze %dma_wait3A_374 : memref<1x128xi32, #tpu.memory_space<vmem>> -> memref<128xi32, #tpu.memory_space<vmem>>
    %dma_wait3A_376 = arith.constant 0 : i32
    %dma_wait3A_377 = arith.constant 0 : i32
    %dma_wait3A_378 = tpu.memref_slice %arg2[%dma_wait3A_376, %dma_wait3A_377] : memref<10000x32xf32, #tpu.memory_space<hbm>> -> memref<10000x32xf32, #tpu.memory_space<hbm>>
    tpu.wait_indirect_dma semaphore(%arg7 : memref<!tpu.dma_semaphore, #tpu.memory_space<semaphore_mem>>) src(%dma_wait3A_378 : memref<10000x32xf32, #tpu.memory_space<hbm>>) dst(%dma_wait3A_372 : memref<128x32xf32, #tpu.memory_space<vmem>>)
    %dma_wait3A_379 = arith.constant 18 : i32
    %dma_wait3A_380 = arith.constant 2304 : i32
    %dma_wait3A_381 = arith.constant 0 : i32
    %dma_wait3A_382 = tpu.memref_slice %arg6[%dma_wait3A_380, %dma_wait3A_381] : memref<2560x32xf32, #tpu.memory_space<vmem>> -> memref<128x32xf32, #tpu.memory_space<vmem>>
    %dma_wait3A_383 = arith.constant 0 : i32
    %dma_wait3A_384 = tpu.memref_slice %arg5[%dma_wait3A_379, %dma_wait3A_383] : memref<20x128xi32, #tpu.memory_space<vmem>> -> memref<1x128xi32, #tpu.memory_space<vmem>>
    %dma_wait3A_385 = tpu.memref_squeeze %dma_wait3A_384 : memref<1x128xi32, #tpu.memory_space<vmem>> -> memref<128xi32, #tpu.memory_space<vmem>>
    %dma_wait3A_386 = arith.constant 0 : i32
    %dma_wait3A_387 = arith.constant 0 : i32
    %dma_wait3A_388 = tpu.memref_slice %arg2[%dma_wait3A_386, %dma_wait3A_387] : memref<10000x32xf32, #tpu.memory_space<hbm>> -> memref<10000x32xf32, #tpu.memory_space<hbm>>
    tpu.wait_indirect_dma semaphore(%arg7 : memref<!tpu.dma_semaphore, #tpu.memory_space<semaphore_mem>>) src(%dma_wait3A_388 : memref<10000x32xf32, #tpu.memory_space<hbm>>) dst(%dma_wait3A_382 : memref<128x32xf32, #tpu.memory_space<vmem>>)
    %dma_wait3A_389 = arith.constant 19 : i32
    %dma_wait3A_390 = arith.constant 2432 : i32
    %dma_wait3A_391 = arith.constant 0 : i32
    %dma_wait3A_392 = tpu.memref_slice %arg6[%dma_wait3A_390, %dma_wait3A_391] : memref<2560x32xf32, #tpu.memory_space<vmem>> -> memref<128x32xf32, #tpu.memory_space<vmem>>
    %dma_wait3A_393 = arith.constant 0 : i32
    %dma_wait3A_394 = tpu.memref_slice %arg5[%dma_wait3A_389, %dma_wait3A_393] : memref<20x128xi32, #tpu.memory_space<vmem>> -> memref<1x128xi32, #tpu.memory_space<vmem>>
    %dma_wait3A_395 = tpu.memref_squeeze %dma_wait3A_394 : memref<1x128xi32, #tpu.memory_space<vmem>> -> memref<128xi32, #tpu.memory_space<vmem>>
    %dma_wait3A_396 = arith.constant 0 : i32
    %dma_wait3A_397 = arith.constant 0 : i32
    %dma_wait3A_398 = tpu.memref_slice %arg2[%dma_wait3A_396, %dma_wait3A_397] : memref<10000x32xf32, #tpu.memory_space<hbm>> -> memref<10000x32xf32, #tpu.memory_space<hbm>>
    tpu.wait_indirect_dma semaphore(%arg7 : memref<!tpu.dma_semaphore, #tpu.memory_space<semaphore_mem>>) src(%dma_wait3A_398 : memref<10000x32xf32, #tpu.memory_space<hbm>>) dst(%dma_wait3A_392 : memref<128x32xf32, #tpu.memory_space<vmem>>)
    %mul3A_399 = arith.constant 2560 : i32
    %mul3A_400 = arith.muli %add3A, %mul3A_399 : i32
    "tpu.region"() ({
      %run_scoped3A = tpu.sem_alloc : memref<!tpu.dma_semaphore, #tpu.memory_space<semaphore_mem>>
      %dma_start3A_401 = arith.constant 0 : i32
      %dma_start3A_402 = tpu.memref_slice %arg4[%mul3A_400, %dma_start3A_401] : memref<81920x32xf32, #tpu.memory_space<hbm>> -> memref<2560x32xf32, #tpu.memory_space<hbm>>
      %dma_start3A_403 = arith.constant 0 : i32
      %dma_start3A_404 = tpu.memref_slice %arg4[%mul3A_400, %dma_start3A_403] : memref<81920x32xf32, #tpu.memory_space<hbm>> -> memref<2560x32xf32, #tpu.memory_space<hbm>>
      tpu.enqueue_dma source(%arg6 : memref<2560x32xf32, #tpu.memory_space<vmem>>) target(%dma_start3A_404 : memref<2560x32xf32, #tpu.memory_space<hbm>>) target_semaphore(%run_scoped3A : memref<!tpu.dma_semaphore, #tpu.memory_space<semaphore_mem>>)
      %dma_wait3A_405 = arith.constant 0 : i32
      %dma_wait3A_406 = tpu.memref_slice %arg4[%mul3A_400, %dma_wait3A_405] : memref<81920x32xf32, #tpu.memory_space<hbm>> -> memref<2560x32xf32, #tpu.memory_space<hbm>>
      %dma_wait3A_407 = arith.constant 0 : i32
      %dma_wait3A_408 = tpu.memref_slice %arg4[%mul3A_400, %dma_wait3A_407] : memref<81920x32xf32, #tpu.memory_space<hbm>> -> memref<2560x32xf32, #tpu.memory_space<hbm>>
      tpu.wait_dma2 semaphore(%run_scoped3A : memref<!tpu.dma_semaphore, #tpu.memory_space<semaphore_mem>>) src(%arg6 : memref<2560x32xf32, #tpu.memory_space<vmem>>) dst(%dma_wait3A_408 : memref<2560x32xf32, #tpu.memory_space<hbm>>)
      tpu.yield
    }) : () -> ()
    return
  }
}

module attributes {stable_mosaic.version = 14 : i64} {
  func.func @_tc_body(%arg0: i32, %arg1: memref<512x8xf32, #tpu.memory_space<vmem>>, %arg2: memref<512x32xf32, #tpu.memory_space<vmem>>, %arg3: memref<512x8xf32, #tpu.memory_space<vmem>>, %arg4: memref<512x24xf32, #tpu.memory_space<vmem>>, %arg5: memref<512x24xf32, #tpu.memory_space<vmem>>, %arg6: memref<512x216xf32, #tpu.memory_space<vmem>>, %arg7: memref<512x8xf32, #tpu.memory_space<vmem>>, %arg8: memref<1x4096x32xf32, #tpu.memory_space<vmem>>, %arg9: memref<512x16xf32, #tpu.memory_space<vmem>>, %arg10: memref<512x12xf32, #tpu.memory_space<vmem>>, %arg11: memref<5x128xbf16, #tpu.memory_space<vmem>>, %arg12: memref<128x1xf32, #tpu.memory_space<vmem>>, %arg13: memref<128x1xf32, #tpu.memory_space<vmem>>, %arg14: memref<128x1xf32, #tpu.memory_space<vmem>>, %arg15: memref<128x128xbf16, #tpu.memory_space<vmem>>, %arg16: memref<128x1xf32, #tpu.memory_space<vmem>>, %arg17: memref<128x1xf32, #tpu.memory_space<vmem>>, %arg18: memref<128x1xf32, #tpu.memory_space<vmem>>, %arg19: memref<128x256xbf16, #tpu.memory_space<vmem>>, %arg20: memref<256x1xf32, #tpu.memory_space<vmem>>, %arg21: memref<5x128xbf16, #tpu.memory_space<vmem>>, %arg22: memref<128x1xf32, #tpu.memory_space<vmem>>, %arg23: memref<128x1xf32, #tpu.memory_space<vmem>>, %arg24: memref<128x1xf32, #tpu.memory_space<vmem>>, %arg25: memref<128x128xbf16, #tpu.memory_space<vmem>>, %arg26: memref<128x1xf32, #tpu.memory_space<vmem>>, %arg27: memref<128x1xf32, #tpu.memory_space<vmem>>, %arg28: memref<128x1xf32, #tpu.memory_space<vmem>>, %arg29: memref<128x64xbf16, #tpu.memory_space<vmem>>, %arg30: memref<64x1xf32, #tpu.memory_space<vmem>>, %arg31: memref<5x128xbf16, #tpu.memory_space<vmem>>, %arg32: memref<128x1xf32, #tpu.memory_space<vmem>>, %arg33: memref<128x1xf32, #tpu.memory_space<vmem>>, %arg34: memref<128x1xf32, #tpu.memory_space<vmem>>, %arg35: memref<128x128xbf16, #tpu.memory_space<vmem>>, %arg36: memref<128x1xf32, #tpu.memory_space<vmem>>, %arg37: memref<128x1xf32, #tpu.memory_space<vmem>>, %arg38: memref<128x1xf32, #tpu.memory_space<vmem>>, %arg39: memref<128x64xbf16, #tpu.memory_space<vmem>>, %arg40: memref<64x1xf32, #tpu.memory_space<vmem>>, %arg41: memref<5x128xbf16, #tpu.memory_space<vmem>>, %arg42: memref<128x1xf32, #tpu.memory_space<vmem>>, %arg43: memref<128x1xf32, #tpu.memory_space<vmem>>, %arg44: memref<128x1xf32, #tpu.memory_space<vmem>>, %arg45: memref<128x128xbf16, #tpu.memory_space<vmem>>, %arg46: memref<128x1xf32, #tpu.memory_space<vmem>>, %arg47: memref<128x1xf32, #tpu.memory_space<vmem>>, %arg48: memref<128x1xf32, #tpu.memory_space<vmem>>, %arg49: memref<128x48xbf16, #tpu.memory_space<vmem>>, %arg50: memref<48x1xf32, #tpu.memory_space<vmem>>, %arg51: memref<16x16xf32, #tpu.memory_space<vmem>>, %arg52: memref<4x4xf32, #tpu.memory_space<vmem>>, %arg53: memref<512x16xf32, #tpu.memory_space<vmem>>, %arg54: memref<512x12xf32, #tpu.memory_space<vmem>>) attributes {dimension_semantics = [#tpu.dimension_semantics<arbitrary>], iteration_bounds = array<i64: 20>, scalar_prefetch = 0 : i64, scratch_operands = 0 : i64, tpu.core_type = #tpu.core_type<tc>, window_params = [{transform_indices = @transform_0, window_bounds = array<i64: 512, 8>}, {transform_indices = @transform_1, window_bounds = array<i64: 512, 32>}, {transform_indices = @transform_2, window_bounds = array<i64: 512, 8>}, {transform_indices = @transform_3, window_bounds = array<i64: 512, 24>}, {transform_indices = @transform_4, window_bounds = array<i64: 512, 24>}, {transform_indices = @transform_5, window_bounds = array<i64: 512, 216>}, {transform_indices = @transform_6, window_bounds = array<i64: 512, 8>}, {transform_indices = @transform_7, window_bounds = array<i64: 1, 4096, 32>}, {transform_indices = @transform_8, window_bounds = array<i64: 512, 16>}, {transform_indices = @transform_9, window_bounds = array<i64: 512, 12>}, {pipeline_mode = #tpu.pipeline_mode<synchronous>, transform_indices = @transform_10, window_bounds = array<i64: 5, 128>}, {pipeline_mode = #tpu.pipeline_mode<synchronous>, transform_indices = @transform_11, window_bounds = array<i64: 128, 1>}, {pipeline_mode = #tpu.pipeline_mode<synchronous>, transform_indices = @transform_12, window_bounds = array<i64: 128, 1>}, {pipeline_mode = #tpu.pipeline_mode<synchronous>, transform_indices = @transform_13, window_bounds = array<i64: 128, 1>}, {pipeline_mode = #tpu.pipeline_mode<synchronous>, transform_indices = @transform_14, window_bounds = array<i64: 128, 128>}, {pipeline_mode = #tpu.pipeline_mode<synchronous>, transform_indices = @transform_15, window_bounds = array<i64: 128, 1>}, {pipeline_mode = #tpu.pipeline_mode<synchronous>, transform_indices = @transform_16, window_bounds = array<i64: 128, 1>}, {pipeline_mode = #tpu.pipeline_mode<synchronous>, transform_indices = @transform_17, window_bounds = array<i64: 128, 1>}, {pipeline_mode = #tpu.pipeline_mode<synchronous>, transform_indices = @transform_18, window_bounds = array<i64: 128, 256>}, {pipeline_mode = #tpu.pipeline_mode<synchronous>, transform_indices = @transform_19, window_bounds = array<i64: 256, 1>}, {pipeline_mode = #tpu.pipeline_mode<synchronous>, transform_indices = @transform_20, window_bounds = array<i64: 5, 128>}, {pipeline_mode = #tpu.pipeline_mode<synchronous>, transform_indices = @transform_21, window_bounds = array<i64: 128, 1>}, {pipeline_mode = #tpu.pipeline_mode<synchronous>, transform_indices = @transform_22, window_bounds = array<i64: 128, 1>}, {pipeline_mode = #tpu.pipeline_mode<synchronous>, transform_indices = @transform_23, window_bounds = array<i64: 128, 1>}, {pipeline_mode = #tpu.pipeline_mode<synchronous>, transform_indices = @transform_24, window_bounds = array<i64: 128, 128>}, {pipeline_mode = #tpu.pipeline_mode<synchronous>, transform_indices = @transform_25, window_bounds = array<i64: 128, 1>}, {pipeline_mode = #tpu.pipeline_mode<synchronous>, transform_indices = @transform_26, window_bounds = array<i64: 128, 1>}, {pipeline_mode = #tpu.pipeline_mode<synchronous>, transform_indices = @transform_27, window_bounds = array<i64: 128, 1>}, {pipeline_mode = #tpu.pipeline_mode<synchronous>, transform_indices = @transform_28, window_bounds = array<i64: 128, 64>}, {pipeline_mode = #tpu.pipeline_mode<synchronous>, transform_indices = @transform_29, window_bounds = array<i64: 64, 1>}, {pipeline_mode = #tpu.pipeline_mode<synchronous>, transform_indices = @transform_30, window_bounds = array<i64: 5, 128>}, {pipeline_mode = #tpu.pipeline_mode<synchronous>, transform_indices = @transform_31, window_bounds = array<i64: 128, 1>}, {pipeline_mode = #tpu.pipeline_mode<synchronous>, transform_indices = @transform_32, window_bounds = array<i64: 128, 1>}, {pipeline_mode = #tpu.pipeline_mode<synchronous>, transform_indices = @transform_33, window_bounds = array<i64: 128, 1>}, {pipeline_mode = #tpu.pipeline_mode<synchronous>, transform_indices = @transform_34, window_bounds = array<i64: 128, 128>}, {pipeline_mode = #tpu.pipeline_mode<synchronous>, transform_indices = @transform_35, window_bounds = array<i64: 128, 1>}, {pipeline_mode = #tpu.pipeline_mode<synchronous>, transform_indices = @transform_36, window_bounds = array<i64: 128, 1>}, {pipeline_mode = #tpu.pipeline_mode<synchronous>, transform_indices = @transform_37, window_bounds = array<i64: 128, 1>}, {pipeline_mode = #tpu.pipeline_mode<synchronous>, transform_indices = @transform_38, window_bounds = array<i64: 128, 64>}, {pipeline_mode = #tpu.pipeline_mode<synchronous>, transform_indices = @transform_39, window_bounds = array<i64: 64, 1>}, {pipeline_mode = #tpu.pipeline_mode<synchronous>, transform_indices = @transform_40, window_bounds = array<i64: 5, 128>}, {pipeline_mode = #tpu.pipeline_mode<synchronous>, transform_indices = @transform_41, window_bounds = array<i64: 128, 1>}, {pipeline_mode = #tpu.pipeline_mode<synchronous>, transform_indices = @transform_42, window_bounds = array<i64: 128, 1>}, {pipeline_mode = #tpu.pipeline_mode<synchronous>, transform_indices = @transform_43, window_bounds = array<i64: 128, 1>}, {pipeline_mode = #tpu.pipeline_mode<synchronous>, transform_indices = @transform_44, window_bounds = array<i64: 128, 128>}, {pipeline_mode = #tpu.pipeline_mode<synchronous>, transform_indices = @transform_45, window_bounds = array<i64: 128, 1>}, {pipeline_mode = #tpu.pipeline_mode<synchronous>, transform_indices = @transform_46, window_bounds = array<i64: 128, 1>}, {pipeline_mode = #tpu.pipeline_mode<synchronous>, transform_indices = @transform_47, window_bounds = array<i64: 128, 1>}, {pipeline_mode = #tpu.pipeline_mode<synchronous>, transform_indices = @transform_48, window_bounds = array<i64: 128, 48>}, {pipeline_mode = #tpu.pipeline_mode<synchronous>, transform_indices = @transform_49, window_bounds = array<i64: 48, 1>}, {pipeline_mode = #tpu.pipeline_mode<synchronous>, transform_indices = @transform_50, window_bounds = array<i64: 16, 16>}, {pipeline_mode = #tpu.pipeline_mode<synchronous>, transform_indices = @transform_51, window_bounds = array<i64: 4, 4>}, {transform_indices = @transform_52, window_bounds = array<i64: 512, 16>}, {transform_indices = @transform_53, window_bounds = array<i64: 512, 12>}]} {
    %get3A = arith.constant 0 : index
    %get3A_0 = arith.constant 0 : index
    %get3A_1 = vector.load %arg1[%get3A, %get3A_0] : memref<512x8xf32, #tpu.memory_space<vmem>>, vector<512x8xf32>
    %transpose3A = tpu.transpose %get3A_1, [1, 0] : vector<512x8xf32> -> vector<8x512xf32>
    %get3A_2 = arith.constant 0 : index
    %get3A_3 = arith.constant 0 : index
    %get3A_4 = vector.load %arg2[%get3A_2, %get3A_3] : memref<512x32xf32, #tpu.memory_space<vmem>>, vector<512x32xf32>
    %transpose3A_5 = tpu.transpose %get3A_4, [1, 0] : vector<512x32xf32> -> vector<32x512xf32>
    %get3A_6 = arith.constant 0 : index
    %get3A_7 = arith.constant 0 : index
    %get3A_8 = vector.load %arg3[%get3A_6, %get3A_7] : memref<512x8xf32, #tpu.memory_space<vmem>>, vector<512x8xf32>
    %transpose3A_9 = tpu.transpose %get3A_8, [1, 0] : vector<512x8xf32> -> vector<8x512xf32>
    %get3A_10 = arith.constant 0 : index
    %get3A_11 = arith.constant 0 : index
    %get3A_12 = vector.load %arg4[%get3A_10, %get3A_11] : memref<512x24xf32, #tpu.memory_space<vmem>>, vector<512x24xf32>
    %transpose3A_13 = tpu.transpose %get3A_12, [1, 0] : vector<512x24xf32> -> vector<24x512xf32>
    %get3A_14 = arith.constant 0 : index
    %get3A_15 = arith.constant 0 : index
    %get3A_16 = vector.load %arg5[%get3A_14, %get3A_15] : memref<512x24xf32, #tpu.memory_space<vmem>>, vector<512x24xf32>
    %transpose3A_17 = tpu.transpose %get3A_16, [1, 0] : vector<512x24xf32> -> vector<24x512xf32>
    %get3A_18 = arith.constant 0 : index
    %get3A_19 = arith.constant 0 : index
    %get3A_20 = vector.load %arg6[%get3A_18, %get3A_19] : memref<512x216xf32, #tpu.memory_space<vmem>>, vector<512x216xf32>
    %transpose3A_21 = tpu.transpose %get3A_20, [1, 0] : vector<512x216xf32> -> vector<216x512xf32>
    %get3A_22 = arith.constant 0 : index
    %get3A_23 = arith.constant 0 : index
    %get3A_24 = vector.load %arg7[%get3A_22, %get3A_23] : memref<512x8xf32, #tpu.memory_space<vmem>>, vector<512x8xf32>
    %transpose3A_25 = tpu.transpose %get3A_24, [1, 0] : vector<512x8xf32> -> vector<8x512xf32>
    %slice3A = vector.extract_strided_slice %transpose3A {offsets = [0, 0], sizes = [1, 512], strides = [1, 1]} : vector<8x512xf32> to vector<1x512xf32>
    %slice3A_26 = vector.extract_strided_slice %transpose3A_5 {offsets = [0, 0], sizes = [4, 512], strides = [1, 1]} : vector<32x512xf32> to vector<4x512xf32>
    %concatenate3A = tpu.concatenate %slice3A, %slice3A_26 in 0 : vector<1x512xf32>, vector<4x512xf32> -> vector<5x512xf32>
    %slice3A_27 = vector.extract_strided_slice %transpose3A {offsets = [1, 0], sizes = [1, 512], strides = [1, 1]} : vector<8x512xf32> to vector<1x512xf32>
    %slice3A_28 = vector.extract_strided_slice %transpose3A_5 {offsets = [4, 0], sizes = [4, 512], strides = [1, 1]} : vector<32x512xf32> to vector<4x512xf32>
    %concatenate3A_29 = tpu.concatenate %slice3A_27, %slice3A_28 in 0 : vector<1x512xf32>, vector<4x512xf32> -> vector<5x512xf32>
    %slice3A_30 = vector.extract_strided_slice %transpose3A {offsets = [2, 0], sizes = [1, 512], strides = [1, 1]} : vector<8x512xf32> to vector<1x512xf32>
    %slice3A_31 = vector.extract_strided_slice %transpose3A_5 {offsets = [8, 0], sizes = [4, 512], strides = [1, 1]} : vector<32x512xf32> to vector<4x512xf32>
    %concatenate3A_32 = tpu.concatenate %slice3A_30, %slice3A_31 in 0 : vector<1x512xf32>, vector<4x512xf32> -> vector<5x512xf32>
    %slice3A_33 = vector.extract_strided_slice %transpose3A {offsets = [3, 0], sizes = [1, 512], strides = [1, 1]} : vector<8x512xf32> to vector<1x512xf32>
    %slice3A_34 = vector.extract_strided_slice %transpose3A_5 {offsets = [12, 0], sizes = [4, 512], strides = [1, 1]} : vector<32x512xf32> to vector<4x512xf32>
    %concatenate3A_35 = tpu.concatenate %slice3A_33, %slice3A_34 in 0 : vector<1x512xf32>, vector<4x512xf32> -> vector<5x512xf32>
    %slice3A_36 = vector.extract_strided_slice %transpose3A {offsets = [4, 0], sizes = [1, 512], strides = [1, 1]} : vector<8x512xf32> to vector<1x512xf32>
    %slice3A_37 = vector.extract_strided_slice %transpose3A_5 {offsets = [16, 0], sizes = [4, 512], strides = [1, 1]} : vector<32x512xf32> to vector<4x512xf32>
    %concatenate3A_38 = tpu.concatenate %slice3A_36, %slice3A_37 in 0 : vector<1x512xf32>, vector<4x512xf32> -> vector<5x512xf32>
    %slice3A_39 = vector.extract_strided_slice %transpose3A {offsets = [5, 0], sizes = [1, 512], strides = [1, 1]} : vector<8x512xf32> to vector<1x512xf32>
    %slice3A_40 = vector.extract_strided_slice %transpose3A_5 {offsets = [20, 0], sizes = [4, 512], strides = [1, 1]} : vector<32x512xf32> to vector<4x512xf32>
    %concatenate3A_41 = tpu.concatenate %slice3A_39, %slice3A_40 in 0 : vector<1x512xf32>, vector<4x512xf32> -> vector<5x512xf32>
    %slice3A_42 = vector.extract_strided_slice %transpose3A {offsets = [6, 0], sizes = [1, 512], strides = [1, 1]} : vector<8x512xf32> to vector<1x512xf32>
    %slice3A_43 = vector.extract_strided_slice %transpose3A_5 {offsets = [24, 0], sizes = [4, 512], strides = [1, 1]} : vector<32x512xf32> to vector<4x512xf32>
    %concatenate3A_44 = tpu.concatenate %slice3A_42, %slice3A_43 in 0 : vector<1x512xf32>, vector<4x512xf32> -> vector<5x512xf32>
    %slice3A_45 = vector.extract_strided_slice %transpose3A {offsets = [7, 0], sizes = [1, 512], strides = [1, 1]} : vector<8x512xf32> to vector<1x512xf32>
    %slice3A_46 = vector.extract_strided_slice %transpose3A_5 {offsets = [28, 0], sizes = [4, 512], strides = [1, 1]} : vector<32x512xf32> to vector<4x512xf32>
    %concatenate3A_47 = tpu.concatenate %slice3A_45, %slice3A_46 in 0 : vector<1x512xf32>, vector<4x512xf32> -> vector<5x512xf32>
    %concatenate3A_48 = tpu.concatenate %concatenate3A, %concatenate3A_29, %concatenate3A_32, %concatenate3A_35, %concatenate3A_38, %concatenate3A_41, %concatenate3A_44, %concatenate3A_47 in 1 : vector<5x512xf32>, vector<5x512xf32>, vector<5x512xf32>, vector<5x512xf32>, vector<5x512xf32>, vector<5x512xf32>, vector<5x512xf32>, vector<5x512xf32> -> vector<5x4096xf32>
    %slice3A_49 = vector.extract_strided_slice %transpose3A_9 {offsets = [0, 0], sizes = [1, 512], strides = [1, 1]} : vector<8x512xf32> to vector<1x512xf32>
    %slice3A_50 = vector.extract_strided_slice %transpose3A_9 {offsets = [1, 0], sizes = [1, 512], strides = [1, 1]} : vector<8x512xf32> to vector<1x512xf32>
    %slice3A_51 = vector.extract_strided_slice %transpose3A_9 {offsets = [2, 0], sizes = [1, 512], strides = [1, 1]} : vector<8x512xf32> to vector<1x512xf32>
    %slice3A_52 = vector.extract_strided_slice %transpose3A_9 {offsets = [3, 0], sizes = [1, 512], strides = [1, 1]} : vector<8x512xf32> to vector<1x512xf32>
    %slice3A_53 = vector.extract_strided_slice %transpose3A_9 {offsets = [4, 0], sizes = [1, 512], strides = [1, 1]} : vector<8x512xf32> to vector<1x512xf32>
    %slice3A_54 = vector.extract_strided_slice %transpose3A_9 {offsets = [5, 0], sizes = [1, 512], strides = [1, 1]} : vector<8x512xf32> to vector<1x512xf32>
    %slice3A_55 = vector.extract_strided_slice %transpose3A_9 {offsets = [6, 0], sizes = [1, 512], strides = [1, 1]} : vector<8x512xf32> to vector<1x512xf32>
    %slice3A_56 = vector.extract_strided_slice %transpose3A_9 {offsets = [7, 0], sizes = [1, 512], strides = [1, 1]} : vector<8x512xf32> to vector<1x512xf32>
    %concatenate3A_57 = tpu.concatenate %slice3A_49, %slice3A_50, %slice3A_51, %slice3A_52, %slice3A_53, %slice3A_54, %slice3A_55, %slice3A_56 in 1 : vector<1x512xf32>, vector<1x512xf32>, vector<1x512xf32>, vector<1x512xf32>, vector<1x512xf32>, vector<1x512xf32>, vector<1x512xf32>, vector<1x512xf32> -> vector<1x4096xf32>
    %slice3A_58 = vector.extract_strided_slice %transpose3A_13 {offsets = [0, 0], sizes = [3, 512], strides = [1, 1]} : vector<24x512xf32> to vector<3x512xf32>
    %slice3A_59 = vector.extract_strided_slice %transpose3A_13 {offsets = [3, 0], sizes = [3, 512], strides = [1, 1]} : vector<24x512xf32> to vector<3x512xf32>
    %slice3A_60 = vector.extract_strided_slice %transpose3A_13 {offsets = [6, 0], sizes = [3, 512], strides = [1, 1]} : vector<24x512xf32> to vector<3x512xf32>
    %slice3A_61 = vector.extract_strided_slice %transpose3A_13 {offsets = [9, 0], sizes = [3, 512], strides = [1, 1]} : vector<24x512xf32> to vector<3x512xf32>
    %slice3A_62 = vector.extract_strided_slice %transpose3A_13 {offsets = [12, 0], sizes = [3, 512], strides = [1, 1]} : vector<24x512xf32> to vector<3x512xf32>
    %slice3A_63 = vector.extract_strided_slice %transpose3A_13 {offsets = [15, 0], sizes = [3, 512], strides = [1, 1]} : vector<24x512xf32> to vector<3x512xf32>
    %slice3A_64 = vector.extract_strided_slice %transpose3A_13 {offsets = [18, 0], sizes = [3, 512], strides = [1, 1]} : vector<24x512xf32> to vector<3x512xf32>
    %slice3A_65 = vector.extract_strided_slice %transpose3A_13 {offsets = [21, 0], sizes = [3, 512], strides = [1, 1]} : vector<24x512xf32> to vector<3x512xf32>
    %concatenate3A_66 = tpu.concatenate %slice3A_58, %slice3A_59, %slice3A_60, %slice3A_61, %slice3A_62, %slice3A_63, %slice3A_64, %slice3A_65 in 1 : vector<3x512xf32>, vector<3x512xf32>, vector<3x512xf32>, vector<3x512xf32>, vector<3x512xf32>, vector<3x512xf32>, vector<3x512xf32>, vector<3x512xf32> -> vector<3x4096xf32>
    %slice3A_67 = vector.extract_strided_slice %transpose3A_17 {offsets = [0, 0], sizes = [3, 512], strides = [1, 1]} : vector<24x512xf32> to vector<3x512xf32>
    %slice3A_68 = vector.extract_strided_slice %transpose3A_17 {offsets = [3, 0], sizes = [3, 512], strides = [1, 1]} : vector<24x512xf32> to vector<3x512xf32>
    %slice3A_69 = vector.extract_strided_slice %transpose3A_17 {offsets = [6, 0], sizes = [3, 512], strides = [1, 1]} : vector<24x512xf32> to vector<3x512xf32>
    %slice3A_70 = vector.extract_strided_slice %transpose3A_17 {offsets = [9, 0], sizes = [3, 512], strides = [1, 1]} : vector<24x512xf32> to vector<3x512xf32>
    %slice3A_71 = vector.extract_strided_slice %transpose3A_17 {offsets = [12, 0], sizes = [3, 512], strides = [1, 1]} : vector<24x512xf32> to vector<3x512xf32>
    %slice3A_72 = vector.extract_strided_slice %transpose3A_17 {offsets = [15, 0], sizes = [3, 512], strides = [1, 1]} : vector<24x512xf32> to vector<3x512xf32>
    %slice3A_73 = vector.extract_strided_slice %transpose3A_17 {offsets = [18, 0], sizes = [3, 512], strides = [1, 1]} : vector<24x512xf32> to vector<3x512xf32>
    %slice3A_74 = vector.extract_strided_slice %transpose3A_17 {offsets = [21, 0], sizes = [3, 512], strides = [1, 1]} : vector<24x512xf32> to vector<3x512xf32>
    %concatenate3A_75 = tpu.concatenate %slice3A_67, %slice3A_68, %slice3A_69, %slice3A_70, %slice3A_71, %slice3A_72, %slice3A_73, %slice3A_74 in 1 : vector<3x512xf32>, vector<3x512xf32>, vector<3x512xf32>, vector<3x512xf32>, vector<3x512xf32>, vector<3x512xf32>, vector<3x512xf32>, vector<3x512xf32> -> vector<3x4096xf32>
    %slice3A_76 = vector.extract_strided_slice %transpose3A_21 {offsets = [0, 0], sizes = [27, 512], strides = [1, 1]} : vector<216x512xf32> to vector<27x512xf32>
    %slice3A_77 = vector.extract_strided_slice %transpose3A_21 {offsets = [27, 0], sizes = [27, 512], strides = [1, 1]} : vector<216x512xf32> to vector<27x512xf32>
    %slice3A_78 = vector.extract_strided_slice %transpose3A_21 {offsets = [54, 0], sizes = [27, 512], strides = [1, 1]} : vector<216x512xf32> to vector<27x512xf32>
    %slice3A_79 = vector.extract_strided_slice %transpose3A_21 {offsets = [81, 0], sizes = [27, 512], strides = [1, 1]} : vector<216x512xf32> to vector<27x512xf32>
    %slice3A_80 = vector.extract_strided_slice %transpose3A_21 {offsets = [108, 0], sizes = [27, 512], strides = [1, 1]} : vector<216x512xf32> to vector<27x512xf32>
    %slice3A_81 = vector.extract_strided_slice %transpose3A_21 {offsets = [135, 0], sizes = [27, 512], strides = [1, 1]} : vector<216x512xf32> to vector<27x512xf32>
    %slice3A_82 = vector.extract_strided_slice %transpose3A_21 {offsets = [162, 0], sizes = [27, 512], strides = [1, 1]} : vector<216x512xf32> to vector<27x512xf32>
    %slice3A_83 = vector.extract_strided_slice %transpose3A_21 {offsets = [189, 0], sizes = [27, 512], strides = [1, 1]} : vector<216x512xf32> to vector<27x512xf32>
    %concatenate3A_84 = tpu.concatenate %slice3A_76, %slice3A_77, %slice3A_78, %slice3A_79, %slice3A_80, %slice3A_81, %slice3A_82, %slice3A_83 in 1 : vector<27x512xf32>, vector<27x512xf32>, vector<27x512xf32>, vector<27x512xf32>, vector<27x512xf32>, vector<27x512xf32>, vector<27x512xf32>, vector<27x512xf32> -> vector<27x4096xf32>
    %get3A_85 = arith.constant 0 : index
    %get3A_86 = arith.constant 0 : index
    %get3A_87 = arith.constant 0 : index
    %get3A_88 = vector.load %arg8[%get3A_85, %get3A_86, %get3A_87] : memref<1x4096x32xf32, #tpu.memory_space<vmem>>, vector<1x4096x32xf32>
    %get3A_89 = vector.shape_cast %get3A_88 : vector<1x4096x32xf32> to vector<4096x32xf32>
    %transpose3A_90 = tpu.transpose %get3A_89, [1, 0] : vector<4096x32xf32> -> vector<32x4096xf32>
    %get3A_91 = arith.constant 0 : index
    %get3A_92 = arith.constant 0 : index
    %get3A_93 = vector.load %arg9[%get3A_91, %get3A_92] : memref<512x16xf32, #tpu.memory_space<vmem>>, vector<512x16xf32>
    %transpose3A_94 = tpu.transpose %get3A_93, [1, 0] : vector<512x16xf32> -> vector<16x512xf32>
    %get3A_95 = arith.constant 0 : index
    %get3A_96 = arith.constant 0 : index
    %get3A_97 = vector.load %arg10[%get3A_95, %get3A_96] : memref<512x12xf32, #tpu.memory_space<vmem>>, vector<512x12xf32>
    %transpose3A_98 = tpu.transpose %get3A_97, [1, 0] : vector<512x12xf32> -> vector<12x512xf32>
    %slice3A_99 = vector.extract_strided_slice %transpose3A_98 {offsets = [0, 0], sizes = [4, 512], strides = [1, 1]} : vector<12x512xf32> to vector<4x512xf32>
    %slice3A_100 = vector.extract_strided_slice %transpose3A_98 {offsets = [4, 0], sizes = [4, 512], strides = [1, 1]} : vector<12x512xf32> to vector<4x512xf32>
    %slice3A_101 = vector.extract_strided_slice %transpose3A_98 {offsets = [8, 0], sizes = [4, 512], strides = [1, 1]} : vector<12x512xf32> to vector<4x512xf32>
    %concatenate3A_102 = tpu.concatenate %slice3A_99, %slice3A_100, %slice3A_101 in 1 : vector<4x512xf32>, vector<4x512xf32>, vector<4x512xf32> -> vector<4x1536xf32>
    %slice3A_103 = vector.extract_strided_slice %transpose3A_90 {offsets = [0, 0], sizes = [16, 4096], strides = [1, 1]} : vector<32x4096xf32> to vector<16x4096xf32>
    %slice3A_104 = vector.extract_strided_slice %transpose3A_90 {offsets = [16, 0], sizes = [12, 4096], strides = [1, 1]} : vector<32x4096xf32> to vector<12x4096xf32>
    %broadcast_in_dim3A = arith.constant 7.812500e-03 : bf16
    %broadcast_in_dim3A_105 = vector.broadcast %broadcast_in_dim3A : bf16 to vector<128x1xbf16>
    %get3A_106 = arith.constant 0 : index
    %get3A_107 = arith.constant 0 : index
    %get3A_108 = vector.load %arg11[%get3A_106, %get3A_107] : memref<5x128xbf16, #tpu.memory_space<vmem>>, vector<5x128xbf16>
    %get3A_109 = arith.constant 0 : index
    %get3A_110 = arith.constant 0 : index
    %get3A_111 = vector.load %arg12[%get3A_109, %get3A_110] : memref<128x1xf32, #tpu.memory_space<vmem>>, vector<128x1xf32>
    %get3A_112 = arith.constant 0 : index
    %get3A_113 = arith.constant 0 : index
    %get3A_114 = vector.load %arg13[%get3A_112, %get3A_113] : memref<128x1xf32, #tpu.memory_space<vmem>>, vector<128x1xf32>
    %get3A_115 = arith.constant 0 : index
    %get3A_116 = arith.constant 0 : index
    %get3A_117 = vector.load %arg14[%get3A_115, %get3A_116] : memref<128x1xf32, #tpu.memory_space<vmem>>, vector<128x1xf32>
    %get3A_118 = arith.constant 0 : index
    %get3A_119 = arith.constant 0 : index
    %get3A_120 = vector.load %arg15[%get3A_118, %get3A_119] : memref<128x128xbf16, #tpu.memory_space<vmem>>, vector<128x128xbf16>
    %get3A_121 = arith.constant 0 : index
    %get3A_122 = arith.constant 0 : index
    %get3A_123 = vector.load %arg16[%get3A_121, %get3A_122] : memref<128x1xf32, #tpu.memory_space<vmem>>, vector<128x1xf32>
    %get3A_124 = arith.constant 0 : index
    %get3A_125 = arith.constant 0 : index
    %get3A_126 = vector.load %arg17[%get3A_124, %get3A_125] : memref<128x1xf32, #tpu.memory_space<vmem>>, vector<128x1xf32>
    %get3A_127 = arith.constant 0 : index
    %get3A_128 = arith.constant 0 : index
    %get3A_129 = vector.load %arg18[%get3A_127, %get3A_128] : memref<128x1xf32, #tpu.memory_space<vmem>>, vector<128x1xf32>
    %get3A_130 = arith.constant 0 : index
    %get3A_131 = arith.constant 0 : index
    %get3A_132 = vector.load %arg19[%get3A_130, %get3A_131] : memref<128x256xbf16, #tpu.memory_space<vmem>>, vector<128x256xbf16>
    %get3A_133 = arith.constant 0 : index
    %get3A_134 = arith.constant 0 : index
    %get3A_135 = vector.load %arg20[%get3A_133, %get3A_134] : memref<256x1xf32, #tpu.memory_space<vmem>>, vector<256x1xf32>
    %convert_element_type3A = arith.truncf %concatenate3A_48 : vector<5x4096xf32> to vector<5x4096xbf16>
    %dot_general3A = arith.constant dense<0.000000e+00> : vector<128x4096xf32>
    %dot_general3A_136 = tpu.matmul %get3A_108, %convert_element_type3A, %dot_general3A {dimension_numbers = #tpu.dot_dimension_numbers<[0], [0], [1], [1], [0, 1, 1, 1], [], []>, transpose_lhs_hint = false} : vector<5x128xbf16>, vector<5x4096xbf16>, vector<128x4096xf32> -> vector<128x4096xf32>
    %add3A = vector.broadcast %get3A_111 : vector<128x1xf32> to vector<128x4096xf32>
    %add3A_137 = arith.addf %dot_general3A_136, %add3A : vector<128x4096xf32>
    %convert_element_type3A_138 = arith.truncf %add3A_137 : vector<128x4096xf32> to vector<128x4096xbf16>
    %dot_general3A_139 = arith.constant dense<0.000000e+00> : vector<1x4096xf32>
    %dot_general3A_140 = tpu.matmul %broadcast_in_dim3A_105, %convert_element_type3A_138, %dot_general3A_139 {dimension_numbers = #tpu.dot_dimension_numbers<[0], [0], [1], [1], [0, 1, 1, 1], [], []>, transpose_lhs_hint = false} : vector<128x1xbf16>, vector<128x4096xbf16>, vector<1x4096xf32> -> vector<1x4096xf32>
    %sub3A = vector.broadcast %dot_general3A_140 : vector<1x4096xf32> to vector<128x4096xf32>
    %sub3A_141 = arith.subf %add3A_137, %sub3A : vector<128x4096xf32>
    %mul3A = arith.mulf %sub3A_141, %sub3A_141 : vector<128x4096xf32>
    %convert_element_type3A_142 = arith.truncf %mul3A : vector<128x4096xf32> to vector<128x4096xbf16>
    %dot_general3A_143 = arith.constant dense<0.000000e+00> : vector<1x4096xf32>
    %dot_general3A_144 = tpu.matmul %broadcast_in_dim3A_105, %convert_element_type3A_142, %dot_general3A_143 {dimension_numbers = #tpu.dot_dimension_numbers<[0], [0], [1], [1], [0, 1, 1, 1], [], []>, transpose_lhs_hint = false} : vector<128x1xbf16>, vector<128x4096xbf16>, vector<1x4096xf32> -> vector<1x4096xf32>
    %add3A_145 = arith.constant 9.99999974E-6 : f32
    %add3A_146 = vector.broadcast %add3A_145 : f32 to vector<1x4096xf32>
    %add3A_147 = arith.addf %dot_general3A_144, %add3A_146 : vector<1x4096xf32>
    %rsqrt3A = math.rsqrt %add3A_147 : vector<1x4096xf32>
    %mul3A_148 = vector.broadcast %rsqrt3A : vector<1x4096xf32> to vector<128x4096xf32>
    %mul3A_149 = arith.mulf %sub3A_141, %mul3A_148 : vector<128x4096xf32>
    %mul3A_150 = vector.broadcast %get3A_114 : vector<128x1xf32> to vector<128x4096xf32>
    %mul3A_151 = arith.mulf %mul3A_149, %mul3A_150 : vector<128x4096xf32>
    %add3A_152 = vector.broadcast %get3A_117 : vector<128x1xf32> to vector<128x4096xf32>
    %add3A_153 = arith.addf %mul3A_151, %add3A_152 : vector<128x4096xf32>
    %max3A = arith.constant 0.000000e+00 : f32
    %max3A_154 = vector.broadcast %max3A : f32 to vector<128x4096xf32>
    %max3A_155 = arith.maximumf %add3A_153, %max3A_154 : vector<128x4096xf32>
    %convert_element_type3A_156 = arith.truncf %max3A_155 : vector<128x4096xf32> to vector<128x4096xbf16>
    %dot_general3A_157 = arith.constant dense<0.000000e+00> : vector<128x4096xf32>
    %dot_general3A_158 = tpu.matmul %get3A_120, %convert_element_type3A_156, %dot_general3A_157 {dimension_numbers = #tpu.dot_dimension_numbers<[0], [0], [1], [1], [0, 1, 1, 1], [], []>, transpose_lhs_hint = false} : vector<128x128xbf16>, vector<128x4096xbf16>, vector<128x4096xf32> -> vector<128x4096xf32>
    %add3A_159 = vector.broadcast %get3A_123 : vector<128x1xf32> to vector<128x4096xf32>
    %add3A_160 = arith.addf %dot_general3A_158, %add3A_159 : vector<128x4096xf32>
    %convert_element_type3A_161 = arith.truncf %add3A_160 : vector<128x4096xf32> to vector<128x4096xbf16>
    %dot_general3A_162 = arith.constant dense<0.000000e+00> : vector<1x4096xf32>
    %dot_general3A_163 = tpu.matmul %broadcast_in_dim3A_105, %convert_element_type3A_161, %dot_general3A_162 {dimension_numbers = #tpu.dot_dimension_numbers<[0], [0], [1], [1], [0, 1, 1, 1], [], []>, transpose_lhs_hint = false} : vector<128x1xbf16>, vector<128x4096xbf16>, vector<1x4096xf32> -> vector<1x4096xf32>
    %sub3A_164 = vector.broadcast %dot_general3A_163 : vector<1x4096xf32> to vector<128x4096xf32>
    %sub3A_165 = arith.subf %add3A_160, %sub3A_164 : vector<128x4096xf32>
    %mul3A_166 = arith.mulf %sub3A_165, %sub3A_165 : vector<128x4096xf32>
    %convert_element_type3A_167 = arith.truncf %mul3A_166 : vector<128x4096xf32> to vector<128x4096xbf16>
    %dot_general3A_168 = arith.constant dense<0.000000e+00> : vector<1x4096xf32>
    %dot_general3A_169 = tpu.matmul %broadcast_in_dim3A_105, %convert_element_type3A_167, %dot_general3A_168 {dimension_numbers = #tpu.dot_dimension_numbers<[0], [0], [1], [1], [0, 1, 1, 1], [], []>, transpose_lhs_hint = false} : vector<128x1xbf16>, vector<128x4096xbf16>, vector<1x4096xf32> -> vector<1x4096xf32>
    %add3A_170 = arith.constant 9.99999974E-6 : f32
    %add3A_171 = vector.broadcast %add3A_170 : f32 to vector<1x4096xf32>
    %add3A_172 = arith.addf %dot_general3A_169, %add3A_171 : vector<1x4096xf32>
    %rsqrt3A_173 = math.rsqrt %add3A_172 : vector<1x4096xf32>
    %mul3A_174 = vector.broadcast %rsqrt3A_173 : vector<1x4096xf32> to vector<128x4096xf32>
    %mul3A_175 = arith.mulf %sub3A_165, %mul3A_174 : vector<128x4096xf32>
    %mul3A_176 = vector.broadcast %get3A_126 : vector<128x1xf32> to vector<128x4096xf32>
    %mul3A_177 = arith.mulf %mul3A_175, %mul3A_176 : vector<128x4096xf32>
    %add3A_178 = vector.broadcast %get3A_129 : vector<128x1xf32> to vector<128x4096xf32>
    %add3A_179 = arith.addf %mul3A_177, %add3A_178 : vector<128x4096xf32>
    %max3A_180 = arith.constant 0.000000e+00 : f32
    %max3A_181 = vector.broadcast %max3A_180 : f32 to vector<128x4096xf32>
    %max3A_182 = arith.maximumf %add3A_179, %max3A_181 : vector<128x4096xf32>
    %convert_element_type3A_183 = arith.truncf %max3A_182 : vector<128x4096xf32> to vector<128x4096xbf16>
    %dot_general3A_184 = arith.constant dense<0.000000e+00> : vector<256x4096xf32>
    %dot_general3A_185 = tpu.matmul %get3A_132, %convert_element_type3A_183, %dot_general3A_184 {dimension_numbers = #tpu.dot_dimension_numbers<[0], [0], [1], [1], [0, 1, 1, 1], [], []>, transpose_lhs_hint = false} : vector<128x256xbf16>, vector<128x4096xbf16>, vector<256x4096xf32> -> vector<256x4096xf32>
    %add3A_186 = vector.broadcast %get3A_135 : vector<256x1xf32> to vector<256x4096xf32>
    %add3A_187 = arith.addf %dot_general3A_185, %add3A_186 : vector<256x4096xf32>
    %get3A_188 = arith.constant 0 : index
    %get3A_189 = arith.constant 0 : index
    %get3A_190 = vector.load %arg21[%get3A_188, %get3A_189] : memref<5x128xbf16, #tpu.memory_space<vmem>>, vector<5x128xbf16>
    %get3A_191 = arith.constant 0 : index
    %get3A_192 = arith.constant 0 : index
    %get3A_193 = vector.load %arg22[%get3A_191, %get3A_192] : memref<128x1xf32, #tpu.memory_space<vmem>>, vector<128x1xf32>
    %get3A_194 = arith.constant 0 : index
    %get3A_195 = arith.constant 0 : index
    %get3A_196 = vector.load %arg23[%get3A_194, %get3A_195] : memref<128x1xf32, #tpu.memory_space<vmem>>, vector<128x1xf32>
    %get3A_197 = arith.constant 0 : index
    %get3A_198 = arith.constant 0 : index
    %get3A_199 = vector.load %arg24[%get3A_197, %get3A_198] : memref<128x1xf32, #tpu.memory_space<vmem>>, vector<128x1xf32>
    %get3A_200 = arith.constant 0 : index
    %get3A_201 = arith.constant 0 : index
    %get3A_202 = vector.load %arg25[%get3A_200, %get3A_201] : memref<128x128xbf16, #tpu.memory_space<vmem>>, vector<128x128xbf16>
    %get3A_203 = arith.constant 0 : index
    %get3A_204 = arith.constant 0 : index
    %get3A_205 = vector.load %arg26[%get3A_203, %get3A_204] : memref<128x1xf32, #tpu.memory_space<vmem>>, vector<128x1xf32>
    %get3A_206 = arith.constant 0 : index
    %get3A_207 = arith.constant 0 : index
    %get3A_208 = vector.load %arg27[%get3A_206, %get3A_207] : memref<128x1xf32, #tpu.memory_space<vmem>>, vector<128x1xf32>
    %get3A_209 = arith.constant 0 : index
    %get3A_210 = arith.constant 0 : index
    %get3A_211 = vector.load %arg28[%get3A_209, %get3A_210] : memref<128x1xf32, #tpu.memory_space<vmem>>, vector<128x1xf32>
    %get3A_212 = arith.constant 0 : index
    %get3A_213 = arith.constant 0 : index
    %get3A_214 = vector.load %arg29[%get3A_212, %get3A_213] : memref<128x64xbf16, #tpu.memory_space<vmem>>, vector<128x64xbf16>
    %get3A_215 = arith.constant 0 : index
    %get3A_216 = arith.constant 0 : index
    %get3A_217 = vector.load %arg30[%get3A_215, %get3A_216] : memref<64x1xf32, #tpu.memory_space<vmem>>, vector<64x1xf32>
    %convert_element_type3A_218 = arith.truncf %concatenate3A_48 : vector<5x4096xf32> to vector<5x4096xbf16>
    %dot_general3A_219 = arith.constant dense<0.000000e+00> : vector<128x4096xf32>
    %dot_general3A_220 = tpu.matmul %get3A_190, %convert_element_type3A_218, %dot_general3A_219 {dimension_numbers = #tpu.dot_dimension_numbers<[0], [0], [1], [1], [0, 1, 1, 1], [], []>, transpose_lhs_hint = false} : vector<5x128xbf16>, vector<5x4096xbf16>, vector<128x4096xf32> -> vector<128x4096xf32>
    %add3A_221 = vector.broadcast %get3A_193 : vector<128x1xf32> to vector<128x4096xf32>
    %add3A_222 = arith.addf %dot_general3A_220, %add3A_221 : vector<128x4096xf32>
    %convert_element_type3A_223 = arith.truncf %add3A_222 : vector<128x4096xf32> to vector<128x4096xbf16>
    %dot_general3A_224 = arith.constant dense<0.000000e+00> : vector<1x4096xf32>
    %dot_general3A_225 = tpu.matmul %broadcast_in_dim3A_105, %convert_element_type3A_223, %dot_general3A_224 {dimension_numbers = #tpu.dot_dimension_numbers<[0], [0], [1], [1], [0, 1, 1, 1], [], []>, transpose_lhs_hint = false} : vector<128x1xbf16>, vector<128x4096xbf16>, vector<1x4096xf32> -> vector<1x4096xf32>
    %sub3A_226 = vector.broadcast %dot_general3A_225 : vector<1x4096xf32> to vector<128x4096xf32>
    %sub3A_227 = arith.subf %add3A_222, %sub3A_226 : vector<128x4096xf32>
    %mul3A_228 = arith.mulf %sub3A_227, %sub3A_227 : vector<128x4096xf32>
    %convert_element_type3A_229 = arith.truncf %mul3A_228 : vector<128x4096xf32> to vector<128x4096xbf16>
    %dot_general3A_230 = arith.constant dense<0.000000e+00> : vector<1x4096xf32>
    %dot_general3A_231 = tpu.matmul %broadcast_in_dim3A_105, %convert_element_type3A_229, %dot_general3A_230 {dimension_numbers = #tpu.dot_dimension_numbers<[0], [0], [1], [1], [0, 1, 1, 1], [], []>, transpose_lhs_hint = false} : vector<128x1xbf16>, vector<128x4096xbf16>, vector<1x4096xf32> -> vector<1x4096xf32>
    %add3A_232 = arith.constant 9.99999974E-6 : f32
    %add3A_233 = vector.broadcast %add3A_232 : f32 to vector<1x4096xf32>
    %add3A_234 = arith.addf %dot_general3A_231, %add3A_233 : vector<1x4096xf32>
    %rsqrt3A_235 = math.rsqrt %add3A_234 : vector<1x4096xf32>
    %mul3A_236 = vector.broadcast %rsqrt3A_235 : vector<1x4096xf32> to vector<128x4096xf32>
    %mul3A_237 = arith.mulf %sub3A_227, %mul3A_236 : vector<128x4096xf32>
    %mul3A_238 = vector.broadcast %get3A_196 : vector<128x1xf32> to vector<128x4096xf32>
    %mul3A_239 = arith.mulf %mul3A_237, %mul3A_238 : vector<128x4096xf32>
    %add3A_240 = vector.broadcast %get3A_199 : vector<128x1xf32> to vector<128x4096xf32>
    %add3A_241 = arith.addf %mul3A_239, %add3A_240 : vector<128x4096xf32>
    %max3A_242 = arith.constant 0.000000e+00 : f32
    %max3A_243 = vector.broadcast %max3A_242 : f32 to vector<128x4096xf32>
    %max3A_244 = arith.maximumf %add3A_241, %max3A_243 : vector<128x4096xf32>
    %convert_element_type3A_245 = arith.truncf %max3A_244 : vector<128x4096xf32> to vector<128x4096xbf16>
    %dot_general3A_246 = arith.constant dense<0.000000e+00> : vector<128x4096xf32>
    %dot_general3A_247 = tpu.matmul %get3A_202, %convert_element_type3A_245, %dot_general3A_246 {dimension_numbers = #tpu.dot_dimension_numbers<[0], [0], [1], [1], [0, 1, 1, 1], [], []>, transpose_lhs_hint = false} : vector<128x128xbf16>, vector<128x4096xbf16>, vector<128x4096xf32> -> vector<128x4096xf32>
    %add3A_248 = vector.broadcast %get3A_205 : vector<128x1xf32> to vector<128x4096xf32>
    %add3A_249 = arith.addf %dot_general3A_247, %add3A_248 : vector<128x4096xf32>
    %convert_element_type3A_250 = arith.truncf %add3A_249 : vector<128x4096xf32> to vector<128x4096xbf16>
    %dot_general3A_251 = arith.constant dense<0.000000e+00> : vector<1x4096xf32>
    %dot_general3A_252 = tpu.matmul %broadcast_in_dim3A_105, %convert_element_type3A_250, %dot_general3A_251 {dimension_numbers = #tpu.dot_dimension_numbers<[0], [0], [1], [1], [0, 1, 1, 1], [], []>, transpose_lhs_hint = false} : vector<128x1xbf16>, vector<128x4096xbf16>, vector<1x4096xf32> -> vector<1x4096xf32>
    %sub3A_253 = vector.broadcast %dot_general3A_252 : vector<1x4096xf32> to vector<128x4096xf32>
    %sub3A_254 = arith.subf %add3A_249, %sub3A_253 : vector<128x4096xf32>
    %mul3A_255 = arith.mulf %sub3A_254, %sub3A_254 : vector<128x4096xf32>
    %convert_element_type3A_256 = arith.truncf %mul3A_255 : vector<128x4096xf32> to vector<128x4096xbf16>
    %dot_general3A_257 = arith.constant dense<0.000000e+00> : vector<1x4096xf32>
    %dot_general3A_258 = tpu.matmul %broadcast_in_dim3A_105, %convert_element_type3A_256, %dot_general3A_257 {dimension_numbers = #tpu.dot_dimension_numbers<[0], [0], [1], [1], [0, 1, 1, 1], [], []>, transpose_lhs_hint = false} : vector<128x1xbf16>, vector<128x4096xbf16>, vector<1x4096xf32> -> vector<1x4096xf32>
    %add3A_259 = arith.constant 9.99999974E-6 : f32
    %add3A_260 = vector.broadcast %add3A_259 : f32 to vector<1x4096xf32>
    %add3A_261 = arith.addf %dot_general3A_258, %add3A_260 : vector<1x4096xf32>
    %rsqrt3A_262 = math.rsqrt %add3A_261 : vector<1x4096xf32>
    %mul3A_263 = vector.broadcast %rsqrt3A_262 : vector<1x4096xf32> to vector<128x4096xf32>
    %mul3A_264 = arith.mulf %sub3A_254, %mul3A_263 : vector<128x4096xf32>
    %mul3A_265 = vector.broadcast %get3A_208 : vector<128x1xf32> to vector<128x4096xf32>
    %mul3A_266 = arith.mulf %mul3A_264, %mul3A_265 : vector<128x4096xf32>
    %add3A_267 = vector.broadcast %get3A_211 : vector<128x1xf32> to vector<128x4096xf32>
    %add3A_268 = arith.addf %mul3A_266, %add3A_267 : vector<128x4096xf32>
    %max3A_269 = arith.constant 0.000000e+00 : f32
    %max3A_270 = vector.broadcast %max3A_269 : f32 to vector<128x4096xf32>
    %max3A_271 = arith.maximumf %add3A_268, %max3A_270 : vector<128x4096xf32>
    %convert_element_type3A_272 = arith.truncf %max3A_271 : vector<128x4096xf32> to vector<128x4096xbf16>
    %dot_general3A_273 = arith.constant dense<0.000000e+00> : vector<64x4096xf32>
    %dot_general3A_274 = tpu.matmul %get3A_214, %convert_element_type3A_272, %dot_general3A_273 {dimension_numbers = #tpu.dot_dimension_numbers<[0], [0], [1], [1], [0, 1, 1, 1], [], []>, transpose_lhs_hint = false} : vector<128x64xbf16>, vector<128x4096xbf16>, vector<64x4096xf32> -> vector<64x4096xf32>
    %add3A_275 = vector.broadcast %get3A_217 : vector<64x1xf32> to vector<64x4096xf32>
    %add3A_276 = arith.addf %dot_general3A_274, %add3A_275 : vector<64x4096xf32>
    %get3A_277 = arith.constant 0 : index
    %get3A_278 = arith.constant 0 : index
    %get3A_279 = vector.load %arg31[%get3A_277, %get3A_278] : memref<5x128xbf16, #tpu.memory_space<vmem>>, vector<5x128xbf16>
    %get3A_280 = arith.constant 0 : index
    %get3A_281 = arith.constant 0 : index
    %get3A_282 = vector.load %arg32[%get3A_280, %get3A_281] : memref<128x1xf32, #tpu.memory_space<vmem>>, vector<128x1xf32>
    %get3A_283 = arith.constant 0 : index
    %get3A_284 = arith.constant 0 : index
    %get3A_285 = vector.load %arg33[%get3A_283, %get3A_284] : memref<128x1xf32, #tpu.memory_space<vmem>>, vector<128x1xf32>
    %get3A_286 = arith.constant 0 : index
    %get3A_287 = arith.constant 0 : index
    %get3A_288 = vector.load %arg34[%get3A_286, %get3A_287] : memref<128x1xf32, #tpu.memory_space<vmem>>, vector<128x1xf32>
    %get3A_289 = arith.constant 0 : index
    %get3A_290 = arith.constant 0 : index
    %get3A_291 = vector.load %arg35[%get3A_289, %get3A_290] : memref<128x128xbf16, #tpu.memory_space<vmem>>, vector<128x128xbf16>
    %get3A_292 = arith.constant 0 : index
    %get3A_293 = arith.constant 0 : index
    %get3A_294 = vector.load %arg36[%get3A_292, %get3A_293] : memref<128x1xf32, #tpu.memory_space<vmem>>, vector<128x1xf32>
    %get3A_295 = arith.constant 0 : index
    %get3A_296 = arith.constant 0 : index
    %get3A_297 = vector.load %arg37[%get3A_295, %get3A_296] : memref<128x1xf32, #tpu.memory_space<vmem>>, vector<128x1xf32>
    %get3A_298 = arith.constant 0 : index
    %get3A_299 = arith.constant 0 : index
    %get3A_300 = vector.load %arg38[%get3A_298, %get3A_299] : memref<128x1xf32, #tpu.memory_space<vmem>>, vector<128x1xf32>
    %get3A_301 = arith.constant 0 : index
    %get3A_302 = arith.constant 0 : index
    %get3A_303 = vector.load %arg39[%get3A_301, %get3A_302] : memref<128x64xbf16, #tpu.memory_space<vmem>>, vector<128x64xbf16>
    %get3A_304 = arith.constant 0 : index
    %get3A_305 = arith.constant 0 : index
    %get3A_306 = vector.load %arg40[%get3A_304, %get3A_305] : memref<64x1xf32, #tpu.memory_space<vmem>>, vector<64x1xf32>
    %convert_element_type3A_307 = arith.truncf %concatenate3A_48 : vector<5x4096xf32> to vector<5x4096xbf16>
    %dot_general3A_308 = arith.constant dense<0.000000e+00> : vector<128x4096xf32>
    %dot_general3A_309 = tpu.matmul %get3A_279, %convert_element_type3A_307, %dot_general3A_308 {dimension_numbers = #tpu.dot_dimension_numbers<[0], [0], [1], [1], [0, 1, 1, 1], [], []>, transpose_lhs_hint = false} : vector<5x128xbf16>, vector<5x4096xbf16>, vector<128x4096xf32> -> vector<128x4096xf32>
    %add3A_310 = vector.broadcast %get3A_282 : vector<128x1xf32> to vector<128x4096xf32>
    %add3A_311 = arith.addf %dot_general3A_309, %add3A_310 : vector<128x4096xf32>
    %convert_element_type3A_312 = arith.truncf %add3A_311 : vector<128x4096xf32> to vector<128x4096xbf16>
    %dot_general3A_313 = arith.constant dense<0.000000e+00> : vector<1x4096xf32>
    %dot_general3A_314 = tpu.matmul %broadcast_in_dim3A_105, %convert_element_type3A_312, %dot_general3A_313 {dimension_numbers = #tpu.dot_dimension_numbers<[0], [0], [1], [1], [0, 1, 1, 1], [], []>, transpose_lhs_hint = false} : vector<128x1xbf16>, vector<128x4096xbf16>, vector<1x4096xf32> -> vector<1x4096xf32>
    %sub3A_315 = vector.broadcast %dot_general3A_314 : vector<1x4096xf32> to vector<128x4096xf32>
    %sub3A_316 = arith.subf %add3A_311, %sub3A_315 : vector<128x4096xf32>
    %mul3A_317 = arith.mulf %sub3A_316, %sub3A_316 : vector<128x4096xf32>
    %convert_element_type3A_318 = arith.truncf %mul3A_317 : vector<128x4096xf32> to vector<128x4096xbf16>
    %dot_general3A_319 = arith.constant dense<0.000000e+00> : vector<1x4096xf32>
    %dot_general3A_320 = tpu.matmul %broadcast_in_dim3A_105, %convert_element_type3A_318, %dot_general3A_319 {dimension_numbers = #tpu.dot_dimension_numbers<[0], [0], [1], [1], [0, 1, 1, 1], [], []>, transpose_lhs_hint = false} : vector<128x1xbf16>, vector<128x4096xbf16>, vector<1x4096xf32> -> vector<1x4096xf32>
    %add3A_321 = arith.constant 9.99999974E-6 : f32
    %add3A_322 = vector.broadcast %add3A_321 : f32 to vector<1x4096xf32>
    %add3A_323 = arith.addf %dot_general3A_320, %add3A_322 : vector<1x4096xf32>
    %rsqrt3A_324 = math.rsqrt %add3A_323 : vector<1x4096xf32>
    %mul3A_325 = vector.broadcast %rsqrt3A_324 : vector<1x4096xf32> to vector<128x4096xf32>
    %mul3A_326 = arith.mulf %sub3A_316, %mul3A_325 : vector<128x4096xf32>
    %mul3A_327 = vector.broadcast %get3A_285 : vector<128x1xf32> to vector<128x4096xf32>
    %mul3A_328 = arith.mulf %mul3A_326, %mul3A_327 : vector<128x4096xf32>
    %add3A_329 = vector.broadcast %get3A_288 : vector<128x1xf32> to vector<128x4096xf32>
    %add3A_330 = arith.addf %mul3A_328, %add3A_329 : vector<128x4096xf32>
    %max3A_331 = arith.constant 0.000000e+00 : f32
    %max3A_332 = vector.broadcast %max3A_331 : f32 to vector<128x4096xf32>
    %max3A_333 = arith.maximumf %add3A_330, %max3A_332 : vector<128x4096xf32>
    %convert_element_type3A_334 = arith.truncf %max3A_333 : vector<128x4096xf32> to vector<128x4096xbf16>
    %dot_general3A_335 = arith.constant dense<0.000000e+00> : vector<128x4096xf32>
    %dot_general3A_336 = tpu.matmul %get3A_291, %convert_element_type3A_334, %dot_general3A_335 {dimension_numbers = #tpu.dot_dimension_numbers<[0], [0], [1], [1], [0, 1, 1, 1], [], []>, transpose_lhs_hint = false} : vector<128x128xbf16>, vector<128x4096xbf16>, vector<128x4096xf32> -> vector<128x4096xf32>
    %add3A_337 = vector.broadcast %get3A_294 : vector<128x1xf32> to vector<128x4096xf32>
    %add3A_338 = arith.addf %dot_general3A_336, %add3A_337 : vector<128x4096xf32>
    %convert_element_type3A_339 = arith.truncf %add3A_338 : vector<128x4096xf32> to vector<128x4096xbf16>
    %dot_general3A_340 = arith.constant dense<0.000000e+00> : vector<1x4096xf32>
    %dot_general3A_341 = tpu.matmul %broadcast_in_dim3A_105, %convert_element_type3A_339, %dot_general3A_340 {dimension_numbers = #tpu.dot_dimension_numbers<[0], [0], [1], [1], [0, 1, 1, 1], [], []>, transpose_lhs_hint = false} : vector<128x1xbf16>, vector<128x4096xbf16>, vector<1x4096xf32> -> vector<1x4096xf32>
    %sub3A_342 = vector.broadcast %dot_general3A_341 : vector<1x4096xf32> to vector<128x4096xf32>
    %sub3A_343 = arith.subf %add3A_338, %sub3A_342 : vector<128x4096xf32>
    %mul3A_344 = arith.mulf %sub3A_343, %sub3A_343 : vector<128x4096xf32>
    %convert_element_type3A_345 = arith.truncf %mul3A_344 : vector<128x4096xf32> to vector<128x4096xbf16>
    %dot_general3A_346 = arith.constant dense<0.000000e+00> : vector<1x4096xf32>
    %dot_general3A_347 = tpu.matmul %broadcast_in_dim3A_105, %convert_element_type3A_345, %dot_general3A_346 {dimension_numbers = #tpu.dot_dimension_numbers<[0], [0], [1], [1], [0, 1, 1, 1], [], []>, transpose_lhs_hint = false} : vector<128x1xbf16>, vector<128x4096xbf16>, vector<1x4096xf32> -> vector<1x4096xf32>
    %add3A_348 = arith.constant 9.99999974E-6 : f32
    %add3A_349 = vector.broadcast %add3A_348 : f32 to vector<1x4096xf32>
    %add3A_350 = arith.addf %dot_general3A_347, %add3A_349 : vector<1x4096xf32>
    %rsqrt3A_351 = math.rsqrt %add3A_350 : vector<1x4096xf32>
    %mul3A_352 = vector.broadcast %rsqrt3A_351 : vector<1x4096xf32> to vector<128x4096xf32>
    %mul3A_353 = arith.mulf %sub3A_343, %mul3A_352 : vector<128x4096xf32>
    %mul3A_354 = vector.broadcast %get3A_297 : vector<128x1xf32> to vector<128x4096xf32>
    %mul3A_355 = arith.mulf %mul3A_353, %mul3A_354 : vector<128x4096xf32>
    %add3A_356 = vector.broadcast %get3A_300 : vector<128x1xf32> to vector<128x4096xf32>
    %add3A_357 = arith.addf %mul3A_355, %add3A_356 : vector<128x4096xf32>
    %max3A_358 = arith.constant 0.000000e+00 : f32
    %max3A_359 = vector.broadcast %max3A_358 : f32 to vector<128x4096xf32>
    %max3A_360 = arith.maximumf %add3A_357, %max3A_359 : vector<128x4096xf32>
    %convert_element_type3A_361 = arith.truncf %max3A_360 : vector<128x4096xf32> to vector<128x4096xbf16>
    %dot_general3A_362 = arith.constant dense<0.000000e+00> : vector<64x4096xf32>
    %dot_general3A_363 = tpu.matmul %get3A_303, %convert_element_type3A_361, %dot_general3A_362 {dimension_numbers = #tpu.dot_dimension_numbers<[0], [0], [1], [1], [0, 1, 1, 1], [], []>, transpose_lhs_hint = false} : vector<128x64xbf16>, vector<128x4096xbf16>, vector<64x4096xf32> -> vector<64x4096xf32>
    %add3A_364 = vector.broadcast %get3A_306 : vector<64x1xf32> to vector<64x4096xf32>
    %add3A_365 = arith.addf %dot_general3A_363, %add3A_364 : vector<64x4096xf32>
    %get3A_366 = arith.constant 0 : index
    %get3A_367 = arith.constant 0 : index
    %get3A_368 = vector.load %arg41[%get3A_366, %get3A_367] : memref<5x128xbf16, #tpu.memory_space<vmem>>, vector<5x128xbf16>
    %get3A_369 = arith.constant 0 : index
    %get3A_370 = arith.constant 0 : index
    %get3A_371 = vector.load %arg42[%get3A_369, %get3A_370] : memref<128x1xf32, #tpu.memory_space<vmem>>, vector<128x1xf32>
    %get3A_372 = arith.constant 0 : index
    %get3A_373 = arith.constant 0 : index
    %get3A_374 = vector.load %arg43[%get3A_372, %get3A_373] : memref<128x1xf32, #tpu.memory_space<vmem>>, vector<128x1xf32>
    %get3A_375 = arith.constant 0 : index
    %get3A_376 = arith.constant 0 : index
    %get3A_377 = vector.load %arg44[%get3A_375, %get3A_376] : memref<128x1xf32, #tpu.memory_space<vmem>>, vector<128x1xf32>
    %get3A_378 = arith.constant 0 : index
    %get3A_379 = arith.constant 0 : index
    %get3A_380 = vector.load %arg45[%get3A_378, %get3A_379] : memref<128x128xbf16, #tpu.memory_space<vmem>>, vector<128x128xbf16>
    %get3A_381 = arith.constant 0 : index
    %get3A_382 = arith.constant 0 : index
    %get3A_383 = vector.load %arg46[%get3A_381, %get3A_382] : memref<128x1xf32, #tpu.memory_space<vmem>>, vector<128x1xf32>
    %get3A_384 = arith.constant 0 : index
    %get3A_385 = arith.constant 0 : index
    %get3A_386 = vector.load %arg47[%get3A_384, %get3A_385] : memref<128x1xf32, #tpu.memory_space<vmem>>, vector<128x1xf32>
    %get3A_387 = arith.constant 0 : index
    %get3A_388 = arith.constant 0 : index
    %get3A_389 = vector.load %arg48[%get3A_387, %get3A_388] : memref<128x1xf32, #tpu.memory_space<vmem>>, vector<128x1xf32>
    %get3A_390 = arith.constant 0 : index
    %get3A_391 = arith.constant 0 : index
    %get3A_392 = vector.load %arg49[%get3A_390, %get3A_391] : memref<128x48xbf16, #tpu.memory_space<vmem>>, vector<128x48xbf16>
    %get3A_393 = arith.constant 0 : index
    %get3A_394 = arith.constant 0 : index
    %get3A_395 = vector.load %arg50[%get3A_393, %get3A_394] : memref<48x1xf32, #tpu.memory_space<vmem>>, vector<48x1xf32>
    %convert_element_type3A_396 = arith.truncf %concatenate3A_48 : vector<5x4096xf32> to vector<5x4096xbf16>
    %dot_general3A_397 = arith.constant dense<0.000000e+00> : vector<128x4096xf32>
    %dot_general3A_398 = tpu.matmul %get3A_368, %convert_element_type3A_396, %dot_general3A_397 {dimension_numbers = #tpu.dot_dimension_numbers<[0], [0], [1], [1], [0, 1, 1, 1], [], []>, transpose_lhs_hint = false} : vector<5x128xbf16>, vector<5x4096xbf16>, vector<128x4096xf32> -> vector<128x4096xf32>
    %add3A_399 = vector.broadcast %get3A_371 : vector<128x1xf32> to vector<128x4096xf32>
    %add3A_400 = arith.addf %dot_general3A_398, %add3A_399 : vector<128x4096xf32>
    %convert_element_type3A_401 = arith.truncf %add3A_400 : vector<128x4096xf32> to vector<128x4096xbf16>
    %dot_general3A_402 = arith.constant dense<0.000000e+00> : vector<1x4096xf32>
    %dot_general3A_403 = tpu.matmul %broadcast_in_dim3A_105, %convert_element_type3A_401, %dot_general3A_402 {dimension_numbers = #tpu.dot_dimension_numbers<[0], [0], [1], [1], [0, 1, 1, 1], [], []>, transpose_lhs_hint = false} : vector<128x1xbf16>, vector<128x4096xbf16>, vector<1x4096xf32> -> vector<1x4096xf32>
    %sub3A_404 = vector.broadcast %dot_general3A_403 : vector<1x4096xf32> to vector<128x4096xf32>
    %sub3A_405 = arith.subf %add3A_400, %sub3A_404 : vector<128x4096xf32>
    %mul3A_406 = arith.mulf %sub3A_405, %sub3A_405 : vector<128x4096xf32>
    %convert_element_type3A_407 = arith.truncf %mul3A_406 : vector<128x4096xf32> to vector<128x4096xbf16>
    %dot_general3A_408 = arith.constant dense<0.000000e+00> : vector<1x4096xf32>
    %dot_general3A_409 = tpu.matmul %broadcast_in_dim3A_105, %convert_element_type3A_407, %dot_general3A_408 {dimension_numbers = #tpu.dot_dimension_numbers<[0], [0], [1], [1], [0, 1, 1, 1], [], []>, transpose_lhs_hint = false} : vector<128x1xbf16>, vector<128x4096xbf16>, vector<1x4096xf32> -> vector<1x4096xf32>
    %add3A_410 = arith.constant 9.99999974E-6 : f32
    %add3A_411 = vector.broadcast %add3A_410 : f32 to vector<1x4096xf32>
    %add3A_412 = arith.addf %dot_general3A_409, %add3A_411 : vector<1x4096xf32>
    %rsqrt3A_413 = math.rsqrt %add3A_412 : vector<1x4096xf32>
    %mul3A_414 = vector.broadcast %rsqrt3A_413 : vector<1x4096xf32> to vector<128x4096xf32>
    %mul3A_415 = arith.mulf %sub3A_405, %mul3A_414 : vector<128x4096xf32>
    %mul3A_416 = vector.broadcast %get3A_374 : vector<128x1xf32> to vector<128x4096xf32>
    %mul3A_417 = arith.mulf %mul3A_415, %mul3A_416 : vector<128x4096xf32>
    %add3A_418 = vector.broadcast %get3A_377 : vector<128x1xf32> to vector<128x4096xf32>
    %add3A_419 = arith.addf %mul3A_417, %add3A_418 : vector<128x4096xf32>
    %max3A_420 = arith.constant 0.000000e+00 : f32
    %max3A_421 = vector.broadcast %max3A_420 : f32 to vector<128x4096xf32>
    %max3A_422 = arith.maximumf %add3A_419, %max3A_421 : vector<128x4096xf32>
    %convert_element_type3A_423 = arith.truncf %max3A_422 : vector<128x4096xf32> to vector<128x4096xbf16>
    %dot_general3A_424 = arith.constant dense<0.000000e+00> : vector<128x4096xf32>
    %dot_general3A_425 = tpu.matmul %get3A_380, %convert_element_type3A_423, %dot_general3A_424 {dimension_numbers = #tpu.dot_dimension_numbers<[0], [0], [1], [1], [0, 1, 1, 1], [], []>, transpose_lhs_hint = false} : vector<128x128xbf16>, vector<128x4096xbf16>, vector<128x4096xf32> -> vector<128x4096xf32>
    %add3A_426 = vector.broadcast %get3A_383 : vector<128x1xf32> to vector<128x4096xf32>
    %add3A_427 = arith.addf %dot_general3A_425, %add3A_426 : vector<128x4096xf32>
    %convert_element_type3A_428 = arith.truncf %add3A_427 : vector<128x4096xf32> to vector<128x4096xbf16>
    %dot_general3A_429 = arith.constant dense<0.000000e+00> : vector<1x4096xf32>
    %dot_general3A_430 = tpu.matmul %broadcast_in_dim3A_105, %convert_element_type3A_428, %dot_general3A_429 {dimension_numbers = #tpu.dot_dimension_numbers<[0], [0], [1], [1], [0, 1, 1, 1], [], []>, transpose_lhs_hint = false} : vector<128x1xbf16>, vector<128x4096xbf16>, vector<1x4096xf32> -> vector<1x4096xf32>
    %sub3A_431 = vector.broadcast %dot_general3A_430 : vector<1x4096xf32> to vector<128x4096xf32>
    %sub3A_432 = arith.subf %add3A_427, %sub3A_431 : vector<128x4096xf32>
    %mul3A_433 = arith.mulf %sub3A_432, %sub3A_432 : vector<128x4096xf32>
    %convert_element_type3A_434 = arith.truncf %mul3A_433 : vector<128x4096xf32> to vector<128x4096xbf16>
    %dot_general3A_435 = arith.constant dense<0.000000e+00> : vector<1x4096xf32>
    %dot_general3A_436 = tpu.matmul %broadcast_in_dim3A_105, %convert_element_type3A_434, %dot_general3A_435 {dimension_numbers = #tpu.dot_dimension_numbers<[0], [0], [1], [1], [0, 1, 1, 1], [], []>, transpose_lhs_hint = false} : vector<128x1xbf16>, vector<128x4096xbf16>, vector<1x4096xf32> -> vector<1x4096xf32>
    %add3A_437 = arith.constant 9.99999974E-6 : f32
    %add3A_438 = vector.broadcast %add3A_437 : f32 to vector<1x4096xf32>
    %add3A_439 = arith.addf %dot_general3A_436, %add3A_438 : vector<1x4096xf32>
    %rsqrt3A_440 = math.rsqrt %add3A_439 : vector<1x4096xf32>
    %mul3A_441 = vector.broadcast %rsqrt3A_440 : vector<1x4096xf32> to vector<128x4096xf32>
    %mul3A_442 = arith.mulf %sub3A_432, %mul3A_441 : vector<128x4096xf32>
    %mul3A_443 = vector.broadcast %get3A_386 : vector<128x1xf32> to vector<128x4096xf32>
    %mul3A_444 = arith.mulf %mul3A_442, %mul3A_443 : vector<128x4096xf32>
    %add3A_445 = vector.broadcast %get3A_389 : vector<128x1xf32> to vector<128x4096xf32>
    %add3A_446 = arith.addf %mul3A_444, %add3A_445 : vector<128x4096xf32>
    %max3A_447 = arith.constant 0.000000e+00 : f32
    %max3A_448 = vector.broadcast %max3A_447 : f32 to vector<128x4096xf32>
    %max3A_449 = arith.maximumf %add3A_446, %max3A_448 : vector<128x4096xf32>
    %convert_element_type3A_450 = arith.truncf %max3A_449 : vector<128x4096xf32> to vector<128x4096xbf16>
    %dot_general3A_451 = arith.constant dense<0.000000e+00> : vector<48x4096xf32>
    %dot_general3A_452 = tpu.matmul %get3A_392, %convert_element_type3A_450, %dot_general3A_451 {dimension_numbers = #tpu.dot_dimension_numbers<[0], [0], [1], [1], [0, 1, 1, 1], [], []>, transpose_lhs_hint = false} : vector<128x48xbf16>, vector<128x4096xbf16>, vector<48x4096xf32> -> vector<48x4096xf32>
    %add3A_453 = vector.broadcast %get3A_395 : vector<48x1xf32> to vector<48x4096xf32>
    %add3A_454 = arith.addf %dot_general3A_452, %add3A_453 : vector<48x4096xf32>
    %mul3A_455 = vector.broadcast %concatenate3A_57 : vector<1x4096xf32> to vector<16x4096xf32>
    %mul3A_456 = arith.mulf %mul3A_455, %slice3A_103 : vector<16x4096xf32>
    %slice3A_457 = vector.extract_strided_slice %add3A_187 {offsets = [0, 0], sizes = [16, 4096], strides = [1, 1]} : vector<256x4096xf32> to vector<16x4096xf32>
    %slice3A_458 = vector.extract_strided_slice %mul3A_456 {offsets = [0, 0], sizes = [1, 4096], strides = [1, 1]} : vector<16x4096xf32> to vector<1x4096xf32>
    %mul3A_459 = vector.broadcast %slice3A_458 : vector<1x4096xf32> to vector<16x4096xf32>
    %mul3A_460 = arith.mulf %slice3A_457, %mul3A_459 : vector<16x4096xf32>
    %slice3A_461 = vector.extract_strided_slice %add3A_187 {offsets = [16, 0], sizes = [16, 4096], strides = [1, 1]} : vector<256x4096xf32> to vector<16x4096xf32>
    %slice3A_462 = vector.extract_strided_slice %mul3A_456 {offsets = [1, 0], sizes = [1, 4096], strides = [1, 1]} : vector<16x4096xf32> to vector<1x4096xf32>
    %mul3A_463 = vector.broadcast %slice3A_462 : vector<1x4096xf32> to vector<16x4096xf32>
    %mul3A_464 = arith.mulf %slice3A_461, %mul3A_463 : vector<16x4096xf32>
    %add3A_465 = arith.addf %mul3A_460, %mul3A_464 : vector<16x4096xf32>
    %slice3A_466 = vector.extract_strided_slice %add3A_187 {offsets = [32, 0], sizes = [16, 4096], strides = [1, 1]} : vector<256x4096xf32> to vector<16x4096xf32>
    %slice3A_467 = vector.extract_strided_slice %mul3A_456 {offsets = [2, 0], sizes = [1, 4096], strides = [1, 1]} : vector<16x4096xf32> to vector<1x4096xf32>
    %mul3A_468 = vector.broadcast %slice3A_467 : vector<1x4096xf32> to vector<16x4096xf32>
    %mul3A_469 = arith.mulf %slice3A_466, %mul3A_468 : vector<16x4096xf32>
    %add3A_470 = arith.addf %add3A_465, %mul3A_469 : vector<16x4096xf32>
    %slice3A_471 = vector.extract_strided_slice %add3A_187 {offsets = [48, 0], sizes = [16, 4096], strides = [1, 1]} : vector<256x4096xf32> to vector<16x4096xf32>
    %slice3A_472 = vector.extract_strided_slice %mul3A_456 {offsets = [3, 0], sizes = [1, 4096], strides = [1, 1]} : vector<16x4096xf32> to vector<1x4096xf32>
    %mul3A_473 = vector.broadcast %slice3A_472 : vector<1x4096xf32> to vector<16x4096xf32>
    %mul3A_474 = arith.mulf %slice3A_471, %mul3A_473 : vector<16x4096xf32>
    %add3A_475 = arith.addf %add3A_470, %mul3A_474 : vector<16x4096xf32>
    %slice3A_476 = vector.extract_strided_slice %add3A_187 {offsets = [64, 0], sizes = [16, 4096], strides = [1, 1]} : vector<256x4096xf32> to vector<16x4096xf32>
    %slice3A_477 = vector.extract_strided_slice %mul3A_456 {offsets = [4, 0], sizes = [1, 4096], strides = [1, 1]} : vector<16x4096xf32> to vector<1x4096xf32>
    %mul3A_478 = vector.broadcast %slice3A_477 : vector<1x4096xf32> to vector<16x4096xf32>
    %mul3A_479 = arith.mulf %slice3A_476, %mul3A_478 : vector<16x4096xf32>
    %add3A_480 = arith.addf %add3A_475, %mul3A_479 : vector<16x4096xf32>
    %slice3A_481 = vector.extract_strided_slice %add3A_187 {offsets = [80, 0], sizes = [16, 4096], strides = [1, 1]} : vector<256x4096xf32> to vector<16x4096xf32>
    %slice3A_482 = vector.extract_strided_slice %mul3A_456 {offsets = [5, 0], sizes = [1, 4096], strides = [1, 1]} : vector<16x4096xf32> to vector<1x4096xf32>
    %mul3A_483 = vector.broadcast %slice3A_482 : vector<1x4096xf32> to vector<16x4096xf32>
    %mul3A_484 = arith.mulf %slice3A_481, %mul3A_483 : vector<16x4096xf32>
    %add3A_485 = arith.addf %add3A_480, %mul3A_484 : vector<16x4096xf32>
    %slice3A_486 = vector.extract_strided_slice %add3A_187 {offsets = [96, 0], sizes = [16, 4096], strides = [1, 1]} : vector<256x4096xf32> to vector<16x4096xf32>
    %slice3A_487 = vector.extract_strided_slice %mul3A_456 {offsets = [6, 0], sizes = [1, 4096], strides = [1, 1]} : vector<16x4096xf32> to vector<1x4096xf32>
    %mul3A_488 = vector.broadcast %slice3A_487 : vector<1x4096xf32> to vector<16x4096xf32>
    %mul3A_489 = arith.mulf %slice3A_486, %mul3A_488 : vector<16x4096xf32>
    %add3A_490 = arith.addf %add3A_485, %mul3A_489 : vector<16x4096xf32>
    %slice3A_491 = vector.extract_strided_slice %add3A_187 {offsets = [112, 0], sizes = [16, 4096], strides = [1, 1]} : vector<256x4096xf32> to vector<16x4096xf32>
    %slice3A_492 = vector.extract_strided_slice %mul3A_456 {offsets = [7, 0], sizes = [1, 4096], strides = [1, 1]} : vector<16x4096xf32> to vector<1x4096xf32>
    %mul3A_493 = vector.broadcast %slice3A_492 : vector<1x4096xf32> to vector<16x4096xf32>
    %mul3A_494 = arith.mulf %slice3A_491, %mul3A_493 : vector<16x4096xf32>
    %add3A_495 = arith.addf %add3A_490, %mul3A_494 : vector<16x4096xf32>
    %slice3A_496 = vector.extract_strided_slice %add3A_187 {offsets = [128, 0], sizes = [16, 4096], strides = [1, 1]} : vector<256x4096xf32> to vector<16x4096xf32>
    %slice3A_497 = vector.extract_strided_slice %mul3A_456 {offsets = [8, 0], sizes = [1, 4096], strides = [1, 1]} : vector<16x4096xf32> to vector<1x4096xf32>
    %mul3A_498 = vector.broadcast %slice3A_497 : vector<1x4096xf32> to vector<16x4096xf32>
    %mul3A_499 = arith.mulf %slice3A_496, %mul3A_498 : vector<16x4096xf32>
    %add3A_500 = arith.addf %add3A_495, %mul3A_499 : vector<16x4096xf32>
    %slice3A_501 = vector.extract_strided_slice %add3A_187 {offsets = [144, 0], sizes = [16, 4096], strides = [1, 1]} : vector<256x4096xf32> to vector<16x4096xf32>
    %slice3A_502 = vector.extract_strided_slice %mul3A_456 {offsets = [9, 0], sizes = [1, 4096], strides = [1, 1]} : vector<16x4096xf32> to vector<1x4096xf32>
    %mul3A_503 = vector.broadcast %slice3A_502 : vector<1x4096xf32> to vector<16x4096xf32>
    %mul3A_504 = arith.mulf %slice3A_501, %mul3A_503 : vector<16x4096xf32>
    %add3A_505 = arith.addf %add3A_500, %mul3A_504 : vector<16x4096xf32>
    %slice3A_506 = vector.extract_strided_slice %add3A_187 {offsets = [160, 0], sizes = [16, 4096], strides = [1, 1]} : vector<256x4096xf32> to vector<16x4096xf32>
    %slice3A_507 = vector.extract_strided_slice %mul3A_456 {offsets = [10, 0], sizes = [1, 4096], strides = [1, 1]} : vector<16x4096xf32> to vector<1x4096xf32>
    %mul3A_508 = vector.broadcast %slice3A_507 : vector<1x4096xf32> to vector<16x4096xf32>
    %mul3A_509 = arith.mulf %slice3A_506, %mul3A_508 : vector<16x4096xf32>
    %add3A_510 = arith.addf %add3A_505, %mul3A_509 : vector<16x4096xf32>
    %slice3A_511 = vector.extract_strided_slice %add3A_187 {offsets = [176, 0], sizes = [16, 4096], strides = [1, 1]} : vector<256x4096xf32> to vector<16x4096xf32>
    %slice3A_512 = vector.extract_strided_slice %mul3A_456 {offsets = [11, 0], sizes = [1, 4096], strides = [1, 1]} : vector<16x4096xf32> to vector<1x4096xf32>
    %mul3A_513 = vector.broadcast %slice3A_512 : vector<1x4096xf32> to vector<16x4096xf32>
    %mul3A_514 = arith.mulf %slice3A_511, %mul3A_513 : vector<16x4096xf32>
    %add3A_515 = arith.addf %add3A_510, %mul3A_514 : vector<16x4096xf32>
    %slice3A_516 = vector.extract_strided_slice %add3A_187 {offsets = [192, 0], sizes = [16, 4096], strides = [1, 1]} : vector<256x4096xf32> to vector<16x4096xf32>
    %slice3A_517 = vector.extract_strided_slice %mul3A_456 {offsets = [12, 0], sizes = [1, 4096], strides = [1, 1]} : vector<16x4096xf32> to vector<1x4096xf32>
    %mul3A_518 = vector.broadcast %slice3A_517 : vector<1x4096xf32> to vector<16x4096xf32>
    %mul3A_519 = arith.mulf %slice3A_516, %mul3A_518 : vector<16x4096xf32>
    %add3A_520 = arith.addf %add3A_515, %mul3A_519 : vector<16x4096xf32>
    %slice3A_521 = vector.extract_strided_slice %add3A_187 {offsets = [208, 0], sizes = [16, 4096], strides = [1, 1]} : vector<256x4096xf32> to vector<16x4096xf32>
    %slice3A_522 = vector.extract_strided_slice %mul3A_456 {offsets = [13, 0], sizes = [1, 4096], strides = [1, 1]} : vector<16x4096xf32> to vector<1x4096xf32>
    %mul3A_523 = vector.broadcast %slice3A_522 : vector<1x4096xf32> to vector<16x4096xf32>
    %mul3A_524 = arith.mulf %slice3A_521, %mul3A_523 : vector<16x4096xf32>
    %add3A_525 = arith.addf %add3A_520, %mul3A_524 : vector<16x4096xf32>
    %slice3A_526 = vector.extract_strided_slice %add3A_187 {offsets = [224, 0], sizes = [16, 4096], strides = [1, 1]} : vector<256x4096xf32> to vector<16x4096xf32>
    %slice3A_527 = vector.extract_strided_slice %mul3A_456 {offsets = [14, 0], sizes = [1, 4096], strides = [1, 1]} : vector<16x4096xf32> to vector<1x4096xf32>
    %mul3A_528 = vector.broadcast %slice3A_527 : vector<1x4096xf32> to vector<16x4096xf32>
    %mul3A_529 = arith.mulf %slice3A_526, %mul3A_528 : vector<16x4096xf32>
    %add3A_530 = arith.addf %add3A_525, %mul3A_529 : vector<16x4096xf32>
    %slice3A_531 = vector.extract_strided_slice %add3A_187 {offsets = [240, 0], sizes = [16, 4096], strides = [1, 1]} : vector<256x4096xf32> to vector<16x4096xf32>
    %slice3A_532 = vector.extract_strided_slice %mul3A_456 {offsets = [15, 0], sizes = [1, 4096], strides = [1, 1]} : vector<16x4096xf32> to vector<1x4096xf32>
    %mul3A_533 = vector.broadcast %slice3A_532 : vector<1x4096xf32> to vector<16x4096xf32>
    %mul3A_534 = arith.mulf %slice3A_531, %mul3A_533 : vector<16x4096xf32>
    %add3A_535 = arith.addf %add3A_530, %mul3A_534 : vector<16x4096xf32>
    %slice3A_536 = vector.extract_strided_slice %slice3A_104 {offsets = [0, 0], sizes = [4, 4096], strides = [1, 1]} : vector<12x4096xf32> to vector<4x4096xf32>
    %slice3A_537 = vector.extract_strided_slice %concatenate3A_75 {offsets = [0, 0], sizes = [1, 4096], strides = [1, 1]} : vector<3x4096xf32> to vector<1x4096xf32>
    %mul3A_538 = vector.broadcast %slice3A_537 : vector<1x4096xf32> to vector<4x4096xf32>
    %mul3A_539 = arith.mulf %slice3A_536, %mul3A_538 : vector<4x4096xf32>
    %slice3A_540 = vector.extract_strided_slice %slice3A_104 {offsets = [4, 0], sizes = [4, 4096], strides = [1, 1]} : vector<12x4096xf32> to vector<4x4096xf32>
    %slice3A_541 = vector.extract_strided_slice %concatenate3A_75 {offsets = [1, 0], sizes = [1, 4096], strides = [1, 1]} : vector<3x4096xf32> to vector<1x4096xf32>
    %mul3A_542 = vector.broadcast %slice3A_541 : vector<1x4096xf32> to vector<4x4096xf32>
    %mul3A_543 = arith.mulf %slice3A_540, %mul3A_542 : vector<4x4096xf32>
    %add3A_544 = arith.addf %mul3A_539, %mul3A_543 : vector<4x4096xf32>
    %slice3A_545 = vector.extract_strided_slice %slice3A_104 {offsets = [8, 0], sizes = [4, 4096], strides = [1, 1]} : vector<12x4096xf32> to vector<4x4096xf32>
    %slice3A_546 = vector.extract_strided_slice %concatenate3A_75 {offsets = [2, 0], sizes = [1, 4096], strides = [1, 1]} : vector<3x4096xf32> to vector<1x4096xf32>
    %mul3A_547 = vector.broadcast %slice3A_546 : vector<1x4096xf32> to vector<4x4096xf32>
    %mul3A_548 = arith.mulf %slice3A_545, %mul3A_547 : vector<4x4096xf32>
    %add3A_549 = arith.addf %add3A_544, %mul3A_548 : vector<4x4096xf32>
    %slice3A_550 = vector.extract_strided_slice %add3A_365 {offsets = [0, 0], sizes = [16, 4096], strides = [1, 1]} : vector<64x4096xf32> to vector<16x4096xf32>
    %slice3A_551 = vector.extract_strided_slice %add3A_549 {offsets = [0, 0], sizes = [1, 4096], strides = [1, 1]} : vector<4x4096xf32> to vector<1x4096xf32>
    %mul3A_552 = vector.broadcast %slice3A_551 : vector<1x4096xf32> to vector<16x4096xf32>
    %mul3A_553 = arith.mulf %slice3A_550, %mul3A_552 : vector<16x4096xf32>
    %add3A_554 = arith.addf %add3A_535, %mul3A_553 : vector<16x4096xf32>
    %slice3A_555 = vector.extract_strided_slice %add3A_365 {offsets = [16, 0], sizes = [16, 4096], strides = [1, 1]} : vector<64x4096xf32> to vector<16x4096xf32>
    %slice3A_556 = vector.extract_strided_slice %add3A_549 {offsets = [1, 0], sizes = [1, 4096], strides = [1, 1]} : vector<4x4096xf32> to vector<1x4096xf32>
    %mul3A_557 = vector.broadcast %slice3A_556 : vector<1x4096xf32> to vector<16x4096xf32>
    %mul3A_558 = arith.mulf %slice3A_555, %mul3A_557 : vector<16x4096xf32>
    %add3A_559 = arith.addf %add3A_554, %mul3A_558 : vector<16x4096xf32>
    %slice3A_560 = vector.extract_strided_slice %add3A_365 {offsets = [32, 0], sizes = [16, 4096], strides = [1, 1]} : vector<64x4096xf32> to vector<16x4096xf32>
    %slice3A_561 = vector.extract_strided_slice %add3A_549 {offsets = [2, 0], sizes = [1, 4096], strides = [1, 1]} : vector<4x4096xf32> to vector<1x4096xf32>
    %mul3A_562 = vector.broadcast %slice3A_561 : vector<1x4096xf32> to vector<16x4096xf32>
    %mul3A_563 = arith.mulf %slice3A_560, %mul3A_562 : vector<16x4096xf32>
    %add3A_564 = arith.addf %add3A_559, %mul3A_563 : vector<16x4096xf32>
    %slice3A_565 = vector.extract_strided_slice %add3A_365 {offsets = [48, 0], sizes = [16, 4096], strides = [1, 1]} : vector<64x4096xf32> to vector<16x4096xf32>
    %slice3A_566 = vector.extract_strided_slice %add3A_549 {offsets = [3, 0], sizes = [1, 4096], strides = [1, 1]} : vector<4x4096xf32> to vector<1x4096xf32>
    %mul3A_567 = vector.broadcast %slice3A_566 : vector<1x4096xf32> to vector<16x4096xf32>
    %mul3A_568 = arith.mulf %slice3A_565, %mul3A_567 : vector<16x4096xf32>
    %add3A_569 = arith.addf %add3A_564, %mul3A_568 : vector<16x4096xf32>
    %slice3A_570 = vector.extract_strided_slice %add3A_276 {offsets = [0, 0], sizes = [4, 4096], strides = [1, 1]} : vector<64x4096xf32> to vector<4x4096xf32>
    %slice3A_571 = vector.extract_strided_slice %slice3A_103 {offsets = [0, 0], sizes = [1, 4096], strides = [1, 1]} : vector<16x4096xf32> to vector<1x4096xf32>
    %mul3A_572 = vector.broadcast %slice3A_571 : vector<1x4096xf32> to vector<4x4096xf32>
    %mul3A_573 = arith.mulf %slice3A_570, %mul3A_572 : vector<4x4096xf32>
    %slice3A_574 = vector.extract_strided_slice %add3A_276 {offsets = [4, 0], sizes = [4, 4096], strides = [1, 1]} : vector<64x4096xf32> to vector<4x4096xf32>
    %slice3A_575 = vector.extract_strided_slice %slice3A_103 {offsets = [1, 0], sizes = [1, 4096], strides = [1, 1]} : vector<16x4096xf32> to vector<1x4096xf32>
    %mul3A_576 = vector.broadcast %slice3A_575 : vector<1x4096xf32> to vector<4x4096xf32>
    %mul3A_577 = arith.mulf %slice3A_574, %mul3A_576 : vector<4x4096xf32>
    %add3A_578 = arith.addf %mul3A_573, %mul3A_577 : vector<4x4096xf32>
    %slice3A_579 = vector.extract_strided_slice %add3A_276 {offsets = [8, 0], sizes = [4, 4096], strides = [1, 1]} : vector<64x4096xf32> to vector<4x4096xf32>
    %slice3A_580 = vector.extract_strided_slice %slice3A_103 {offsets = [2, 0], sizes = [1, 4096], strides = [1, 1]} : vector<16x4096xf32> to vector<1x4096xf32>
    %mul3A_581 = vector.broadcast %slice3A_580 : vector<1x4096xf32> to vector<4x4096xf32>
    %mul3A_582 = arith.mulf %slice3A_579, %mul3A_581 : vector<4x4096xf32>
    %add3A_583 = arith.addf %add3A_578, %mul3A_582 : vector<4x4096xf32>
    %slice3A_584 = vector.extract_strided_slice %add3A_276 {offsets = [12, 0], sizes = [4, 4096], strides = [1, 1]} : vector<64x4096xf32> to vector<4x4096xf32>
    %slice3A_585 = vector.extract_strided_slice %slice3A_103 {offsets = [3, 0], sizes = [1, 4096], strides = [1, 1]} : vector<16x4096xf32> to vector<1x4096xf32>
    %mul3A_586 = vector.broadcast %slice3A_585 : vector<1x4096xf32> to vector<4x4096xf32>
    %mul3A_587 = arith.mulf %slice3A_584, %mul3A_586 : vector<4x4096xf32>
    %add3A_588 = arith.addf %add3A_583, %mul3A_587 : vector<4x4096xf32>
    %slice3A_589 = vector.extract_strided_slice %add3A_276 {offsets = [16, 0], sizes = [4, 4096], strides = [1, 1]} : vector<64x4096xf32> to vector<4x4096xf32>
    %slice3A_590 = vector.extract_strided_slice %slice3A_103 {offsets = [4, 0], sizes = [1, 4096], strides = [1, 1]} : vector<16x4096xf32> to vector<1x4096xf32>
    %mul3A_591 = vector.broadcast %slice3A_590 : vector<1x4096xf32> to vector<4x4096xf32>
    %mul3A_592 = arith.mulf %slice3A_589, %mul3A_591 : vector<4x4096xf32>
    %add3A_593 = arith.addf %add3A_588, %mul3A_592 : vector<4x4096xf32>
    %slice3A_594 = vector.extract_strided_slice %add3A_276 {offsets = [20, 0], sizes = [4, 4096], strides = [1, 1]} : vector<64x4096xf32> to vector<4x4096xf32>
    %slice3A_595 = vector.extract_strided_slice %slice3A_103 {offsets = [5, 0], sizes = [1, 4096], strides = [1, 1]} : vector<16x4096xf32> to vector<1x4096xf32>
    %mul3A_596 = vector.broadcast %slice3A_595 : vector<1x4096xf32> to vector<4x4096xf32>
    %mul3A_597 = arith.mulf %slice3A_594, %mul3A_596 : vector<4x4096xf32>
    %add3A_598 = arith.addf %add3A_593, %mul3A_597 : vector<4x4096xf32>
    %slice3A_599 = vector.extract_strided_slice %add3A_276 {offsets = [24, 0], sizes = [4, 4096], strides = [1, 1]} : vector<64x4096xf32> to vector<4x4096xf32>
    %slice3A_600 = vector.extract_strided_slice %slice3A_103 {offsets = [6, 0], sizes = [1, 4096], strides = [1, 1]} : vector<16x4096xf32> to vector<1x4096xf32>
    %mul3A_601 = vector.broadcast %slice3A_600 : vector<1x4096xf32> to vector<4x4096xf32>
    %mul3A_602 = arith.mulf %slice3A_599, %mul3A_601 : vector<4x4096xf32>
    %add3A_603 = arith.addf %add3A_598, %mul3A_602 : vector<4x4096xf32>
    %slice3A_604 = vector.extract_strided_slice %add3A_276 {offsets = [28, 0], sizes = [4, 4096], strides = [1, 1]} : vector<64x4096xf32> to vector<4x4096xf32>
    %slice3A_605 = vector.extract_strided_slice %slice3A_103 {offsets = [7, 0], sizes = [1, 4096], strides = [1, 1]} : vector<16x4096xf32> to vector<1x4096xf32>
    %mul3A_606 = vector.broadcast %slice3A_605 : vector<1x4096xf32> to vector<4x4096xf32>
    %mul3A_607 = arith.mulf %slice3A_604, %mul3A_606 : vector<4x4096xf32>
    %add3A_608 = arith.addf %add3A_603, %mul3A_607 : vector<4x4096xf32>
    %slice3A_609 = vector.extract_strided_slice %add3A_276 {offsets = [32, 0], sizes = [4, 4096], strides = [1, 1]} : vector<64x4096xf32> to vector<4x4096xf32>
    %slice3A_610 = vector.extract_strided_slice %slice3A_103 {offsets = [8, 0], sizes = [1, 4096], strides = [1, 1]} : vector<16x4096xf32> to vector<1x4096xf32>
    %mul3A_611 = vector.broadcast %slice3A_610 : vector<1x4096xf32> to vector<4x4096xf32>
    %mul3A_612 = arith.mulf %slice3A_609, %mul3A_611 : vector<4x4096xf32>
    %add3A_613 = arith.addf %add3A_608, %mul3A_612 : vector<4x4096xf32>
    %slice3A_614 = vector.extract_strided_slice %add3A_276 {offsets = [36, 0], sizes = [4, 4096], strides = [1, 1]} : vector<64x4096xf32> to vector<4x4096xf32>
    %slice3A_615 = vector.extract_strided_slice %slice3A_103 {offsets = [9, 0], sizes = [1, 4096], strides = [1, 1]} : vector<16x4096xf32> to vector<1x4096xf32>
    %mul3A_616 = vector.broadcast %slice3A_615 : vector<1x4096xf32> to vector<4x4096xf32>
    %mul3A_617 = arith.mulf %slice3A_614, %mul3A_616 : vector<4x4096xf32>
    %add3A_618 = arith.addf %add3A_613, %mul3A_617 : vector<4x4096xf32>
    %slice3A_619 = vector.extract_strided_slice %add3A_276 {offsets = [40, 0], sizes = [4, 4096], strides = [1, 1]} : vector<64x4096xf32> to vector<4x4096xf32>
    %slice3A_620 = vector.extract_strided_slice %slice3A_103 {offsets = [10, 0], sizes = [1, 4096], strides = [1, 1]} : vector<16x4096xf32> to vector<1x4096xf32>
    %mul3A_621 = vector.broadcast %slice3A_620 : vector<1x4096xf32> to vector<4x4096xf32>
    %mul3A_622 = arith.mulf %slice3A_619, %mul3A_621 : vector<4x4096xf32>
    %add3A_623 = arith.addf %add3A_618, %mul3A_622 : vector<4x4096xf32>
    %slice3A_624 = vector.extract_strided_slice %add3A_276 {offsets = [44, 0], sizes = [4, 4096], strides = [1, 1]} : vector<64x4096xf32> to vector<4x4096xf32>
    %slice3A_625 = vector.extract_strided_slice %slice3A_103 {offsets = [11, 0], sizes = [1, 4096], strides = [1, 1]} : vector<16x4096xf32> to vector<1x4096xf32>
    %mul3A_626 = vector.broadcast %slice3A_625 : vector<1x4096xf32> to vector<4x4096xf32>
    %mul3A_627 = arith.mulf %slice3A_624, %mul3A_626 : vector<4x4096xf32>
    %add3A_628 = arith.addf %add3A_623, %mul3A_627 : vector<4x4096xf32>
    %slice3A_629 = vector.extract_strided_slice %add3A_276 {offsets = [48, 0], sizes = [4, 4096], strides = [1, 1]} : vector<64x4096xf32> to vector<4x4096xf32>
    %slice3A_630 = vector.extract_strided_slice %slice3A_103 {offsets = [12, 0], sizes = [1, 4096], strides = [1, 1]} : vector<16x4096xf32> to vector<1x4096xf32>
    %mul3A_631 = vector.broadcast %slice3A_630 : vector<1x4096xf32> to vector<4x4096xf32>
    %mul3A_632 = arith.mulf %slice3A_629, %mul3A_631 : vector<4x4096xf32>
    %add3A_633 = arith.addf %add3A_628, %mul3A_632 : vector<4x4096xf32>
    %slice3A_634 = vector.extract_strided_slice %add3A_276 {offsets = [52, 0], sizes = [4, 4096], strides = [1, 1]} : vector<64x4096xf32> to vector<4x4096xf32>
    %slice3A_635 = vector.extract_strided_slice %slice3A_103 {offsets = [13, 0], sizes = [1, 4096], strides = [1, 1]} : vector<16x4096xf32> to vector<1x4096xf32>
    %mul3A_636 = vector.broadcast %slice3A_635 : vector<1x4096xf32> to vector<4x4096xf32>
    %mul3A_637 = arith.mulf %slice3A_634, %mul3A_636 : vector<4x4096xf32>
    %add3A_638 = arith.addf %add3A_633, %mul3A_637 : vector<4x4096xf32>
    %slice3A_639 = vector.extract_strided_slice %add3A_276 {offsets = [56, 0], sizes = [4, 4096], strides = [1, 1]} : vector<64x4096xf32> to vector<4x4096xf32>
    %slice3A_640 = vector.extract_strided_slice %slice3A_103 {offsets = [14, 0], sizes = [1, 4096], strides = [1, 1]} : vector<16x4096xf32> to vector<1x4096xf32>
    %mul3A_641 = vector.broadcast %slice3A_640 : vector<1x4096xf32> to vector<4x4096xf32>
    %mul3A_642 = arith.mulf %slice3A_639, %mul3A_641 : vector<4x4096xf32>
    %add3A_643 = arith.addf %add3A_638, %mul3A_642 : vector<4x4096xf32>
    %slice3A_644 = vector.extract_strided_slice %add3A_276 {offsets = [60, 0], sizes = [4, 4096], strides = [1, 1]} : vector<64x4096xf32> to vector<4x4096xf32>
    %slice3A_645 = vector.extract_strided_slice %slice3A_103 {offsets = [15, 0], sizes = [1, 4096], strides = [1, 1]} : vector<16x4096xf32> to vector<1x4096xf32>
    %mul3A_646 = vector.broadcast %slice3A_645 : vector<1x4096xf32> to vector<4x4096xf32>
    %mul3A_647 = arith.mulf %slice3A_644, %mul3A_646 : vector<4x4096xf32>
    %add3A_648 = arith.addf %add3A_643, %mul3A_647 : vector<4x4096xf32>
    %slice3A_649 = vector.extract_strided_slice %concatenate3A_66 {offsets = [0, 0], sizes = [1, 4096], strides = [1, 1]} : vector<3x4096xf32> to vector<1x4096xf32>
    %mul3A_650 = vector.broadcast %slice3A_649 : vector<1x4096xf32> to vector<4x4096xf32>
    %mul3A_651 = arith.mulf %add3A_648, %mul3A_650 : vector<4x4096xf32>
    %slice3A_652 = vector.extract_strided_slice %slice3A_104 {offsets = [0, 0], sizes = [4, 4096], strides = [1, 1]} : vector<12x4096xf32> to vector<4x4096xf32>
    %slice3A_653 = vector.extract_strided_slice %concatenate3A_84 {offsets = [0, 0], sizes = [1, 4096], strides = [1, 1]} : vector<27x4096xf32> to vector<1x4096xf32>
    %mul3A_654 = vector.broadcast %slice3A_653 : vector<1x4096xf32> to vector<4x4096xf32>
    %mul3A_655 = arith.mulf %slice3A_652, %mul3A_654 : vector<4x4096xf32>
    %slice3A_656 = vector.extract_strided_slice %slice3A_104 {offsets = [4, 0], sizes = [4, 4096], strides = [1, 1]} : vector<12x4096xf32> to vector<4x4096xf32>
    %slice3A_657 = vector.extract_strided_slice %concatenate3A_84 {offsets = [3, 0], sizes = [1, 4096], strides = [1, 1]} : vector<27x4096xf32> to vector<1x4096xf32>
    %mul3A_658 = vector.broadcast %slice3A_657 : vector<1x4096xf32> to vector<4x4096xf32>
    %mul3A_659 = arith.mulf %slice3A_656, %mul3A_658 : vector<4x4096xf32>
    %add3A_660 = arith.addf %mul3A_655, %mul3A_659 : vector<4x4096xf32>
    %slice3A_661 = vector.extract_strided_slice %slice3A_104 {offsets = [8, 0], sizes = [4, 4096], strides = [1, 1]} : vector<12x4096xf32> to vector<4x4096xf32>
    %slice3A_662 = vector.extract_strided_slice %concatenate3A_84 {offsets = [6, 0], sizes = [1, 4096], strides = [1, 1]} : vector<27x4096xf32> to vector<1x4096xf32>
    %mul3A_663 = vector.broadcast %slice3A_662 : vector<1x4096xf32> to vector<4x4096xf32>
    %mul3A_664 = arith.mulf %slice3A_661, %mul3A_663 : vector<4x4096xf32>
    %add3A_665 = arith.addf %add3A_660, %mul3A_664 : vector<4x4096xf32>
    %slice3A_666 = vector.extract_strided_slice %add3A_454 {offsets = [0, 0], sizes = [4, 4096], strides = [1, 1]} : vector<48x4096xf32> to vector<4x4096xf32>
    %slice3A_667 = vector.extract_strided_slice %add3A_665 {offsets = [0, 0], sizes = [1, 4096], strides = [1, 1]} : vector<4x4096xf32> to vector<1x4096xf32>
    %mul3A_668 = vector.broadcast %slice3A_667 : vector<1x4096xf32> to vector<4x4096xf32>
    %mul3A_669 = arith.mulf %slice3A_666, %mul3A_668 : vector<4x4096xf32>
    %add3A_670 = arith.addf %mul3A_651, %mul3A_669 : vector<4x4096xf32>
    %slice3A_671 = vector.extract_strided_slice %add3A_454 {offsets = [12, 0], sizes = [4, 4096], strides = [1, 1]} : vector<48x4096xf32> to vector<4x4096xf32>
    %slice3A_672 = vector.extract_strided_slice %add3A_665 {offsets = [1, 0], sizes = [1, 4096], strides = [1, 1]} : vector<4x4096xf32> to vector<1x4096xf32>
    %mul3A_673 = vector.broadcast %slice3A_672 : vector<1x4096xf32> to vector<4x4096xf32>
    %mul3A_674 = arith.mulf %slice3A_671, %mul3A_673 : vector<4x4096xf32>
    %add3A_675 = arith.addf %add3A_670, %mul3A_674 : vector<4x4096xf32>
    %slice3A_676 = vector.extract_strided_slice %add3A_454 {offsets = [24, 0], sizes = [4, 4096], strides = [1, 1]} : vector<48x4096xf32> to vector<4x4096xf32>
    %slice3A_677 = vector.extract_strided_slice %add3A_665 {offsets = [2, 0], sizes = [1, 4096], strides = [1, 1]} : vector<4x4096xf32> to vector<1x4096xf32>
    %mul3A_678 = vector.broadcast %slice3A_677 : vector<1x4096xf32> to vector<4x4096xf32>
    %mul3A_679 = arith.mulf %slice3A_676, %mul3A_678 : vector<4x4096xf32>
    %add3A_680 = arith.addf %add3A_675, %mul3A_679 : vector<4x4096xf32>
    %slice3A_681 = vector.extract_strided_slice %add3A_454 {offsets = [36, 0], sizes = [4, 4096], strides = [1, 1]} : vector<48x4096xf32> to vector<4x4096xf32>
    %slice3A_682 = vector.extract_strided_slice %add3A_665 {offsets = [3, 0], sizes = [1, 4096], strides = [1, 1]} : vector<4x4096xf32> to vector<1x4096xf32>
    %mul3A_683 = vector.broadcast %slice3A_682 : vector<1x4096xf32> to vector<4x4096xf32>
    %mul3A_684 = arith.mulf %slice3A_681, %mul3A_683 : vector<4x4096xf32>
    %add3A_685 = arith.addf %add3A_680, %mul3A_684 : vector<4x4096xf32>
    %slice3A_686 = vector.extract_strided_slice %slice3A_104 {offsets = [0, 0], sizes = [4, 4096], strides = [1, 1]} : vector<12x4096xf32> to vector<4x4096xf32>
    %slice3A_687 = vector.extract_strided_slice %concatenate3A_84 {offsets = [1, 0], sizes = [1, 4096], strides = [1, 1]} : vector<27x4096xf32> to vector<1x4096xf32>
    %mul3A_688 = vector.broadcast %slice3A_687 : vector<1x4096xf32> to vector<4x4096xf32>
    %mul3A_689 = arith.mulf %slice3A_686, %mul3A_688 : vector<4x4096xf32>
    %slice3A_690 = vector.extract_strided_slice %slice3A_104 {offsets = [4, 0], sizes = [4, 4096], strides = [1, 1]} : vector<12x4096xf32> to vector<4x4096xf32>
    %slice3A_691 = vector.extract_strided_slice %concatenate3A_84 {offsets = [4, 0], sizes = [1, 4096], strides = [1, 1]} : vector<27x4096xf32> to vector<1x4096xf32>
    %mul3A_692 = vector.broadcast %slice3A_691 : vector<1x4096xf32> to vector<4x4096xf32>
    %mul3A_693 = arith.mulf %slice3A_690, %mul3A_692 : vector<4x4096xf32>
    %add3A_694 = arith.addf %mul3A_689, %mul3A_693 : vector<4x4096xf32>
    %slice3A_695 = vector.extract_strided_slice %slice3A_104 {offsets = [8, 0], sizes = [4, 4096], strides = [1, 1]} : vector<12x4096xf32> to vector<4x4096xf32>
    %slice3A_696 = vector.extract_strided_slice %concatenate3A_84 {offsets = [7, 0], sizes = [1, 4096], strides = [1, 1]} : vector<27x4096xf32> to vector<1x4096xf32>
    %mul3A_697 = vector.broadcast %slice3A_696 : vector<1x4096xf32> to vector<4x4096xf32>
    %mul3A_698 = arith.mulf %slice3A_695, %mul3A_697 : vector<4x4096xf32>
    %add3A_699 = arith.addf %add3A_694, %mul3A_698 : vector<4x4096xf32>
    %slice3A_700 = vector.extract_strided_slice %add3A_454 {offsets = [4, 0], sizes = [4, 4096], strides = [1, 1]} : vector<48x4096xf32> to vector<4x4096xf32>
    %slice3A_701 = vector.extract_strided_slice %add3A_699 {offsets = [0, 0], sizes = [1, 4096], strides = [1, 1]} : vector<4x4096xf32> to vector<1x4096xf32>
    %mul3A_702 = vector.broadcast %slice3A_701 : vector<1x4096xf32> to vector<4x4096xf32>
    %mul3A_703 = arith.mulf %slice3A_700, %mul3A_702 : vector<4x4096xf32>
    %add3A_704 = arith.addf %add3A_685, %mul3A_703 : vector<4x4096xf32>
    %slice3A_705 = vector.extract_strided_slice %add3A_454 {offsets = [16, 0], sizes = [4, 4096], strides = [1, 1]} : vector<48x4096xf32> to vector<4x4096xf32>
    %slice3A_706 = vector.extract_strided_slice %add3A_699 {offsets = [1, 0], sizes = [1, 4096], strides = [1, 1]} : vector<4x4096xf32> to vector<1x4096xf32>
    %mul3A_707 = vector.broadcast %slice3A_706 : vector<1x4096xf32> to vector<4x4096xf32>
    %mul3A_708 = arith.mulf %slice3A_705, %mul3A_707 : vector<4x4096xf32>
    %add3A_709 = arith.addf %add3A_704, %mul3A_708 : vector<4x4096xf32>
    %slice3A_710 = vector.extract_strided_slice %add3A_454 {offsets = [28, 0], sizes = [4, 4096], strides = [1, 1]} : vector<48x4096xf32> to vector<4x4096xf32>
    %slice3A_711 = vector.extract_strided_slice %add3A_699 {offsets = [2, 0], sizes = [1, 4096], strides = [1, 1]} : vector<4x4096xf32> to vector<1x4096xf32>
    %mul3A_712 = vector.broadcast %slice3A_711 : vector<1x4096xf32> to vector<4x4096xf32>
    %mul3A_713 = arith.mulf %slice3A_710, %mul3A_712 : vector<4x4096xf32>
    %add3A_714 = arith.addf %add3A_709, %mul3A_713 : vector<4x4096xf32>
    %slice3A_715 = vector.extract_strided_slice %add3A_454 {offsets = [40, 0], sizes = [4, 4096], strides = [1, 1]} : vector<48x4096xf32> to vector<4x4096xf32>
    %slice3A_716 = vector.extract_strided_slice %add3A_699 {offsets = [3, 0], sizes = [1, 4096], strides = [1, 1]} : vector<4x4096xf32> to vector<1x4096xf32>
    %mul3A_717 = vector.broadcast %slice3A_716 : vector<1x4096xf32> to vector<4x4096xf32>
    %mul3A_718 = arith.mulf %slice3A_715, %mul3A_717 : vector<4x4096xf32>
    %add3A_719 = arith.addf %add3A_714, %mul3A_718 : vector<4x4096xf32>
    %slice3A_720 = vector.extract_strided_slice %slice3A_104 {offsets = [0, 0], sizes = [4, 4096], strides = [1, 1]} : vector<12x4096xf32> to vector<4x4096xf32>
    %slice3A_721 = vector.extract_strided_slice %concatenate3A_84 {offsets = [2, 0], sizes = [1, 4096], strides = [1, 1]} : vector<27x4096xf32> to vector<1x4096xf32>
    %mul3A_722 = vector.broadcast %slice3A_721 : vector<1x4096xf32> to vector<4x4096xf32>
    %mul3A_723 = arith.mulf %slice3A_720, %mul3A_722 : vector<4x4096xf32>
    %slice3A_724 = vector.extract_strided_slice %slice3A_104 {offsets = [4, 0], sizes = [4, 4096], strides = [1, 1]} : vector<12x4096xf32> to vector<4x4096xf32>
    %slice3A_725 = vector.extract_strided_slice %concatenate3A_84 {offsets = [5, 0], sizes = [1, 4096], strides = [1, 1]} : vector<27x4096xf32> to vector<1x4096xf32>
    %mul3A_726 = vector.broadcast %slice3A_725 : vector<1x4096xf32> to vector<4x4096xf32>
    %mul3A_727 = arith.mulf %slice3A_724, %mul3A_726 : vector<4x4096xf32>
    %add3A_728 = arith.addf %mul3A_723, %mul3A_727 : vector<4x4096xf32>
    %slice3A_729 = vector.extract_strided_slice %slice3A_104 {offsets = [8, 0], sizes = [4, 4096], strides = [1, 1]} : vector<12x4096xf32> to vector<4x4096xf32>
    %slice3A_730 = vector.extract_strided_slice %concatenate3A_84 {offsets = [8, 0], sizes = [1, 4096], strides = [1, 1]} : vector<27x4096xf32> to vector<1x4096xf32>
    %mul3A_731 = vector.broadcast %slice3A_730 : vector<1x4096xf32> to vector<4x4096xf32>
    %mul3A_732 = arith.mulf %slice3A_729, %mul3A_731 : vector<4x4096xf32>
    %add3A_733 = arith.addf %add3A_728, %mul3A_732 : vector<4x4096xf32>
    %slice3A_734 = vector.extract_strided_slice %add3A_454 {offsets = [8, 0], sizes = [4, 4096], strides = [1, 1]} : vector<48x4096xf32> to vector<4x4096xf32>
    %slice3A_735 = vector.extract_strided_slice %add3A_733 {offsets = [0, 0], sizes = [1, 4096], strides = [1, 1]} : vector<4x4096xf32> to vector<1x4096xf32>
    %mul3A_736 = vector.broadcast %slice3A_735 : vector<1x4096xf32> to vector<4x4096xf32>
    %mul3A_737 = arith.mulf %slice3A_734, %mul3A_736 : vector<4x4096xf32>
    %add3A_738 = arith.addf %add3A_719, %mul3A_737 : vector<4x4096xf32>
    %slice3A_739 = vector.extract_strided_slice %add3A_454 {offsets = [20, 0], sizes = [4, 4096], strides = [1, 1]} : vector<48x4096xf32> to vector<4x4096xf32>
    %slice3A_740 = vector.extract_strided_slice %add3A_733 {offsets = [1, 0], sizes = [1, 4096], strides = [1, 1]} : vector<4x4096xf32> to vector<1x4096xf32>
    %mul3A_741 = vector.broadcast %slice3A_740 : vector<1x4096xf32> to vector<4x4096xf32>
    %mul3A_742 = arith.mulf %slice3A_739, %mul3A_741 : vector<4x4096xf32>
    %add3A_743 = arith.addf %add3A_738, %mul3A_742 : vector<4x4096xf32>
    %slice3A_744 = vector.extract_strided_slice %add3A_454 {offsets = [32, 0], sizes = [4, 4096], strides = [1, 1]} : vector<48x4096xf32> to vector<4x4096xf32>
    %slice3A_745 = vector.extract_strided_slice %add3A_733 {offsets = [2, 0], sizes = [1, 4096], strides = [1, 1]} : vector<4x4096xf32> to vector<1x4096xf32>
    %mul3A_746 = vector.broadcast %slice3A_745 : vector<1x4096xf32> to vector<4x4096xf32>
    %mul3A_747 = arith.mulf %slice3A_744, %mul3A_746 : vector<4x4096xf32>
    %add3A_748 = arith.addf %add3A_743, %mul3A_747 : vector<4x4096xf32>
    %slice3A_749 = vector.extract_strided_slice %add3A_454 {offsets = [44, 0], sizes = [4, 4096], strides = [1, 1]} : vector<48x4096xf32> to vector<4x4096xf32>
    %slice3A_750 = vector.extract_strided_slice %add3A_733 {offsets = [3, 0], sizes = [1, 4096], strides = [1, 1]} : vector<4x4096xf32> to vector<1x4096xf32>
    %mul3A_751 = vector.broadcast %slice3A_750 : vector<1x4096xf32> to vector<4x4096xf32>
    %mul3A_752 = arith.mulf %slice3A_749, %mul3A_751 : vector<4x4096xf32>
    %add3A_753 = arith.addf %add3A_748, %mul3A_752 : vector<4x4096xf32>
    %slice3A_754 = vector.extract_strided_slice %concatenate3A_66 {offsets = [1, 0], sizes = [1, 4096], strides = [1, 1]} : vector<3x4096xf32> to vector<1x4096xf32>
    %mul3A_755 = vector.broadcast %slice3A_754 : vector<1x4096xf32> to vector<4x4096xf32>
    %mul3A_756 = arith.mulf %add3A_648, %mul3A_755 : vector<4x4096xf32>
    %slice3A_757 = vector.extract_strided_slice %slice3A_104 {offsets = [0, 0], sizes = [4, 4096], strides = [1, 1]} : vector<12x4096xf32> to vector<4x4096xf32>
    %slice3A_758 = vector.extract_strided_slice %concatenate3A_84 {offsets = [9, 0], sizes = [1, 4096], strides = [1, 1]} : vector<27x4096xf32> to vector<1x4096xf32>
    %mul3A_759 = vector.broadcast %slice3A_758 : vector<1x4096xf32> to vector<4x4096xf32>
    %mul3A_760 = arith.mulf %slice3A_757, %mul3A_759 : vector<4x4096xf32>
    %slice3A_761 = vector.extract_strided_slice %slice3A_104 {offsets = [4, 0], sizes = [4, 4096], strides = [1, 1]} : vector<12x4096xf32> to vector<4x4096xf32>
    %slice3A_762 = vector.extract_strided_slice %concatenate3A_84 {offsets = [12, 0], sizes = [1, 4096], strides = [1, 1]} : vector<27x4096xf32> to vector<1x4096xf32>
    %mul3A_763 = vector.broadcast %slice3A_762 : vector<1x4096xf32> to vector<4x4096xf32>
    %mul3A_764 = arith.mulf %slice3A_761, %mul3A_763 : vector<4x4096xf32>
    %add3A_765 = arith.addf %mul3A_760, %mul3A_764 : vector<4x4096xf32>
    %slice3A_766 = vector.extract_strided_slice %slice3A_104 {offsets = [8, 0], sizes = [4, 4096], strides = [1, 1]} : vector<12x4096xf32> to vector<4x4096xf32>
    %slice3A_767 = vector.extract_strided_slice %concatenate3A_84 {offsets = [15, 0], sizes = [1, 4096], strides = [1, 1]} : vector<27x4096xf32> to vector<1x4096xf32>
    %mul3A_768 = vector.broadcast %slice3A_767 : vector<1x4096xf32> to vector<4x4096xf32>
    %mul3A_769 = arith.mulf %slice3A_766, %mul3A_768 : vector<4x4096xf32>
    %add3A_770 = arith.addf %add3A_765, %mul3A_769 : vector<4x4096xf32>
    %slice3A_771 = vector.extract_strided_slice %add3A_454 {offsets = [0, 0], sizes = [4, 4096], strides = [1, 1]} : vector<48x4096xf32> to vector<4x4096xf32>
    %slice3A_772 = vector.extract_strided_slice %add3A_770 {offsets = [0, 0], sizes = [1, 4096], strides = [1, 1]} : vector<4x4096xf32> to vector<1x4096xf32>
    %mul3A_773 = vector.broadcast %slice3A_772 : vector<1x4096xf32> to vector<4x4096xf32>
    %mul3A_774 = arith.mulf %slice3A_771, %mul3A_773 : vector<4x4096xf32>
    %add3A_775 = arith.addf %mul3A_756, %mul3A_774 : vector<4x4096xf32>
    %slice3A_776 = vector.extract_strided_slice %add3A_454 {offsets = [12, 0], sizes = [4, 4096], strides = [1, 1]} : vector<48x4096xf32> to vector<4x4096xf32>
    %slice3A_777 = vector.extract_strided_slice %add3A_770 {offsets = [1, 0], sizes = [1, 4096], strides = [1, 1]} : vector<4x4096xf32> to vector<1x4096xf32>
    %mul3A_778 = vector.broadcast %slice3A_777 : vector<1x4096xf32> to vector<4x4096xf32>
    %mul3A_779 = arith.mulf %slice3A_776, %mul3A_778 : vector<4x4096xf32>
    %add3A_780 = arith.addf %add3A_775, %mul3A_779 : vector<4x4096xf32>
    %slice3A_781 = vector.extract_strided_slice %add3A_454 {offsets = [24, 0], sizes = [4, 4096], strides = [1, 1]} : vector<48x4096xf32> to vector<4x4096xf32>
    %slice3A_782 = vector.extract_strided_slice %add3A_770 {offsets = [2, 0], sizes = [1, 4096], strides = [1, 1]} : vector<4x4096xf32> to vector<1x4096xf32>
    %mul3A_783 = vector.broadcast %slice3A_782 : vector<1x4096xf32> to vector<4x4096xf32>
    %mul3A_784 = arith.mulf %slice3A_781, %mul3A_783 : vector<4x4096xf32>
    %add3A_785 = arith.addf %add3A_780, %mul3A_784 : vector<4x4096xf32>
    %slice3A_786 = vector.extract_strided_slice %add3A_454 {offsets = [36, 0], sizes = [4, 4096], strides = [1, 1]} : vector<48x4096xf32> to vector<4x4096xf32>
    %slice3A_787 = vector.extract_strided_slice %add3A_770 {offsets = [3, 0], sizes = [1, 4096], strides = [1, 1]} : vector<4x4096xf32> to vector<1x4096xf32>
    %mul3A_788 = vector.broadcast %slice3A_787 : vector<1x4096xf32> to vector<4x4096xf32>
    %mul3A_789 = arith.mulf %slice3A_786, %mul3A_788 : vector<4x4096xf32>
    %add3A_790 = arith.addf %add3A_785, %mul3A_789 : vector<4x4096xf32>
    %slice3A_791 = vector.extract_strided_slice %slice3A_104 {offsets = [0, 0], sizes = [4, 4096], strides = [1, 1]} : vector<12x4096xf32> to vector<4x4096xf32>
    %slice3A_792 = vector.extract_strided_slice %concatenate3A_84 {offsets = [10, 0], sizes = [1, 4096], strides = [1, 1]} : vector<27x4096xf32> to vector<1x4096xf32>
    %mul3A_793 = vector.broadcast %slice3A_792 : vector<1x4096xf32> to vector<4x4096xf32>
    %mul3A_794 = arith.mulf %slice3A_791, %mul3A_793 : vector<4x4096xf32>
    %slice3A_795 = vector.extract_strided_slice %slice3A_104 {offsets = [4, 0], sizes = [4, 4096], strides = [1, 1]} : vector<12x4096xf32> to vector<4x4096xf32>
    %slice3A_796 = vector.extract_strided_slice %concatenate3A_84 {offsets = [13, 0], sizes = [1, 4096], strides = [1, 1]} : vector<27x4096xf32> to vector<1x4096xf32>
    %mul3A_797 = vector.broadcast %slice3A_796 : vector<1x4096xf32> to vector<4x4096xf32>
    %mul3A_798 = arith.mulf %slice3A_795, %mul3A_797 : vector<4x4096xf32>
    %add3A_799 = arith.addf %mul3A_794, %mul3A_798 : vector<4x4096xf32>
    %slice3A_800 = vector.extract_strided_slice %slice3A_104 {offsets = [8, 0], sizes = [4, 4096], strides = [1, 1]} : vector<12x4096xf32> to vector<4x4096xf32>
    %slice3A_801 = vector.extract_strided_slice %concatenate3A_84 {offsets = [16, 0], sizes = [1, 4096], strides = [1, 1]} : vector<27x4096xf32> to vector<1x4096xf32>
    %mul3A_802 = vector.broadcast %slice3A_801 : vector<1x4096xf32> to vector<4x4096xf32>
    %mul3A_803 = arith.mulf %slice3A_800, %mul3A_802 : vector<4x4096xf32>
    %add3A_804 = arith.addf %add3A_799, %mul3A_803 : vector<4x4096xf32>
    %slice3A_805 = vector.extract_strided_slice %add3A_454 {offsets = [4, 0], sizes = [4, 4096], strides = [1, 1]} : vector<48x4096xf32> to vector<4x4096xf32>
    %slice3A_806 = vector.extract_strided_slice %add3A_804 {offsets = [0, 0], sizes = [1, 4096], strides = [1, 1]} : vector<4x4096xf32> to vector<1x4096xf32>
    %mul3A_807 = vector.broadcast %slice3A_806 : vector<1x4096xf32> to vector<4x4096xf32>
    %mul3A_808 = arith.mulf %slice3A_805, %mul3A_807 : vector<4x4096xf32>
    %add3A_809 = arith.addf %add3A_790, %mul3A_808 : vector<4x4096xf32>
    %slice3A_810 = vector.extract_strided_slice %add3A_454 {offsets = [16, 0], sizes = [4, 4096], strides = [1, 1]} : vector<48x4096xf32> to vector<4x4096xf32>
    %slice3A_811 = vector.extract_strided_slice %add3A_804 {offsets = [1, 0], sizes = [1, 4096], strides = [1, 1]} : vector<4x4096xf32> to vector<1x4096xf32>
    %mul3A_812 = vector.broadcast %slice3A_811 : vector<1x4096xf32> to vector<4x4096xf32>
    %mul3A_813 = arith.mulf %slice3A_810, %mul3A_812 : vector<4x4096xf32>
    %add3A_814 = arith.addf %add3A_809, %mul3A_813 : vector<4x4096xf32>
    %slice3A_815 = vector.extract_strided_slice %add3A_454 {offsets = [28, 0], sizes = [4, 4096], strides = [1, 1]} : vector<48x4096xf32> to vector<4x4096xf32>
    %slice3A_816 = vector.extract_strided_slice %add3A_804 {offsets = [2, 0], sizes = [1, 4096], strides = [1, 1]} : vector<4x4096xf32> to vector<1x4096xf32>
    %mul3A_817 = vector.broadcast %slice3A_816 : vector<1x4096xf32> to vector<4x4096xf32>
    %mul3A_818 = arith.mulf %slice3A_815, %mul3A_817 : vector<4x4096xf32>
    %add3A_819 = arith.addf %add3A_814, %mul3A_818 : vector<4x4096xf32>
    %slice3A_820 = vector.extract_strided_slice %add3A_454 {offsets = [40, 0], sizes = [4, 4096], strides = [1, 1]} : vector<48x4096xf32> to vector<4x4096xf32>
    %slice3A_821 = vector.extract_strided_slice %add3A_804 {offsets = [3, 0], sizes = [1, 4096], strides = [1, 1]} : vector<4x4096xf32> to vector<1x4096xf32>
    %mul3A_822 = vector.broadcast %slice3A_821 : vector<1x4096xf32> to vector<4x4096xf32>
    %mul3A_823 = arith.mulf %slice3A_820, %mul3A_822 : vector<4x4096xf32>
    %add3A_824 = arith.addf %add3A_819, %mul3A_823 : vector<4x4096xf32>
    %slice3A_825 = vector.extract_strided_slice %slice3A_104 {offsets = [0, 0], sizes = [4, 4096], strides = [1, 1]} : vector<12x4096xf32> to vector<4x4096xf32>
    %slice3A_826 = vector.extract_strided_slice %concatenate3A_84 {offsets = [11, 0], sizes = [1, 4096], strides = [1, 1]} : vector<27x4096xf32> to vector<1x4096xf32>
    %mul3A_827 = vector.broadcast %slice3A_826 : vector<1x4096xf32> to vector<4x4096xf32>
    %mul3A_828 = arith.mulf %slice3A_825, %mul3A_827 : vector<4x4096xf32>
    %slice3A_829 = vector.extract_strided_slice %slice3A_104 {offsets = [4, 0], sizes = [4, 4096], strides = [1, 1]} : vector<12x4096xf32> to vector<4x4096xf32>
    %slice3A_830 = vector.extract_strided_slice %concatenate3A_84 {offsets = [14, 0], sizes = [1, 4096], strides = [1, 1]} : vector<27x4096xf32> to vector<1x4096xf32>
    %mul3A_831 = vector.broadcast %slice3A_830 : vector<1x4096xf32> to vector<4x4096xf32>
    %mul3A_832 = arith.mulf %slice3A_829, %mul3A_831 : vector<4x4096xf32>
    %add3A_833 = arith.addf %mul3A_828, %mul3A_832 : vector<4x4096xf32>
    %slice3A_834 = vector.extract_strided_slice %slice3A_104 {offsets = [8, 0], sizes = [4, 4096], strides = [1, 1]} : vector<12x4096xf32> to vector<4x4096xf32>
    %slice3A_835 = vector.extract_strided_slice %concatenate3A_84 {offsets = [17, 0], sizes = [1, 4096], strides = [1, 1]} : vector<27x4096xf32> to vector<1x4096xf32>
    %mul3A_836 = vector.broadcast %slice3A_835 : vector<1x4096xf32> to vector<4x4096xf32>
    %mul3A_837 = arith.mulf %slice3A_834, %mul3A_836 : vector<4x4096xf32>
    %add3A_838 = arith.addf %add3A_833, %mul3A_837 : vector<4x4096xf32>
    %slice3A_839 = vector.extract_strided_slice %add3A_454 {offsets = [8, 0], sizes = [4, 4096], strides = [1, 1]} : vector<48x4096xf32> to vector<4x4096xf32>
    %slice3A_840 = vector.extract_strided_slice %add3A_838 {offsets = [0, 0], sizes = [1, 4096], strides = [1, 1]} : vector<4x4096xf32> to vector<1x4096xf32>
    %mul3A_841 = vector.broadcast %slice3A_840 : vector<1x4096xf32> to vector<4x4096xf32>
    %mul3A_842 = arith.mulf %slice3A_839, %mul3A_841 : vector<4x4096xf32>
    %add3A_843 = arith.addf %add3A_824, %mul3A_842 : vector<4x4096xf32>
    %slice3A_844 = vector.extract_strided_slice %add3A_454 {offsets = [20, 0], sizes = [4, 4096], strides = [1, 1]} : vector<48x4096xf32> to vector<4x4096xf32>
    %slice3A_845 = vector.extract_strided_slice %add3A_838 {offsets = [1, 0], sizes = [1, 4096], strides = [1, 1]} : vector<4x4096xf32> to vector<1x4096xf32>
    %mul3A_846 = vector.broadcast %slice3A_845 : vector<1x4096xf32> to vector<4x4096xf32>
    %mul3A_847 = arith.mulf %slice3A_844, %mul3A_846 : vector<4x4096xf32>
    %add3A_848 = arith.addf %add3A_843, %mul3A_847 : vector<4x4096xf32>
    %slice3A_849 = vector.extract_strided_slice %add3A_454 {offsets = [32, 0], sizes = [4, 4096], strides = [1, 1]} : vector<48x4096xf32> to vector<4x4096xf32>
    %slice3A_850 = vector.extract_strided_slice %add3A_838 {offsets = [2, 0], sizes = [1, 4096], strides = [1, 1]} : vector<4x4096xf32> to vector<1x4096xf32>
    %mul3A_851 = vector.broadcast %slice3A_850 : vector<1x4096xf32> to vector<4x4096xf32>
    %mul3A_852 = arith.mulf %slice3A_849, %mul3A_851 : vector<4x4096xf32>
    %add3A_853 = arith.addf %add3A_848, %mul3A_852 : vector<4x4096xf32>
    %slice3A_854 = vector.extract_strided_slice %add3A_454 {offsets = [44, 0], sizes = [4, 4096], strides = [1, 1]} : vector<48x4096xf32> to vector<4x4096xf32>
    %slice3A_855 = vector.extract_strided_slice %add3A_838 {offsets = [3, 0], sizes = [1, 4096], strides = [1, 1]} : vector<4x4096xf32> to vector<1x4096xf32>
    %mul3A_856 = vector.broadcast %slice3A_855 : vector<1x4096xf32> to vector<4x4096xf32>
    %mul3A_857 = arith.mulf %slice3A_854, %mul3A_856 : vector<4x4096xf32>
    %add3A_858 = arith.addf %add3A_853, %mul3A_857 : vector<4x4096xf32>
    %slice3A_859 = vector.extract_strided_slice %concatenate3A_66 {offsets = [2, 0], sizes = [1, 4096], strides = [1, 1]} : vector<3x4096xf32> to vector<1x4096xf32>
    %mul3A_860 = vector.broadcast %slice3A_859 : vector<1x4096xf32> to vector<4x4096xf32>
    %mul3A_861 = arith.mulf %add3A_648, %mul3A_860 : vector<4x4096xf32>
    %slice3A_862 = vector.extract_strided_slice %slice3A_104 {offsets = [0, 0], sizes = [4, 4096], strides = [1, 1]} : vector<12x4096xf32> to vector<4x4096xf32>
    %slice3A_863 = vector.extract_strided_slice %concatenate3A_84 {offsets = [18, 0], sizes = [1, 4096], strides = [1, 1]} : vector<27x4096xf32> to vector<1x4096xf32>
    %mul3A_864 = vector.broadcast %slice3A_863 : vector<1x4096xf32> to vector<4x4096xf32>
    %mul3A_865 = arith.mulf %slice3A_862, %mul3A_864 : vector<4x4096xf32>
    %slice3A_866 = vector.extract_strided_slice %slice3A_104 {offsets = [4, 0], sizes = [4, 4096], strides = [1, 1]} : vector<12x4096xf32> to vector<4x4096xf32>
    %slice3A_867 = vector.extract_strided_slice %concatenate3A_84 {offsets = [21, 0], sizes = [1, 4096], strides = [1, 1]} : vector<27x4096xf32> to vector<1x4096xf32>
    %mul3A_868 = vector.broadcast %slice3A_867 : vector<1x4096xf32> to vector<4x4096xf32>
    %mul3A_869 = arith.mulf %slice3A_866, %mul3A_868 : vector<4x4096xf32>
    %add3A_870 = arith.addf %mul3A_865, %mul3A_869 : vector<4x4096xf32>
    %slice3A_871 = vector.extract_strided_slice %slice3A_104 {offsets = [8, 0], sizes = [4, 4096], strides = [1, 1]} : vector<12x4096xf32> to vector<4x4096xf32>
    %slice3A_872 = vector.extract_strided_slice %concatenate3A_84 {offsets = [24, 0], sizes = [1, 4096], strides = [1, 1]} : vector<27x4096xf32> to vector<1x4096xf32>
    %mul3A_873 = vector.broadcast %slice3A_872 : vector<1x4096xf32> to vector<4x4096xf32>
    %mul3A_874 = arith.mulf %slice3A_871, %mul3A_873 : vector<4x4096xf32>
    %add3A_875 = arith.addf %add3A_870, %mul3A_874 : vector<4x4096xf32>
    %slice3A_876 = vector.extract_strided_slice %add3A_454 {offsets = [0, 0], sizes = [4, 4096], strides = [1, 1]} : vector<48x4096xf32> to vector<4x4096xf32>
    %slice3A_877 = vector.extract_strided_slice %add3A_875 {offsets = [0, 0], sizes = [1, 4096], strides = [1, 1]} : vector<4x4096xf32> to vector<1x4096xf32>
    %mul3A_878 = vector.broadcast %slice3A_877 : vector<1x4096xf32> to vector<4x4096xf32>
    %mul3A_879 = arith.mulf %slice3A_876, %mul3A_878 : vector<4x4096xf32>
    %add3A_880 = arith.addf %mul3A_861, %mul3A_879 : vector<4x4096xf32>
    %slice3A_881 = vector.extract_strided_slice %add3A_454 {offsets = [12, 0], sizes = [4, 4096], strides = [1, 1]} : vector<48x4096xf32> to vector<4x4096xf32>
    %slice3A_882 = vector.extract_strided_slice %add3A_875 {offsets = [1, 0], sizes = [1, 4096], strides = [1, 1]} : vector<4x4096xf32> to vector<1x4096xf32>
    %mul3A_883 = vector.broadcast %slice3A_882 : vector<1x4096xf32> to vector<4x4096xf32>
    %mul3A_884 = arith.mulf %slice3A_881, %mul3A_883 : vector<4x4096xf32>
    %add3A_885 = arith.addf %add3A_880, %mul3A_884 : vector<4x4096xf32>
    %slice3A_886 = vector.extract_strided_slice %add3A_454 {offsets = [24, 0], sizes = [4, 4096], strides = [1, 1]} : vector<48x4096xf32> to vector<4x4096xf32>
    %slice3A_887 = vector.extract_strided_slice %add3A_875 {offsets = [2, 0], sizes = [1, 4096], strides = [1, 1]} : vector<4x4096xf32> to vector<1x4096xf32>
    %mul3A_888 = vector.broadcast %slice3A_887 : vector<1x4096xf32> to vector<4x4096xf32>
    %mul3A_889 = arith.mulf %slice3A_886, %mul3A_888 : vector<4x4096xf32>
    %add3A_890 = arith.addf %add3A_885, %mul3A_889 : vector<4x4096xf32>
    %slice3A_891 = vector.extract_strided_slice %add3A_454 {offsets = [36, 0], sizes = [4, 4096], strides = [1, 1]} : vector<48x4096xf32> to vector<4x4096xf32>
    %slice3A_892 = vector.extract_strided_slice %add3A_875 {offsets = [3, 0], sizes = [1, 4096], strides = [1, 1]} : vector<4x4096xf32> to vector<1x4096xf32>
    %mul3A_893 = vector.broadcast %slice3A_892 : vector<1x4096xf32> to vector<4x4096xf32>
    %mul3A_894 = arith.mulf %slice3A_891, %mul3A_893 : vector<4x4096xf32>
    %add3A_895 = arith.addf %add3A_890, %mul3A_894 : vector<4x4096xf32>
    %slice3A_896 = vector.extract_strided_slice %slice3A_104 {offsets = [0, 0], sizes = [4, 4096], strides = [1, 1]} : vector<12x4096xf32> to vector<4x4096xf32>
    %slice3A_897 = vector.extract_strided_slice %concatenate3A_84 {offsets = [19, 0], sizes = [1, 4096], strides = [1, 1]} : vector<27x4096xf32> to vector<1x4096xf32>
    %mul3A_898 = vector.broadcast %slice3A_897 : vector<1x4096xf32> to vector<4x4096xf32>
    %mul3A_899 = arith.mulf %slice3A_896, %mul3A_898 : vector<4x4096xf32>
    %slice3A_900 = vector.extract_strided_slice %slice3A_104 {offsets = [4, 0], sizes = [4, 4096], strides = [1, 1]} : vector<12x4096xf32> to vector<4x4096xf32>
    %slice3A_901 = vector.extract_strided_slice %concatenate3A_84 {offsets = [22, 0], sizes = [1, 4096], strides = [1, 1]} : vector<27x4096xf32> to vector<1x4096xf32>
    %mul3A_902 = vector.broadcast %slice3A_901 : vector<1x4096xf32> to vector<4x4096xf32>
    %mul3A_903 = arith.mulf %slice3A_900, %mul3A_902 : vector<4x4096xf32>
    %add3A_904 = arith.addf %mul3A_899, %mul3A_903 : vector<4x4096xf32>
    %slice3A_905 = vector.extract_strided_slice %slice3A_104 {offsets = [8, 0], sizes = [4, 4096], strides = [1, 1]} : vector<12x4096xf32> to vector<4x4096xf32>
    %slice3A_906 = vector.extract_strided_slice %concatenate3A_84 {offsets = [25, 0], sizes = [1, 4096], strides = [1, 1]} : vector<27x4096xf32> to vector<1x4096xf32>
    %mul3A_907 = vector.broadcast %slice3A_906 : vector<1x4096xf32> to vector<4x4096xf32>
    %mul3A_908 = arith.mulf %slice3A_905, %mul3A_907 : vector<4x4096xf32>
    %add3A_909 = arith.addf %add3A_904, %mul3A_908 : vector<4x4096xf32>
    %slice3A_910 = vector.extract_strided_slice %add3A_454 {offsets = [4, 0], sizes = [4, 4096], strides = [1, 1]} : vector<48x4096xf32> to vector<4x4096xf32>
    %slice3A_911 = vector.extract_strided_slice %add3A_909 {offsets = [0, 0], sizes = [1, 4096], strides = [1, 1]} : vector<4x4096xf32> to vector<1x4096xf32>
    %mul3A_912 = vector.broadcast %slice3A_911 : vector<1x4096xf32> to vector<4x4096xf32>
    %mul3A_913 = arith.mulf %slice3A_910, %mul3A_912 : vector<4x4096xf32>
    %add3A_914 = arith.addf %add3A_895, %mul3A_913 : vector<4x4096xf32>
    %slice3A_915 = vector.extract_strided_slice %add3A_454 {offsets = [16, 0], sizes = [4, 4096], strides = [1, 1]} : vector<48x4096xf32> to vector<4x4096xf32>
    %slice3A_916 = vector.extract_strided_slice %add3A_909 {offsets = [1, 0], sizes = [1, 4096], strides = [1, 1]} : vector<4x4096xf32> to vector<1x4096xf32>
    %mul3A_917 = vector.broadcast %slice3A_916 : vector<1x4096xf32> to vector<4x4096xf32>
    %mul3A_918 = arith.mulf %slice3A_915, %mul3A_917 : vector<4x4096xf32>
    %add3A_919 = arith.addf %add3A_914, %mul3A_918 : vector<4x4096xf32>
    %slice3A_920 = vector.extract_strided_slice %add3A_454 {offsets = [28, 0], sizes = [4, 4096], strides = [1, 1]} : vector<48x4096xf32> to vector<4x4096xf32>
    %slice3A_921 = vector.extract_strided_slice %add3A_909 {offsets = [2, 0], sizes = [1, 4096], strides = [1, 1]} : vector<4x4096xf32> to vector<1x4096xf32>
    %mul3A_922 = vector.broadcast %slice3A_921 : vector<1x4096xf32> to vector<4x4096xf32>
    %mul3A_923 = arith.mulf %slice3A_920, %mul3A_922 : vector<4x4096xf32>
    %add3A_924 = arith.addf %add3A_919, %mul3A_923 : vector<4x4096xf32>
    %slice3A_925 = vector.extract_strided_slice %add3A_454 {offsets = [40, 0], sizes = [4, 4096], strides = [1, 1]} : vector<48x4096xf32> to vector<4x4096xf32>
    %slice3A_926 = vector.extract_strided_slice %add3A_909 {offsets = [3, 0], sizes = [1, 4096], strides = [1, 1]} : vector<4x4096xf32> to vector<1x4096xf32>
    %mul3A_927 = vector.broadcast %slice3A_926 : vector<1x4096xf32> to vector<4x4096xf32>
    %mul3A_928 = arith.mulf %slice3A_925, %mul3A_927 : vector<4x4096xf32>
    %add3A_929 = arith.addf %add3A_924, %mul3A_928 : vector<4x4096xf32>
    %slice3A_930 = vector.extract_strided_slice %slice3A_104 {offsets = [0, 0], sizes = [4, 4096], strides = [1, 1]} : vector<12x4096xf32> to vector<4x4096xf32>
    %slice3A_931 = vector.extract_strided_slice %concatenate3A_84 {offsets = [20, 0], sizes = [1, 4096], strides = [1, 1]} : vector<27x4096xf32> to vector<1x4096xf32>
    %mul3A_932 = vector.broadcast %slice3A_931 : vector<1x4096xf32> to vector<4x4096xf32>
    %mul3A_933 = arith.mulf %slice3A_930, %mul3A_932 : vector<4x4096xf32>
    %slice3A_934 = vector.extract_strided_slice %slice3A_104 {offsets = [4, 0], sizes = [4, 4096], strides = [1, 1]} : vector<12x4096xf32> to vector<4x4096xf32>
    %slice3A_935 = vector.extract_strided_slice %concatenate3A_84 {offsets = [23, 0], sizes = [1, 4096], strides = [1, 1]} : vector<27x4096xf32> to vector<1x4096xf32>
    %mul3A_936 = vector.broadcast %slice3A_935 : vector<1x4096xf32> to vector<4x4096xf32>
    %mul3A_937 = arith.mulf %slice3A_934, %mul3A_936 : vector<4x4096xf32>
    %add3A_938 = arith.addf %mul3A_933, %mul3A_937 : vector<4x4096xf32>
    %slice3A_939 = vector.extract_strided_slice %slice3A_104 {offsets = [8, 0], sizes = [4, 4096], strides = [1, 1]} : vector<12x4096xf32> to vector<4x4096xf32>
    %slice3A_940 = vector.extract_strided_slice %concatenate3A_84 {offsets = [26, 0], sizes = [1, 4096], strides = [1, 1]} : vector<27x4096xf32> to vector<1x4096xf32>
    %mul3A_941 = vector.broadcast %slice3A_940 : vector<1x4096xf32> to vector<4x4096xf32>
    %mul3A_942 = arith.mulf %slice3A_939, %mul3A_941 : vector<4x4096xf32>
    %add3A_943 = arith.addf %add3A_938, %mul3A_942 : vector<4x4096xf32>
    %slice3A_944 = vector.extract_strided_slice %add3A_454 {offsets = [8, 0], sizes = [4, 4096], strides = [1, 1]} : vector<48x4096xf32> to vector<4x4096xf32>
    %slice3A_945 = vector.extract_strided_slice %add3A_943 {offsets = [0, 0], sizes = [1, 4096], strides = [1, 1]} : vector<4x4096xf32> to vector<1x4096xf32>
    %mul3A_946 = vector.broadcast %slice3A_945 : vector<1x4096xf32> to vector<4x4096xf32>
    %mul3A_947 = arith.mulf %slice3A_944, %mul3A_946 : vector<4x4096xf32>
    %add3A_948 = arith.addf %add3A_929, %mul3A_947 : vector<4x4096xf32>
    %slice3A_949 = vector.extract_strided_slice %add3A_454 {offsets = [20, 0], sizes = [4, 4096], strides = [1, 1]} : vector<48x4096xf32> to vector<4x4096xf32>
    %slice3A_950 = vector.extract_strided_slice %add3A_943 {offsets = [1, 0], sizes = [1, 4096], strides = [1, 1]} : vector<4x4096xf32> to vector<1x4096xf32>
    %mul3A_951 = vector.broadcast %slice3A_950 : vector<1x4096xf32> to vector<4x4096xf32>
    %mul3A_952 = arith.mulf %slice3A_949, %mul3A_951 : vector<4x4096xf32>
    %add3A_953 = arith.addf %add3A_948, %mul3A_952 : vector<4x4096xf32>
    %slice3A_954 = vector.extract_strided_slice %add3A_454 {offsets = [32, 0], sizes = [4, 4096], strides = [1, 1]} : vector<48x4096xf32> to vector<4x4096xf32>
    %slice3A_955 = vector.extract_strided_slice %add3A_943 {offsets = [2, 0], sizes = [1, 4096], strides = [1, 1]} : vector<4x4096xf32> to vector<1x4096xf32>
    %mul3A_956 = vector.broadcast %slice3A_955 : vector<1x4096xf32> to vector<4x4096xf32>
    %mul3A_957 = arith.mulf %slice3A_954, %mul3A_956 : vector<4x4096xf32>
    %add3A_958 = arith.addf %add3A_953, %mul3A_957 : vector<4x4096xf32>
    %slice3A_959 = vector.extract_strided_slice %add3A_454 {offsets = [44, 0], sizes = [4, 4096], strides = [1, 1]} : vector<48x4096xf32> to vector<4x4096xf32>
    %slice3A_960 = vector.extract_strided_slice %add3A_943 {offsets = [3, 0], sizes = [1, 4096], strides = [1, 1]} : vector<4x4096xf32> to vector<1x4096xf32>
    %mul3A_961 = vector.broadcast %slice3A_960 : vector<1x4096xf32> to vector<4x4096xf32>
    %mul3A_962 = arith.mulf %slice3A_959, %mul3A_961 : vector<4x4096xf32>
    %add3A_963 = arith.addf %add3A_958, %mul3A_962 : vector<4x4096xf32>
    %concatenate3A_964 = tpu.concatenate %add3A_753, %add3A_858, %add3A_963 in 0 : vector<4x4096xf32>, vector<4x4096xf32>, vector<4x4096xf32> -> vector<12x4096xf32>
    %broadcast_in_dim3A_965 = arith.constant 0.000000e+00 : f32
    %broadcast_in_dim3A_966 = vector.broadcast %broadcast_in_dim3A_965 : f32 to vector<1x512xf32>
    %broadcast_in_dim3A_967 = arith.constant 0.000000e+00 : f32
    %broadcast_in_dim3A_968 = vector.broadcast %broadcast_in_dim3A_967 : f32 to vector<16x512xf32>
    %broadcast_in_dim3A_969 = arith.constant 0.000000e+00 : f32
    %broadcast_in_dim3A_970 = vector.broadcast %broadcast_in_dim3A_969 : f32 to vector<12x512xf32>
    %slice3A_971 = vector.extract_strided_slice %transpose3A_25 {offsets = [0, 0], sizes = [1, 512], strides = [1, 1]} : vector<8x512xf32> to vector<1x512xf32>
    %add3A_972 = arith.addf %broadcast_in_dim3A_966, %slice3A_971 : vector<1x512xf32>
    %slice3A_973 = vector.extract_strided_slice %add3A_569 {offsets = [0, 0], sizes = [16, 512], strides = [1, 1]} : vector<16x4096xf32> to vector<16x512xf32>
    %mul3A_974 = vector.broadcast %slice3A_971 : vector<1x512xf32> to vector<16x512xf32>
    %mul3A_975 = arith.mulf %slice3A_973, %mul3A_974 : vector<16x512xf32>
    %add3A_976 = arith.addf %broadcast_in_dim3A_968, %mul3A_975 : vector<16x512xf32>
    %slice3A_977 = vector.extract_strided_slice %concatenate3A_964 {offsets = [0, 0], sizes = [12, 512], strides = [1, 1]} : vector<12x4096xf32> to vector<12x512xf32>
    %mul3A_978 = vector.broadcast %slice3A_971 : vector<1x512xf32> to vector<12x512xf32>
    %mul3A_979 = arith.mulf %slice3A_977, %mul3A_978 : vector<12x512xf32>
    %add3A_980 = arith.addf %broadcast_in_dim3A_970, %mul3A_979 : vector<12x512xf32>
    %slice3A_981 = vector.extract_strided_slice %transpose3A_25 {offsets = [1, 0], sizes = [1, 512], strides = [1, 1]} : vector<8x512xf32> to vector<1x512xf32>
    %add3A_982 = arith.addf %add3A_972, %slice3A_981 : vector<1x512xf32>
    %slice3A_983 = vector.extract_strided_slice %add3A_569 {offsets = [0, 512], sizes = [16, 512], strides = [1, 1]} : vector<16x4096xf32> to vector<16x512xf32>
    %mul3A_984 = vector.broadcast %slice3A_981 : vector<1x512xf32> to vector<16x512xf32>
    %mul3A_985 = arith.mulf %slice3A_983, %mul3A_984 : vector<16x512xf32>
    %add3A_986 = arith.addf %add3A_976, %mul3A_985 : vector<16x512xf32>
    %slice3A_987 = vector.extract_strided_slice %concatenate3A_964 {offsets = [0, 512], sizes = [12, 512], strides = [1, 1]} : vector<12x4096xf32> to vector<12x512xf32>
    %mul3A_988 = vector.broadcast %slice3A_981 : vector<1x512xf32> to vector<12x512xf32>
    %mul3A_989 = arith.mulf %slice3A_987, %mul3A_988 : vector<12x512xf32>
    %add3A_990 = arith.addf %add3A_980, %mul3A_989 : vector<12x512xf32>
    %slice3A_991 = vector.extract_strided_slice %transpose3A_25 {offsets = [2, 0], sizes = [1, 512], strides = [1, 1]} : vector<8x512xf32> to vector<1x512xf32>
    %add3A_992 = arith.addf %add3A_982, %slice3A_991 : vector<1x512xf32>
    %slice3A_993 = vector.extract_strided_slice %add3A_569 {offsets = [0, 1024], sizes = [16, 512], strides = [1, 1]} : vector<16x4096xf32> to vector<16x512xf32>
    %mul3A_994 = vector.broadcast %slice3A_991 : vector<1x512xf32> to vector<16x512xf32>
    %mul3A_995 = arith.mulf %slice3A_993, %mul3A_994 : vector<16x512xf32>
    %add3A_996 = arith.addf %add3A_986, %mul3A_995 : vector<16x512xf32>
    %slice3A_997 = vector.extract_strided_slice %concatenate3A_964 {offsets = [0, 1024], sizes = [12, 512], strides = [1, 1]} : vector<12x4096xf32> to vector<12x512xf32>
    %mul3A_998 = vector.broadcast %slice3A_991 : vector<1x512xf32> to vector<12x512xf32>
    %mul3A_999 = arith.mulf %slice3A_997, %mul3A_998 : vector<12x512xf32>
    %add3A_1000 = arith.addf %add3A_990, %mul3A_999 : vector<12x512xf32>
    %slice3A_1001 = vector.extract_strided_slice %transpose3A_25 {offsets = [3, 0], sizes = [1, 512], strides = [1, 1]} : vector<8x512xf32> to vector<1x512xf32>
    %add3A_1002 = arith.addf %add3A_992, %slice3A_1001 : vector<1x512xf32>
    %slice3A_1003 = vector.extract_strided_slice %add3A_569 {offsets = [0, 1536], sizes = [16, 512], strides = [1, 1]} : vector<16x4096xf32> to vector<16x512xf32>
    %mul3A_1004 = vector.broadcast %slice3A_1001 : vector<1x512xf32> to vector<16x512xf32>
    %mul3A_1005 = arith.mulf %slice3A_1003, %mul3A_1004 : vector<16x512xf32>
    %add3A_1006 = arith.addf %add3A_996, %mul3A_1005 : vector<16x512xf32>
    %slice3A_1007 = vector.extract_strided_slice %concatenate3A_964 {offsets = [0, 1536], sizes = [12, 512], strides = [1, 1]} : vector<12x4096xf32> to vector<12x512xf32>
    %mul3A_1008 = vector.broadcast %slice3A_1001 : vector<1x512xf32> to vector<12x512xf32>
    %mul3A_1009 = arith.mulf %slice3A_1007, %mul3A_1008 : vector<12x512xf32>
    %add3A_1010 = arith.addf %add3A_1000, %mul3A_1009 : vector<12x512xf32>
    %slice3A_1011 = vector.extract_strided_slice %transpose3A_25 {offsets = [4, 0], sizes = [1, 512], strides = [1, 1]} : vector<8x512xf32> to vector<1x512xf32>
    %add3A_1012 = arith.addf %add3A_1002, %slice3A_1011 : vector<1x512xf32>
    %slice3A_1013 = vector.extract_strided_slice %add3A_569 {offsets = [0, 2048], sizes = [16, 512], strides = [1, 1]} : vector<16x4096xf32> to vector<16x512xf32>
    %mul3A_1014 = vector.broadcast %slice3A_1011 : vector<1x512xf32> to vector<16x512xf32>
    %mul3A_1015 = arith.mulf %slice3A_1013, %mul3A_1014 : vector<16x512xf32>
    %add3A_1016 = arith.addf %add3A_1006, %mul3A_1015 : vector<16x512xf32>
    %slice3A_1017 = vector.extract_strided_slice %concatenate3A_964 {offsets = [0, 2048], sizes = [12, 512], strides = [1, 1]} : vector<12x4096xf32> to vector<12x512xf32>
    %mul3A_1018 = vector.broadcast %slice3A_1011 : vector<1x512xf32> to vector<12x512xf32>
    %mul3A_1019 = arith.mulf %slice3A_1017, %mul3A_1018 : vector<12x512xf32>
    %add3A_1020 = arith.addf %add3A_1010, %mul3A_1019 : vector<12x512xf32>
    %slice3A_1021 = vector.extract_strided_slice %transpose3A_25 {offsets = [5, 0], sizes = [1, 512], strides = [1, 1]} : vector<8x512xf32> to vector<1x512xf32>
    %add3A_1022 = arith.addf %add3A_1012, %slice3A_1021 : vector<1x512xf32>
    %slice3A_1023 = vector.extract_strided_slice %add3A_569 {offsets = [0, 2560], sizes = [16, 512], strides = [1, 1]} : vector<16x4096xf32> to vector<16x512xf32>
    %mul3A_1024 = vector.broadcast %slice3A_1021 : vector<1x512xf32> to vector<16x512xf32>
    %mul3A_1025 = arith.mulf %slice3A_1023, %mul3A_1024 : vector<16x512xf32>
    %add3A_1026 = arith.addf %add3A_1016, %mul3A_1025 : vector<16x512xf32>
    %slice3A_1027 = vector.extract_strided_slice %concatenate3A_964 {offsets = [0, 2560], sizes = [12, 512], strides = [1, 1]} : vector<12x4096xf32> to vector<12x512xf32>
    %mul3A_1028 = vector.broadcast %slice3A_1021 : vector<1x512xf32> to vector<12x512xf32>
    %mul3A_1029 = arith.mulf %slice3A_1027, %mul3A_1028 : vector<12x512xf32>
    %add3A_1030 = arith.addf %add3A_1020, %mul3A_1029 : vector<12x512xf32>
    %slice3A_1031 = vector.extract_strided_slice %transpose3A_25 {offsets = [6, 0], sizes = [1, 512], strides = [1, 1]} : vector<8x512xf32> to vector<1x512xf32>
    %add3A_1032 = arith.addf %add3A_1022, %slice3A_1031 : vector<1x512xf32>
    %slice3A_1033 = vector.extract_strided_slice %add3A_569 {offsets = [0, 3072], sizes = [16, 512], strides = [1, 1]} : vector<16x4096xf32> to vector<16x512xf32>
    %mul3A_1034 = vector.broadcast %slice3A_1031 : vector<1x512xf32> to vector<16x512xf32>
    %mul3A_1035 = arith.mulf %slice3A_1033, %mul3A_1034 : vector<16x512xf32>
    %add3A_1036 = arith.addf %add3A_1026, %mul3A_1035 : vector<16x512xf32>
    %slice3A_1037 = vector.extract_strided_slice %concatenate3A_964 {offsets = [0, 3072], sizes = [12, 512], strides = [1, 1]} : vector<12x4096xf32> to vector<12x512xf32>
    %mul3A_1038 = vector.broadcast %slice3A_1031 : vector<1x512xf32> to vector<12x512xf32>
    %mul3A_1039 = arith.mulf %slice3A_1037, %mul3A_1038 : vector<12x512xf32>
    %add3A_1040 = arith.addf %add3A_1030, %mul3A_1039 : vector<12x512xf32>
    %slice3A_1041 = vector.extract_strided_slice %transpose3A_25 {offsets = [7, 0], sizes = [1, 512], strides = [1, 1]} : vector<8x512xf32> to vector<1x512xf32>
    %add3A_1042 = arith.addf %add3A_1032, %slice3A_1041 : vector<1x512xf32>
    %slice3A_1043 = vector.extract_strided_slice %add3A_569 {offsets = [0, 3584], sizes = [16, 512], strides = [1, 1]} : vector<16x4096xf32> to vector<16x512xf32>
    %mul3A_1044 = vector.broadcast %slice3A_1041 : vector<1x512xf32> to vector<16x512xf32>
    %mul3A_1045 = arith.mulf %slice3A_1043, %mul3A_1044 : vector<16x512xf32>
    %add3A_1046 = arith.addf %add3A_1036, %mul3A_1045 : vector<16x512xf32>
    %slice3A_1047 = vector.extract_strided_slice %concatenate3A_964 {offsets = [0, 3584], sizes = [12, 512], strides = [1, 1]} : vector<12x4096xf32> to vector<12x512xf32>
    %mul3A_1048 = vector.broadcast %slice3A_1041 : vector<1x512xf32> to vector<12x512xf32>
    %mul3A_1049 = arith.mulf %slice3A_1047, %mul3A_1048 : vector<12x512xf32>
    %add3A_1050 = arith.addf %add3A_1040, %mul3A_1049 : vector<12x512xf32>
    %max3A_1051 = arith.constant 1.000000e+00 : f32
    %max3A_1052 = vector.broadcast %max3A_1051 : f32 to vector<1x512xf32>
    %max3A_1053 = arith.maximumf %add3A_1042, %max3A_1052 : vector<1x512xf32>
    %div3A = vector.broadcast %max3A_1053 : vector<1x512xf32> to vector<16x512xf32>
    %div3A_1054 = arith.divf %add3A_1046, %div3A : vector<16x512xf32>
    %div3A_1055 = vector.broadcast %max3A_1053 : vector<1x512xf32> to vector<12x512xf32>
    %div3A_1056 = arith.divf %add3A_1050, %div3A_1055 : vector<12x512xf32>
    %get3A_1057 = arith.constant 0 : index
    %get3A_1058 = arith.constant 0 : index
    %get3A_1059 = vector.load %arg51[%get3A_1057, %get3A_1058] : memref<16x16xf32, #tpu.memory_space<vmem>>, vector<16x16xf32>
    %dot_general3A_1060 = arith.constant dense<0.000000e+00> : vector<16x512xf32>
    %dot_general3A_1061 = tpu.matmul %get3A_1059, %transpose3A_94, %dot_general3A_1060 {dimension_numbers = #tpu.dot_dimension_numbers<[0], [0], [1], [1], [0, 1, 1, 1], [], []>, transpose_lhs_hint = false} : vector<16x16xf32>, vector<16x512xf32>, vector<16x512xf32> -> vector<16x512xf32>
    %add3A_1062 = arith.addf %div3A_1054, %dot_general3A_1061 : vector<16x512xf32>
    %get3A_1063 = arith.constant 0 : index
    %get3A_1064 = arith.constant 0 : index
    %get3A_1065 = vector.load %arg52[%get3A_1063, %get3A_1064] : memref<4x4xf32, #tpu.memory_space<vmem>>, vector<4x4xf32>
    %dot_general3A_1066 = arith.constant dense<0.000000e+00> : vector<4x1536xf32>
    %dot_general3A_1067 = tpu.matmul %get3A_1065, %concatenate3A_102, %dot_general3A_1066 {dimension_numbers = #tpu.dot_dimension_numbers<[0], [0], [1], [1], [0, 1, 1, 1], [], []>, transpose_lhs_hint = false} : vector<4x4xf32>, vector<4x1536xf32>, vector<4x1536xf32> -> vector<4x1536xf32>
    %slice3A_1068 = vector.extract_strided_slice %dot_general3A_1067 {offsets = [0, 0], sizes = [4, 512], strides = [1, 1]} : vector<4x1536xf32> to vector<4x512xf32>
    %slice3A_1069 = vector.extract_strided_slice %dot_general3A_1067 {offsets = [0, 512], sizes = [4, 512], strides = [1, 1]} : vector<4x1536xf32> to vector<4x512xf32>
    %slice3A_1070 = vector.extract_strided_slice %dot_general3A_1067 {offsets = [0, 1024], sizes = [4, 512], strides = [1, 1]} : vector<4x1536xf32> to vector<4x512xf32>
    %concatenate3A_1071 = tpu.concatenate %slice3A_1068, %slice3A_1069, %slice3A_1070 in 0 : vector<4x512xf32>, vector<4x512xf32>, vector<4x512xf32> -> vector<12x512xf32>
    %add3A_1072 = arith.addf %div3A_1056, %concatenate3A_1071 : vector<12x512xf32>
    %transpose3A_1073 = tpu.transpose %add3A_1062, [1, 0] : vector<16x512xf32> -> vector<512x16xf32>
    %swap3A = arith.constant 0 : index
    %swap3A_1074 = arith.constant 0 : index
    %swap3A_1075 = vector.load %arg53[%swap3A, %swap3A_1074] : memref<512x16xf32, #tpu.memory_space<vmem>>, vector<512x16xf32>
    tpu.vector_store %arg53[%swap3A, %swap3A_1074], %transpose3A_1073 {strides = array<i32>} : memref<512x16xf32, #tpu.memory_space<vmem>>, vector<512x16xf32>,
    %slice3A_1076 = vector.extract_strided_slice %add3A_1072 {offsets = [0, 0], sizes = [1, 512], strides = [1, 1]} : vector<12x512xf32> to vector<1x512xf32>
    %slice3A_1077 = vector.extract_strided_slice %add3A_1072 {offsets = [4, 0], sizes = [1, 512], strides = [1, 1]} : vector<12x512xf32> to vector<1x512xf32>
    %slice3A_1078 = vector.extract_strided_slice %add3A_1072 {offsets = [8, 0], sizes = [1, 512], strides = [1, 1]} : vector<12x512xf32> to vector<1x512xf32>
    %slice3A_1079 = vector.extract_strided_slice %add3A_1072 {offsets = [1, 0], sizes = [1, 512], strides = [1, 1]} : vector<12x512xf32> to vector<1x512xf32>
    %slice3A_1080 = vector.extract_strided_slice %add3A_1072 {offsets = [5, 0], sizes = [1, 512], strides = [1, 1]} : vector<12x512xf32> to vector<1x512xf32>
    %slice3A_1081 = vector.extract_strided_slice %add3A_1072 {offsets = [9, 0], sizes = [1, 512], strides = [1, 1]} : vector<12x512xf32> to vector<1x512xf32>
    %slice3A_1082 = vector.extract_strided_slice %add3A_1072 {offsets = [2, 0], sizes = [1, 512], strides = [1, 1]} : vector<12x512xf32> to vector<1x512xf32>
    %slice3A_1083 = vector.extract_strided_slice %add3A_1072 {offsets = [6, 0], sizes = [1, 512], strides = [1, 1]} : vector<12x512xf32> to vector<1x512xf32>
    %slice3A_1084 = vector.extract_strided_slice %add3A_1072 {offsets = [10, 0], sizes = [1, 512], strides = [1, 1]} : vector<12x512xf32> to vector<1x512xf32>
    %slice3A_1085 = vector.extract_strided_slice %add3A_1072 {offsets = [3, 0], sizes = [1, 512], strides = [1, 1]} : vector<12x512xf32> to vector<1x512xf32>
    %slice3A_1086 = vector.extract_strided_slice %add3A_1072 {offsets = [7, 0], sizes = [1, 512], strides = [1, 1]} : vector<12x512xf32> to vector<1x512xf32>
    %slice3A_1087 = vector.extract_strided_slice %add3A_1072 {offsets = [11, 0], sizes = [1, 512], strides = [1, 1]} : vector<12x512xf32> to vector<1x512xf32>
    %concatenate3A_1088 = tpu.concatenate %slice3A_1076, %slice3A_1077, %slice3A_1078, %slice3A_1079, %slice3A_1080, %slice3A_1081, %slice3A_1082, %slice3A_1083, %slice3A_1084, %slice3A_1085, %slice3A_1086, %slice3A_1087 in 0 : vector<1x512xf32>, vector<1x512xf32>, vector<1x512xf32>, vector<1x512xf32>, vector<1x512xf32>, vector<1x512xf32>, vector<1x512xf32>, vector<1x512xf32>, vector<1x512xf32>, vector<1x512xf32>, vector<1x512xf32>, vector<1x512xf32> -> vector<12x512xf32>
    %transpose3A_1089 = tpu.transpose %concatenate3A_1088, [1, 0] : vector<12x512xf32> -> vector<512x12xf32>
    %swap3A_1090 = arith.constant 0 : index
    %swap3A_1091 = arith.constant 0 : index
    %swap3A_1092 = vector.load %arg54[%swap3A_1090, %swap3A_1091] : memref<512x12xf32, #tpu.memory_space<vmem>>, vector<512x12xf32>
    tpu.vector_store %arg54[%swap3A_1090, %swap3A_1091], %transpose3A_1089 {strides = array<i32>} : memref<512x12xf32, #tpu.memory_space<vmem>>, vector<512x12xf32>,
    return
  }
  func.func @transform_0(%arg0: i32) -> (i32, i32) {
    %c0_i32 = arith.constant 0 : i32
    %c0_i32_0 = arith.constant 0 : i32
    return %arg0, %c0_i32 : i32, i32
  }
  func.func @transform_1(%arg0: i32) -> (i32, i32) {
    %c0_i32 = arith.constant 0 : i32
    %c0_i32_0 = arith.constant 0 : i32
    return %arg0, %c0_i32 : i32, i32
  }
  func.func @transform_2(%arg0: i32) -> (i32, i32) {
    %c0_i32 = arith.constant 0 : i32
    %c0_i32_0 = arith.constant 0 : i32
    return %arg0, %c0_i32 : i32, i32
  }
  func.func @transform_3(%arg0: i32) -> (i32, i32) {
    %c0_i32 = arith.constant 0 : i32
    %c0_i32_0 = arith.constant 0 : i32
    return %arg0, %c0_i32 : i32, i32
  }
  func.func @transform_4(%arg0: i32) -> (i32, i32) {
    %c0_i32 = arith.constant 0 : i32
    %c0_i32_0 = arith.constant 0 : i32
    return %arg0, %c0_i32 : i32, i32
  }
  func.func @transform_5(%arg0: i32) -> (i32, i32) {
    %c0_i32 = arith.constant 0 : i32
    %c0_i32_0 = arith.constant 0 : i32
    return %arg0, %c0_i32 : i32, i32
  }
  func.func @transform_6(%arg0: i32) -> (i32, i32) {
    %c0_i32 = arith.constant 0 : i32
    %c0_i32_0 = arith.constant 0 : i32
    return %arg0, %c0_i32 : i32, i32
  }
  func.func @transform_7(%arg0: i32) -> (i32, i32, i32) {
    %c0_i32 = arith.constant 0 : i32
    %c0_i32_0 = arith.constant 0 : i32
    %c0_i32_1 = arith.constant 0 : i32
    return %arg0, %c0_i32, %c0_i32_0 : i32, i32, i32
  }
  func.func @transform_8(%arg0: i32) -> (i32, i32) {
    %c0_i32 = arith.constant 0 : i32
    %c0_i32_0 = arith.constant 0 : i32
    return %arg0, %c0_i32 : i32, i32
  }
  func.func @transform_9(%arg0: i32) -> (i32, i32) {
    %c0_i32 = arith.constant 0 : i32
    %c0_i32_0 = arith.constant 0 : i32
    return %arg0, %c0_i32 : i32, i32
  }
  func.func @transform_10(%arg0: i32) -> (i32, i32) {
    %c0_i32 = arith.constant 0 : i32
    %c0_i32_0 = arith.constant 0 : i32
    %c0_i32_1 = arith.constant 0 : i32
    return %c0_i32, %c0_i32_0 : i32, i32
  }
  func.func @transform_11(%arg0: i32) -> (i32, i32) {
    %c0_i32 = arith.constant 0 : i32
    %c0_i32_0 = arith.constant 0 : i32
    %c0_i32_1 = arith.constant 0 : i32
    return %c0_i32, %c0_i32_0 : i32, i32
  }
  func.func @transform_12(%arg0: i32) -> (i32, i32) {
    %c0_i32 = arith.constant 0 : i32
    %c0_i32_0 = arith.constant 0 : i32
    %c0_i32_1 = arith.constant 0 : i32
    return %c0_i32, %c0_i32_0 : i32, i32
  }
  func.func @transform_13(%arg0: i32) -> (i32, i32) {
    %c0_i32 = arith.constant 0 : i32
    %c0_i32_0 = arith.constant 0 : i32
    %c0_i32_1 = arith.constant 0 : i32
    return %c0_i32, %c0_i32_0 : i32, i32
  }
  func.func @transform_14(%arg0: i32) -> (i32, i32) {
    %c0_i32 = arith.constant 0 : i32
    %c0_i32_0 = arith.constant 0 : i32
    %c0_i32_1 = arith.constant 0 : i32
    return %c0_i32, %c0_i32_0 : i32, i32
  }
  func.func @transform_15(%arg0: i32) -> (i32, i32) {
    %c0_i32 = arith.constant 0 : i32
    %c0_i32_0 = arith.constant 0 : i32
    %c0_i32_1 = arith.constant 0 : i32
    return %c0_i32, %c0_i32_0 : i32, i32
  }
  func.func @transform_16(%arg0: i32) -> (i32, i32) {
    %c0_i32 = arith.constant 0 : i32
    %c0_i32_0 = arith.constant 0 : i32
    %c0_i32_1 = arith.constant 0 : i32
    return %c0_i32, %c0_i32_0 : i32, i32
  }
  func.func @transform_17(%arg0: i32) -> (i32, i32) {
    %c0_i32 = arith.constant 0 : i32
    %c0_i32_0 = arith.constant 0 : i32
    %c0_i32_1 = arith.constant 0 : i32
    return %c0_i32, %c0_i32_0 : i32, i32
  }
  func.func @transform_18(%arg0: i32) -> (i32, i32) {
    %c0_i32 = arith.constant 0 : i32
    %c0_i32_0 = arith.constant 0 : i32
    %c0_i32_1 = arith.constant 0 : i32
    return %c0_i32, %c0_i32_0 : i32, i32
  }
  func.func @transform_19(%arg0: i32) -> (i32, i32) {
    %c0_i32 = arith.constant 0 : i32
    %c0_i32_0 = arith.constant 0 : i32
    %c0_i32_1 = arith.constant 0 : i32
    return %c0_i32, %c0_i32_0 : i32, i32
  }
  func.func @transform_20(%arg0: i32) -> (i32, i32) {
    %c0_i32 = arith.constant 0 : i32
    %c0_i32_0 = arith.constant 0 : i32
    %c0_i32_1 = arith.constant 0 : i32
    return %c0_i32, %c0_i32_0 : i32, i32
  }
  func.func @transform_21(%arg0: i32) -> (i32, i32) {
    %c0_i32 = arith.constant 0 : i32
    %c0_i32_0 = arith.constant 0 : i32
    %c0_i32_1 = arith.constant 0 : i32
    return %c0_i32, %c0_i32_0 : i32, i32
  }
  func.func @transform_22(%arg0: i32) -> (i32, i32) {
    %c0_i32 = arith.constant 0 : i32
    %c0_i32_0 = arith.constant 0 : i32
    %c0_i32_1 = arith.constant 0 : i32
    return %c0_i32, %c0_i32_0 : i32, i32
  }
  func.func @transform_23(%arg0: i32) -> (i32, i32) {
    %c0_i32 = arith.constant 0 : i32
    %c0_i32_0 = arith.constant 0 : i32
    %c0_i32_1 = arith.constant 0 : i32
    return %c0_i32, %c0_i32_0 : i32, i32
  }
  func.func @transform_24(%arg0: i32) -> (i32, i32) {
    %c0_i32 = arith.constant 0 : i32
    %c0_i32_0 = arith.constant 0 : i32
    %c0_i32_1 = arith.constant 0 : i32
    return %c0_i32, %c0_i32_0 : i32, i32
  }
  func.func @transform_25(%arg0: i32) -> (i32, i32) {
    %c0_i32 = arith.constant 0 : i32
    %c0_i32_0 = arith.constant 0 : i32
    %c0_i32_1 = arith.constant 0 : i32
    return %c0_i32, %c0_i32_0 : i32, i32
  }
  func.func @transform_26(%arg0: i32) -> (i32, i32) {
    %c0_i32 = arith.constant 0 : i32
    %c0_i32_0 = arith.constant 0 : i32
    %c0_i32_1 = arith.constant 0 : i32
    return %c0_i32, %c0_i32_0 : i32, i32
  }
  func.func @transform_27(%arg0: i32) -> (i32, i32) {
    %c0_i32 = arith.constant 0 : i32
    %c0_i32_0 = arith.constant 0 : i32
    %c0_i32_1 = arith.constant 0 : i32
    return %c0_i32, %c0_i32_0 : i32, i32
  }
  func.func @transform_28(%arg0: i32) -> (i32, i32) {
    %c0_i32 = arith.constant 0 : i32
    %c0_i32_0 = arith.constant 0 : i32
    %c0_i32_1 = arith.constant 0 : i32
    return %c0_i32, %c0_i32_0 : i32, i32
  }
  func.func @transform_29(%arg0: i32) -> (i32, i32) {
    %c0_i32 = arith.constant 0 : i32
    %c0_i32_0 = arith.constant 0 : i32
    %c0_i32_1 = arith.constant 0 : i32
    return %c0_i32, %c0_i32_0 : i32, i32
  }
  func.func @transform_30(%arg0: i32) -> (i32, i32) {
    %c0_i32 = arith.constant 0 : i32
    %c0_i32_0 = arith.constant 0 : i32
    %c0_i32_1 = arith.constant 0 : i32
    return %c0_i32, %c0_i32_0 : i32, i32
  }
  func.func @transform_31(%arg0: i32) -> (i32, i32) {
    %c0_i32 = arith.constant 0 : i32
    %c0_i32_0 = arith.constant 0 : i32
    %c0_i32_1 = arith.constant 0 : i32
    return %c0_i32, %c0_i32_0 : i32, i32
  }
  func.func @transform_32(%arg0: i32) -> (i32, i32) {
    %c0_i32 = arith.constant 0 : i32
    %c0_i32_0 = arith.constant 0 : i32
    %c0_i32_1 = arith.constant 0 : i32
    return %c0_i32, %c0_i32_0 : i32, i32
  }
  func.func @transform_33(%arg0: i32) -> (i32, i32) {
    %c0_i32 = arith.constant 0 : i32
    %c0_i32_0 = arith.constant 0 : i32
    %c0_i32_1 = arith.constant 0 : i32
    return %c0_i32, %c0_i32_0 : i32, i32
  }
  func.func @transform_34(%arg0: i32) -> (i32, i32) {
    %c0_i32 = arith.constant 0 : i32
    %c0_i32_0 = arith.constant 0 : i32
    %c0_i32_1 = arith.constant 0 : i32
    return %c0_i32, %c0_i32_0 : i32, i32
  }
  func.func @transform_35(%arg0: i32) -> (i32, i32) {
    %c0_i32 = arith.constant 0 : i32
    %c0_i32_0 = arith.constant 0 : i32
    %c0_i32_1 = arith.constant 0 : i32
    return %c0_i32, %c0_i32_0 : i32, i32
  }
  func.func @transform_36(%arg0: i32) -> (i32, i32) {
    %c0_i32 = arith.constant 0 : i32
    %c0_i32_0 = arith.constant 0 : i32
    %c0_i32_1 = arith.constant 0 : i32
    return %c0_i32, %c0_i32_0 : i32, i32
  }
  func.func @transform_37(%arg0: i32) -> (i32, i32) {
    %c0_i32 = arith.constant 0 : i32
    %c0_i32_0 = arith.constant 0 : i32
    %c0_i32_1 = arith.constant 0 : i32
    return %c0_i32, %c0_i32_0 : i32, i32
  }
  func.func @transform_38(%arg0: i32) -> (i32, i32) {
    %c0_i32 = arith.constant 0 : i32
    %c0_i32_0 = arith.constant 0 : i32
    %c0_i32_1 = arith.constant 0 : i32
    return %c0_i32, %c0_i32_0 : i32, i32
  }
  func.func @transform_39(%arg0: i32) -> (i32, i32) {
    %c0_i32 = arith.constant 0 : i32
    %c0_i32_0 = arith.constant 0 : i32
    %c0_i32_1 = arith.constant 0 : i32
    return %c0_i32, %c0_i32_0 : i32, i32
  }
  func.func @transform_40(%arg0: i32) -> (i32, i32) {
    %c0_i32 = arith.constant 0 : i32
    %c0_i32_0 = arith.constant 0 : i32
    %c0_i32_1 = arith.constant 0 : i32
    return %c0_i32, %c0_i32_0 : i32, i32
  }
  func.func @transform_41(%arg0: i32) -> (i32, i32) {
    %c0_i32 = arith.constant 0 : i32
    %c0_i32_0 = arith.constant 0 : i32
    %c0_i32_1 = arith.constant 0 : i32
    return %c0_i32, %c0_i32_0 : i32, i32
  }
  func.func @transform_42(%arg0: i32) -> (i32, i32) {
    %c0_i32 = arith.constant 0 : i32
    %c0_i32_0 = arith.constant 0 : i32
    %c0_i32_1 = arith.constant 0 : i32
    return %c0_i32, %c0_i32_0 : i32, i32
  }
  func.func @transform_43(%arg0: i32) -> (i32, i32) {
    %c0_i32 = arith.constant 0 : i32
    %c0_i32_0 = arith.constant 0 : i32
    %c0_i32_1 = arith.constant 0 : i32
    return %c0_i32, %c0_i32_0 : i32, i32
  }
  func.func @transform_44(%arg0: i32) -> (i32, i32) {
    %c0_i32 = arith.constant 0 : i32
    %c0_i32_0 = arith.constant 0 : i32
    %c0_i32_1 = arith.constant 0 : i32
    return %c0_i32, %c0_i32_0 : i32, i32
  }
  func.func @transform_45(%arg0: i32) -> (i32, i32) {
    %c0_i32 = arith.constant 0 : i32
    %c0_i32_0 = arith.constant 0 : i32
    %c0_i32_1 = arith.constant 0 : i32
    return %c0_i32, %c0_i32_0 : i32, i32
  }
  func.func @transform_46(%arg0: i32) -> (i32, i32) {
    %c0_i32 = arith.constant 0 : i32
    %c0_i32_0 = arith.constant 0 : i32
    %c0_i32_1 = arith.constant 0 : i32
    return %c0_i32, %c0_i32_0 : i32, i32
  }
  func.func @transform_47(%arg0: i32) -> (i32, i32) {
    %c0_i32 = arith.constant 0 : i32
    %c0_i32_0 = arith.constant 0 : i32
    %c0_i32_1 = arith.constant 0 : i32
    return %c0_i32, %c0_i32_0 : i32, i32
  }
  func.func @transform_48(%arg0: i32) -> (i32, i32) {
    %c0_i32 = arith.constant 0 : i32
    %c0_i32_0 = arith.constant 0 : i32
    %c0_i32_1 = arith.constant 0 : i32
    return %c0_i32, %c0_i32_0 : i32, i32
  }
  func.func @transform_49(%arg0: i32) -> (i32, i32) {
    %c0_i32 = arith.constant 0 : i32
    %c0_i32_0 = arith.constant 0 : i32
    %c0_i32_1 = arith.constant 0 : i32
    return %c0_i32, %c0_i32_0 : i32, i32
  }
  func.func @transform_50(%arg0: i32) -> (i32, i32) {
    %c0_i32 = arith.constant 0 : i32
    %c0_i32_0 = arith.constant 0 : i32
    %c0_i32_1 = arith.constant 0 : i32
    return %c0_i32, %c0_i32_0 : i32, i32
  }
  func.func @transform_51(%arg0: i32) -> (i32, i32) {
    %c0_i32 = arith.constant 0 : i32
    %c0_i32_0 = arith.constant 0 : i32
    %c0_i32_1 = arith.constant 0 : i32
    return %c0_i32, %c0_i32_0 : i32, i32
  }
  func.func @transform_52(%arg0: i32) -> (i32, i32) {
    %c0_i32 = arith.constant 0 : i32
    %c0_i32_0 = arith.constant 0 : i32
    return %arg0, %c0_i32 : i32, i32
  }
  func.func @transform_53(%arg0: i32) -> (i32, i32) {
    %c0_i32 = arith.constant 0 : i32
    %c0_i32_0 = arith.constant 0 : i32
    return %arg0, %c0_i32 : i32, i32
  }
}

</mosaic_0001>

<sc_bundles>
// kernel: kernel.4.cloned.1.call-start
scs
__scs_entry_jumppad:
0x0: {  	(pc) =	sbr.rel $0x88, $3  }
0x1: {  	(tag) =	ssettag $0x0;
	lr =	simm.s32 $0x1  }
0x2: {  	[smem:$0x3F6D] =	sst lr;
	_ =	strace $0xD0000000  }
0x3: {  	_ = 	snop  }
0x4: {  	_ = 	snop  }
0x5: {  	_ = 	snop  }
0x6: {  	_ = 	snop  }
0x7: {  	_ = 	snop  }
__scs_overlays_trampoline_lowered:
0x8: {  	[smem:$0x3F7C] =	sst s0  }
0x9: {  	[smem:$0x3F7D] =	sst s1  }
0xa: {  	[smem:$0x3F7E] =	sst s2  }
0xb: {  	[smem:$0x3F7F] =	sst s3  }
0xc: {  	[smem:$0x3F80] =	sst s4  }
0xd: {  	[smem:$0x3F81] =	sst s5  }
0xe: {  	[smem:$0x3F82] =	sst s6  }
0xf: {  	[smem:$0x3F83] =	sst s7  }
0x10: {  	[smem:$0x3F84] =	sst s8  }
0x11: {  	[smem:$0x3F85] =	sst s9;
	s0 =	simm.s32 @!p0 $0x0  }
0x12: {  	s1 =	sld [smem:$0x3F6B];
	s0 =	simm.s32 @p0 $0x1  }
0x13: {  	[smem:$0x3F86] =	sst s0;
	s0 =	simm.s32 @!p1 $0x0  }
0x14: {  	s2 =	sld [smem:$0x3F6A];
	s0 =	simm.s32 @p1 $0x1  }
0x15: {  	[smem:$0x3F87] =	sst s0;
	s0 =	simm.s32 @!p2 $0x0  }
0x16: {  	s3 =	sld [smem:$0x3FDB];
	s0 =	simm.s32 @p2 $0x1  }
0x17: {  	s4 =	simm.s32 $0x1BF5;
	[smem:$0x3F89] =	sst s0  }
0x18: {  	s0 =	sld [smem:$0x3F6C];
	_ =	swait.ge [sflag:s4], $0x0  }
0x19: {  	s7 =	sld [smem:$0x3F6D]  }
0x1a: {  	s8 =	sadd.s32 $0xFFFFE003, lr  }
0x1b: {  	s9 =	sadd.s32 $0xFFFFFEF7, lr;
	s5 =	simm.s32 $0xFFFFFFFF;
	p2 =	slt.u32 s8, $0xFFFFF086  }
0x1c: {  	p1 =	slt.u32 s9, $0xF7A;
	s5 =	simm.s32 @!p2 $0x0  }
0x1d: {  	s5 =	simm.s32 @p1 $0x1;
	p0 =	seq.s32 s7, s2  }
0x1e: {  	s7 =	smul.u32 @!p0 $0xF7A, s2;
	p2 =	seq.s32 @!p0 s5, $0x0  }
0x1f: {  	s9 =	smul.u32 $0xF7A, s1;
	s8 =	simm.s32 @!p0 $0x1BF5;
	p2 =	por !p2, p0  }
0x20: {  	[sflag:s8] =	ssyncset.s32 @!p0 $0xFFFFF086;
	s6 =	sadd.s32 @!p0 s3, s7;
	s7 =	simm.s32 @!p0 $0x108  }
0x21: {  	s3 =	sadd.s32 s3, s9;
	s6 =	sadd.s32 @!p0 $0x88, s6;
	s7 =	simm.s32 @p2 $0x1082  }
0x22: {  	[simem:s7], [sflag:s8] =	dma.local @!p0 [hbm:s6], $0xF7A  }
0x23: {  	s9 =	sor.u32 $0xD0000000, s2;
	s6 =	simm.s32 $0x108;
	_ =	swait.ge @!p0 [sflag:s8], $0x0  }
0x24: {  	s3 =	sadd.s32 $0x88, s3;
	s6 =	simm.s32 @!p1 $0x1082;
	[sflag:s4] =	ssyncset.s32 $0xFFFFF086  }
0x25: {  	[simem:s6], [sflag:s4] =	dma.local [hbm:s3], $0xF7A  }
0x26: {  	[smem:$0x3F6D] =	sst s1;
	(tag) =	ssettag s2;
	_ =	strace s9  }
0x27: {  	s1 =	sld [smem:$0x3F7D]  }
0x28: {  	s2 =	sld [smem:$0x3F7E]  }
0x29: {  	s4 =	sld [smem:$0x3F80]  }
0x2a: {  	p0 =	seq.s32 s5, $0x0;
	s5 =	sld [smem:$0x3F81]  }
0x2b: {  	s6 =	sld [smem:$0x3F82]  }
0x2c: {  	s7 =	sld [smem:$0x3F83]  }
0x2d: {  	s3 =	simm.s32 $0x108;
	s8 =	sld [smem:$0x3F84]  }
0x2e: {  	s3 =	simm.s32 @!p0 $0x1082;
	s9 =	sld [smem:$0x3F85]  }
0x2f: {  	lr =	sadd.s32 s0, s3;
	s0 =	sld [smem:$0x3F7C]  }
0x30: {  	s3 =	sld [smem:$0x3F7F]  }
0x31: {  	[smem:$0x3F88] =	sst s10  }
0x32: {  	s10 =	sld [smem:$0x3F86];
	_ =	sdelay $0x3  }
0x33: {  	p0 =	seq.s32 s10, $0x1;
	s10 =	sld [smem:$0x3F88];
	_ =	sdelay $0x3  }
0x34: {  	[smem:$0x3F88] =	sst s10  }
0x35: {  	s10 =	sld [smem:$0x3F87];
	_ =	sdelay $0x3  }
0x36: {  	p1 =	seq.s32 s10, $0x1;
	s10 =	sld [smem:$0x3F88];
	_ =	sdelay $0x3  }
0x37: {  	[smem:$0x3F88] =	sst s10  }
0x38: {  	s10 =	sld [smem:$0x3F89]  }
0x39: {  	_ = 	snop;
	(pc) =	sbr.ind lr, $3  }
0x3a: {  	_ = 	snop  }
0x3b: {  	_ = 	snop  }
0x3c: {  	p2 =	seq.s32 s10, $0x1;
	s10 =	sld [smem:$0x3F88]  }
0x3d: {  	_ =	shalt  }
0x3e: {  	_ =	shalt  }
0x3f: {  	_ =	shalt  }
0x40: {  	_ =	shalt  }
0x41: {  	_ =	shalt  }
0x42: {  	_ =	shalt  }
0x43: {  	_ =	shalt  }
0x44: {  	_ =	shalt  }
0x45: {  	_ =	shalt  }
0x46: {  	_ =	shalt  }
0x47: {  	_ =	shalt  }
0x48: {  	_ =	shalt  }
0x49: {  	_ =	shalt  }
0x4a: {  	_ =	shalt  }
0x4b: {  	_ =	shalt  }
0x4c: {  	_ =	shalt  }
0x4d: {  	_ =	shalt  }
0x4e: {  	_ =	shalt  }
0x4f: {  	_ =	shalt  }
0x50: {  	_ =	shalt  }
0x51: {  	_ =	shalt  }
0x52: {  	_ =	shalt  }
0x53: {  	_ =	shalt  }
0x54: {  	_ =	shalt  }
0x55: {  	_ =	shalt  }
0x56: {  	_ =	shalt  }
0x57: {  	_ =	shalt  }
0x58: {  	_ =	shalt  }
0x59: {  	_ =	shalt  }
0x5a: {  	_ =	shalt  }
0x5b: {  	_ =	shalt  }
0x5c: {  	_ =	shalt  }
0x5d: {  	_ =	shalt  }
0x5e: {  	_ =	shalt  }
0x5f: {  	_ =	shalt  }
0x60: {  	_ =	shalt  }
0x61: {  	_ =	shalt  }
0x62: {  	_ =	shalt  }
0x63: {  	_ =	shalt  }
0x64: {  	_ =	shalt  }
0x65: {  	_ =	shalt  }
0x66: {  	_ =	shalt  }
0x67: {  	_ =	shalt  }
0x68: {  	_ =	shalt  }
0x69: {  	_ =	shalt  }
0x6a: {  	_ =	shalt  }
0x6b: {  	_ =	shalt  }
0x6c: {  	_ =	shalt  }
0x6d: {  	_ =	shalt  }
0x6e: {  	_ =	shalt  }
0x6f: {  	_ =	shalt  }
0x70: {  	_ =	shalt  }
0x71: {  	_ =	shalt  }
0x72: {  	_ =	shalt  }
0x73: {  	_ =	shalt  }
0x74: {  	_ =	shalt  }
0x75: {  	_ =	shalt  }
0x76: {  	_ =	shalt  }
0x77: {  	_ =	shalt  }
0x78: {  	_ =	shalt  }
0x79: {  	_ =	shalt  }
0x7a: {  	_ =	shalt  }
0x7b: {  	_ =	shalt  }
0x7c: {  	_ =	shalt  }
0x7d: {  	_ =	shalt  }
0x7e: {  	_ =	shalt  }
0x7f: {  	_ =	shalt  }
0x80: {  	_ =	shalt  }
0x81: {  	_ =	shalt  }
0x82: {  	_ =	shalt  }
0x83: {  	_ =	shalt  }
0x84: {  	_ =	shalt  }
0x85: {  	_ =	shalt  }
0x86: {  	_ =	shalt  }
0x87: {  	_ =	shalt  }
.Lfunc_end0:
.L_simem_size_0:
called_computation_lowered:
.L_overlay_start_0:
0x88: {  	s2 =	sld [smem:$0x3FD9]  }
0x89: {  	s3 =	sld [smem:$0x3FFE];
	_ =	sdelay $0x1  }
0x8a: {  	s1 =	srdreg.scid  }
0x8b: {  	s0 =	sand.u32 $0x1, s1  }
0x8c: {  	s14 =	sshll.u32 s0, $0xA;
	s2 =	sadd.s32 s3, s2  }
0x8d: {  	s2 =	sadd.s32 s2, s14  }
0x8e: {  	[smem:$0x3F94] =	sst s2  }
0x8f: {  	_ = 	snop  }
0x90: {  	s2 =	sld [smem:$0x3FD0];
	_ =	sdelay $0x2  }
0x91: {  	s15 =	simm.s32 $0xA;
	s4 =	simm.s32 $0x10  }
0x92: {  	[smem:s4], [sflag:s15] =	dma.local [hbm:s2], $0x1  }
0x93: {  	_ =	swait.eq [sflag:s15], $0x1  }
0x94: {  	[sflag:s15] =	ssyncset.done $0x0  }
0x95: {  	[sflag:s15] =	ssyncadd.s32 $0xFFFFFFFF  }
0x96: {  	s16 =	sld [smem:$0x11];
	(tm) =	ssettm $0x1  }
0x97: {  	s17 =	sld [smem:$0x3FFB];
	_ =	sdelay $0x3  }
0x98: {  	_ =	strace s17  }
0x99: {  	s3 =	sld [smem:$0x3FFC];
	_ =	sdelay $0x3  }
0x9a: {  	_ =	strace s3  }
0x9b: {  	s3 =	sld [smem:$0x3FFD];
	_ =	sdelay $0x3  }
0x9c: {  	_ =	strace s3  }
0x9d: {  	_ =	strace $0x8FFFFFFF  }
0x9e: {  	s18 =	sld [smem:$0x3FDB];
	_ =	sdelay $0x1  }
0x9f: {  	s19 =	simm.s32 $_scs_section_size  }
0xa0: {  	s5 =	simm.s32 $_size__tile_overlayer_lowered;
	s6 =	simm.s32 $_tile_overlayer_lowered  }
0xa1: {  	s22 =	simm.s32 $0x1BFF;
	s21 =	sshll.u32 s6, $0x1;
	s3 =	sadd.s32 s19, s18  }
0xa2: {  	s7 =	simm.s32 $0x0;
	s20 =	sshll.u32 s5, $0x1;
	s5 =	sadd.s32 s21, s3  }
0xa3: {  	[timem:s7], [sflag:s22] =	dma.local [hbm:s5], s20  }
0xa4: {  	_ =	swait.ge [sflag:s22], s20  }
0xa5: {  	s4 =	ssub.s32 $0x0, s20;
	[sflag:s22] =	ssyncset.done $0x0  }
0xa6: {  	[sflag:s22] =	ssyncadd.s32 s4;
	_ =	sdelay $0x1  }
0xa7: {  	s23 =	simm.s32 $0x1B8B  }
0xa8: {  	_ =	swait.ge [sflag:s23], $0x1  }
0xa9: {  	[sflag:s23] =	ssyncset.done $0x0  }
0xaa: {  	s25 =	simm.s32 $0x1B8E;
	s24 =	sld [smem:$0x3FFE];
	[sflag:s23] =	ssyncadd.s32 $0xFFFFFFFF  }
0xab: {  	s26 =	simm.s32 $execute0_lowered;
	[smem:$0x3FD2] =	sst s25  }
0xac: {  	s5 =	sshll.u32 s26, $0x1;
	_ =	strace $0x80000046;
	[dreg:$0x1] =	wrdreg $0xFFFFFFFF  }
0xad: {  	s28 =	simm.s32 $_size_execute0_lowered;
	s3 =	sadd.s32 s3, s5;
	[dreg:$0x0] =	wrdreg $0x0  }
0xae: {  	s5 =	sshll.u32 s28, $0x1;
	[dreg:$0x2] =	wrdreg s3  }
0xaf: {  	[dreg:$0x3] =	wrdreg s5  }
0xb0: {  	[dreg:$0x4] =	wrdreg $0xC0  }
0xb1: {  	_ =	task [dreg:s7], $0x5FFFF  }
0xb2: {  	[dreg:$0x1] =	wrdreg $0xFFFFFFFF  }
0xb3: {  	[dreg:$0x0] =	wrdreg $0x60  }
0xb4: {  	[dreg:$0x2] =	wrdreg s24  }
0xb5: {  	[dreg:$0x3] =	wrdreg s16  }
0xb6: {  	[dreg:$0x4] =	wrdreg $0x9  }
0xb7: {  	_ =	task.clear_ibuf [dreg:s7], $0x5FFFF;
	_ =	strace $0x90000046  }
0xb8: {  	s29 =	simm.s32 $0x9;
	_ =	strace $0x80000048  }
0xb9: {  	_ =	swait.ge [sflag:s29], $0x1  }
0xba: {  	[sflag:s29] =	ssyncadd.s32 $0xFFFFFFFF  }
0xbb: {  	_ =	strace $0x90000048  }
0xbc: {  	_ =	sfence  }
0xbd: {  	s30 =	sld [smem:$0x0];
	_ =	sdelay $0x2  }
0xbe: {  	s31 =	sshll.u32 s1, $0xD;
	s1 =	sshrl.u32 s1, $0x2  }
0xbf: {  	s3 =	sand.u32 $0x4000, s31;
	s1 =	sadd.s32 s1, s30  }
0xc0: {  	s0 =	sor.u32 s3, s0;
	s1 =	sshll.u32 s1, $0x11  }
0xc1: {  	s0 =	sor.u32 s1, s0  }
0xc2: {  	s0 =	sadd.s32 $0x8F2B, s0  }
0xc3: {  	[sflag:s0] =	ssyncadd.remote.s32 $0x1  }
0xc4: {  	_ =	sfence.sel $0xFFFF  }
0xc5: {  	[dreg:$0x0] =	wrdreg $0xFFFFFFFF;
	(pc) =	sbr.abs _section_cstart, $3  }
0xc6: {  	[dreg:$0x1] =	wrdreg $0xFFFFFFFF  }
0xc7: {  	_ =	task.clear_ibuf [dreg:s7], $0x2FFFF;
	_ =	strace $0x9FFFFFFF  }
0xc8: {  	(tm) =	ssettm $0x7FFFFFFF  }
0xc9: {  	_ =	shalt  }
tec
execute0_lowered:
.L_overlay_start_1:
0x0: {  	(tag) =	ssettag $0x1  }
0x1: {  	s1 =	srdreg.scid;
	s0 =	stileid.u32  }
0x2: {  	s4 =	rddreg [dreg:$0x0];
	s1 =	sand.u32 $0x1, s1;
	s2 =	sshll.u32 s0, $0x1  }
0x3: {  	s5 =	rddreg [dreg:$0x1];
	s3 =	sor.u32 s1, s2;
	s2 =	simm.s32 $0x0  }
0x4: {  	s7 =	simm.s32 $0x2A00;
	[smem:$0x7FF] =	sst s2  }
0x5: {  	s8 =	simm.s32 $0x180;
	_ =	strace $0x80000047;
	[dreg:$0x7] =	wrdreg s7  }
0x6: {  	s9 =	simm.s32 $0x3A00;
	[dreg:$0x8] =	wrdreg s8  }
0x7: {  	s10 =	simm.s32 $0x200;
	[dreg:$0x9] =	wrdreg s9  }
0x8: {  	s11 =	simm.s32 $0x4A00;
	[dreg:$0xa] =	wrdreg s10  }
0x9: {  	s12 =	simm.s32 $0x280;
	[dreg:$0xb] =	wrdreg s11  }
0xa: {  	s13 =	simm.s32 $0x5A00;
	[dreg:$0xc] =	wrdreg s12  }
0xb: {  	s14 =	simm.s32 $0x300;
	[dreg:$0xd] =	wrdreg s13  }
0xc: {  	s15 =	simm.s32 $0x6A00;
	[dreg:$0xe] =	wrdreg s14  }
0xd: {  	s16 =	simm.s32 $0x380;
	s6 =	smul.u32 $0x2800, s3;
	[dreg:$0xf] =	wrdreg s15  }
0xe: {  	s17 =	simm.s32 $0x7A00;
	s3 =	smul.u32 $0x140, s3;
	[dreg:$0x10] =	wrdreg s16  }
0xf: {  	s19 =	simm.s32 $0x400;
	[dreg:$0x11] =	wrdreg s17  }
0x10: {  	[dreg:$0x12] =	wrdreg s19;
	s3 =	sadd.s32 s5, s3  }
0x11: {  	s6 =	sadd.s32 s6, s4;
	s5 =	simm.s32 $0x1A00;
	[dreg:$0x3] =	wrdreg s3  }
0x12: {  	s0 =	sadd.s32 $0x5E800, s6;
	[dreg:$0x5] =	wrdreg s5  }
0x13: {  	s6 =	simm.s32 $0x100;
	[dreg:$0x4] =	wrdreg s0  }
0x14: {  	[dreg:$0x6] =	wrdreg s6  }
0x15: {  	s3 =	simm.s32 $0x2;
	s18 =	rddreg [dreg:$0x3]  }
0x16: {  	[tilespmem:s2], [sflag:$0x2] =	stream.linear.gather [hbm4b:s18+s2], $0xA00, $0x38;
	[tilespmem:$0x14A00] =	vst v63  }
0x17: {  	_ =	swait.ge [sflag:s3], $0xA00  }
0x18: {  	s7 =	rddreg [dreg:$0x11]  }
0x19: {  	s8 =	rddreg [dreg:$0xf]  }
0x1a: {  	s9 =	rddreg [dreg:$0xd]  }
0x1b: {  	s4 =	sadd.s32 $0x54A00, s4;
	s10 =	rddreg [dreg:$0xb]  }
0x1c: {  	s5 =	simm.s32 $0xA00;
	s11 =	rddreg [dreg:$0x6];
	[sflag:s3] =	ssyncset.done $0x0  }
0x1d: {  	s6 =	simm.s32 $0x80;
	s12 =	rddreg [dreg:$0x5];
	[sflag:s3] =	ssyncadd.s32 $0xFFFFF600  }
0x1e: {  	[tilespmem:s5], [sflag:$0x1] =	stream.indirect.gather [hbm4b:s4+s6], $0x20, s2, s6, $0xb8;
	[tilespmem:$0x14A00] =	vst v63  }
0x1f: {  	s13 =	rddreg [dreg:$0x7]  }
0x20: {  	[tilespmem:s12], [sflag:$0x1] =	stream.indirect.gather [hbm4b:s4+s6], $0x20, s6, s6, $0xb8;
	[tilespmem:$0x14A00] =	vst v63  }
0x21: {  	s14 =	rddreg [dreg:$0x9]  }
0x22: {  	[tilespmem:s13], [sflag:$0x1] =	stream.indirect.gather [hbm4b:s4+s6], $0x20, s11, s6, $0xb8;
	[tilespmem:$0x14A00] =	vst v63  }
0x23: {  	s20 =	rddreg [dreg:$0x8]  }
0x24: {  	[tilespmem:s14], [sflag:$0x1] =	stream.indirect.gather [hbm4b:s4+s6], $0x20, s20, s6, $0xb8;
	[tilespmem:$0x14A00] =	vst v63  }
0x25: {  	s21 =	rddreg [dreg:$0xa]  }
0x26: {  	[tilespmem:s10], [sflag:$0x1] =	stream.indirect.gather [hbm4b:s4+s6], $0x20, s21, s6, $0xb8;
	[tilespmem:$0x14A00] =	vst v63  }
0x27: {  	s22 =	rddreg [dreg:$0xc]  }
0x28: {  	[tilespmem:s9], [sflag:$0x1] =	stream.indirect.gather [hbm4b:s4+s6], $0x20, s22, s6, $0xb8;
	[tilespmem:$0x14A00] =	vst v63  }
0x29: {  	s23 =	rddreg [dreg:$0xe]  }
0x2a: {  	[tilespmem:s8], [sflag:$0x1] =	stream.indirect.gather [hbm4b:s4+s6], $0x20, s23, s6, $0xb8;
	[tilespmem:$0x14A00] =	vst v63  }
0x2b: {  	s24 =	rddreg [dreg:$0x10]  }
0x2c: {  	[tilespmem:s7], [sflag:$0x1] =	stream.indirect.gather [hbm4b:s4+s6], $0x20, s24, s6, $0xb8;
	[tilespmem:$0x14A00] =	vst v63  }
0x2d: {  	s26 =	simm.s32 $0x8A00;
	s25 =	rddreg [dreg:$0x12]  }
0x2e: {  	[tilespmem:s26], [sflag:$0x1] =	stream.indirect.gather [hbm4b:s4+s6], $0x20, s25, s6, $0xb8;
	[tilespmem:$0x14A00] =	vst v63  }
0x2f: {  	s8 =	simm.s32 $0x9A00;
	s7 =	simm.s32 $0x480  }
0x30: {  	[tilespmem:s8], [sflag:$0x1] =	stream.indirect.gather [hbm4b:s4+s6], $0x20, s7, s6, $0xb8;
	[tilespmem:$0x14A00] =	vst v63  }
0x31: {  	s10 =	simm.s32 $0xAA00;
	s9 =	simm.s32 $0x500  }
0x32: {  	[tilespmem:s10], [sflag:$0x1] =	stream.indirect.gather [hbm4b:s4+s6], $0x20, s9, s6, $0xb8;
	[tilespmem:$0x14A00] =	vst v63  }
0x33: {  	s12 =	simm.s32 $0xBA00;
	s11 =	simm.s32 $0x580  }
0x34: {  	[tilespmem:s12], [sflag:$0x1] =	stream.indirect.gather [hbm4b:s4+s6], $0x20, s11, s6, $0xb8;
	[tilespmem:$0x14A00] =	vst v63  }
0x35: {  	s15 =	simm.s32 $0xCA00;
	s14 =	simm.s32 $0x600  }
0x36: {  	[tilespmem:s15], [sflag:$0x1] =	stream.indirect.gather [hbm4b:s4+s6], $0x20, s14, s6, $0xb8;
	[tilespmem:$0x14A00] =	vst v63  }
0x37: {  	s16 =	simm.s32 $0x680;
	s17 =	simm.s32 $0xDA00  }
0x38: {  	[tilespmem:s17], [sflag:$0x1] =	stream.indirect.gather [hbm4b:s4+s6], $0x20, s16, s6, $0xb8;
	[tilespmem:$0x14A00] =	vst v63  }
0x39: {  	s19 =	simm.s32 $0xEA00;
	s18 =	simm.s32 $0x700  }
0x3a: {  	[tilespmem:s19], [sflag:$0x1] =	stream.indirect.gather [hbm4b:s4+s6], $0x20, s18, s6, $0xb8;
	[tilespmem:$0x14A00] =	vst v63  }
0x3b: {  	s20 =	simm.s32 $0x780;
	s21 =	simm.s32 $0xFA00  }
0x3c: {  	[tilespmem:s21], [sflag:$0x1] =	stream.indirect.gather [hbm4b:s4+s6], $0x20, s20, s6, $0xb8;
	[tilespmem:$0x14A00] =	vst v63  }
0x3d: {  	s22 =	simm.s32 $0x800;
	s23 =	simm.s32 $0x10A00  }
0x3e: {  	[tilespmem:s23], [sflag:$0x1] =	stream.indirect.gather [hbm4b:s4+s6], $0x20, s22, s6, $0xb8;
	[tilespmem:$0x14A00] =	vst v63  }
0x3f: {  	s24 =	simm.s32 $0x880;
	s25 =	simm.s32 $0x11A00  }
0x40: {  	[tilespmem:s25], [sflag:$0x1] =	stream.indirect.gather [hbm4b:s4+s6], $0x20, s24, s6, $0xb8;
	[tilespmem:$0x14A00] =	vst v63  }
0x41: {  	s28 =	simm.s32 $0x12A00;
	s26 =	simm.s32 $0x900  }
0x42: {  	[tilespmem:s28], [sflag:$0x1] =	stream.indirect.gather [hbm4b:s4+s6], $0x20, s26, s6, $0xb8;
	[tilespmem:$0x14A00] =	vst v63  }
0x43: {  	s30 =	simm.s32 $0x980;
	s31 =	simm.s32 $0x13A00;
	s29 =	simm.s32 $0x1  }
0x44: {  	[tilespmem:s31], [sflag:$0x1] =	stream.indirect.gather [hbm4b:s4+s6], $0x20, s30, s6, $0xb8;
	[tilespmem:$0x14A00] =	vst v63  }
0x45: {  	_ =	swait.ge [sflag:s29], $0x1000  }
0x46: {  	[sflag:s29] =	ssyncset.done $0x0  }
0x47: {  	[sflag:s29] =	ssyncadd.s32 $0xFFFFF000  }
0x48: {  	_ =	swait.ge [sflag:s29], $0x1000  }
0x49: {  	[sflag:s29] =	ssyncset.done $0x0  }
0x4a: {  	[sflag:s29] =	ssyncadd.s32 $0xFFFFF000  }
0x4b: {  	_ =	swait.ge [sflag:s29], $0x1000  }
0x4c: {  	[sflag:s29] =	ssyncset.done $0x0  }
0x4d: {  	[sflag:s29] =	ssyncadd.s32 $0xFFFFF000  }
0x4e: {  	_ =	swait.ge [sflag:s29], $0x1000  }
0x4f: {  	[sflag:s29] =	ssyncset.done $0x0  }
0x50: {  	[sflag:s29] =	ssyncadd.s32 $0xFFFFF000  }
0x51: {  	_ =	swait.ge [sflag:s29], $0x1000  }
0x52: {  	[sflag:s29] =	ssyncset.done $0x0  }
0x53: {  	[sflag:s29] =	ssyncadd.s32 $0xFFFFF000  }
0x54: {  	_ =	swait.ge [sflag:s29], $0x1000  }
0x55: {  	[sflag:s29] =	ssyncset.done $0x0  }
0x56: {  	[sflag:s29] =	ssyncadd.s32 $0xFFFFF000  }
0x57: {  	_ =	swait.ge [sflag:s29], $0x1000  }
0x58: {  	[sflag:s29] =	ssyncset.done $0x0  }
0x59: {  	[sflag:s29] =	ssyncadd.s32 $0xFFFFF000  }
0x5a: {  	_ =	swait.ge [sflag:s29], $0x1000  }
0x5b: {  	[sflag:s29] =	ssyncset.done $0x0  }
0x5c: {  	[sflag:s29] =	ssyncadd.s32 $0xFFFFF000  }
0x5d: {  	_ =	swait.ge [sflag:s29], $0x1000  }
0x5e: {  	[sflag:s29] =	ssyncset.done $0x0  }
0x5f: {  	[sflag:s29] =	ssyncadd.s32 $0xFFFFF000  }
0x60: {  	_ =	swait.ge [sflag:s29], $0x1000  }
0x61: {  	[sflag:s29] =	ssyncset.done $0x0  }
0x62: {  	[sflag:s29] =	ssyncadd.s32 $0xFFFFF000  }
0x63: {  	_ =	swait.ge [sflag:s29], $0x1000  }
0x64: {  	[sflag:s29] =	ssyncset.done $0x0  }
0x65: {  	[sflag:s29] =	ssyncadd.s32 $0xFFFFF000  }
0x66: {  	_ =	swait.ge [sflag:s29], $0x1000  }
0x67: {  	[sflag:s29] =	ssyncset.done $0x0  }
0x68: {  	[sflag:s29] =	ssyncadd.s32 $0xFFFFF000  }
0x69: {  	_ =	swait.ge [sflag:s29], $0x1000  }
0x6a: {  	[sflag:s29] =	ssyncset.done $0x0  }
0x6b: {  	[sflag:s29] =	ssyncadd.s32 $0xFFFFF000  }
0x6c: {  	_ =	swait.ge [sflag:s29], $0x1000  }
0x6d: {  	[sflag:s29] =	ssyncset.done $0x0  }
0x6e: {  	[sflag:s29] =	ssyncadd.s32 $0xFFFFF000  }
0x6f: {  	_ =	swait.ge [sflag:s29], $0x1000  }
0x70: {  	[sflag:s29] =	ssyncset.done $0x0  }
0x71: {  	[sflag:s29] =	ssyncadd.s32 $0xFFFFF000  }
0x72: {  	_ =	swait.ge [sflag:s29], $0x1000  }
0x73: {  	[sflag:s29] =	ssyncset.done $0x0  }
0x74: {  	[sflag:s29] =	ssyncadd.s32 $0xFFFFF000  }
0x75: {  	s1 =	ssub.s32 $0x2, s1;
	_ =	swait.ge [sflag:s29], $0x1000  }
0x76: {  	s13 =	sshrl.u32 s1, $0x1;
	[sflag:s29] =	ssyncset.done $0x0  }
0x77: {  	s0 =	ssub.s32 s1, s13;
	[sflag:s29] =	ssyncadd.s32 $0xFFFFF000  }
0x78: {  	s0 =	smax.u32 s0, $0x1;
	_ =	swait.ge [sflag:s29], $0x1000  }
0x79: {  	p0 =	sne.s32 s0, $0x1;
	[sflag:s29] =	ssyncset.done $0x0  }
.Ltmp0:
0x7a: {  	[sflag:s29] =	ssyncadd.s32 $0xFFFFF000;
	(pc) =	sbr.rel @!p0 .LBB2_2-.Ltmp0, $4  }
0x7b: {  	_ =	swait.ge [sflag:s29], $0x1000  }
0x7c: {  	[sflag:s29] =	ssyncset.done $0x0  }
0x7d: {  	[sflag:s29] =	ssyncadd.s32 $0xFFFFF000  }
0x7e: {  	s1 =	sadd.s32 $0xFFFFFFFF, s0;
	_ =	swait.ge [sflag:s29], $0x1000  }
.LBB2_1:
0x7f: {  	[sflag:s29] =	ssyncset.done $0x0  }
0x80: {  	s0 =	rddreg [dreg:$0x4];
	[sflag:s29] =	ssyncadd.s32 $0xFFFFF000  }
0x81: {  	[hbm4b:s0+s2] =	stream.linear.scatter [tilespmem:s5], [sflag:$0x2], $0x14000, $0x38;
	[tilespmem:$0x14A00] =	vst v63  }
0x82: {  	_ =	swait.ge [sflag:s3], $0x14000  }
0x83: {  	[sflag:s3] =	ssyncset.done $0x0  }
0x84: {  	s11 =	rddreg [dreg:$0x3];
	[sflag:s3] =	ssyncadd.s32 $0xFFFEC000  }
0x85: {  	[tilespmem:s2], [sflag:$0x2] =	stream.linear.gather [hbm4b:s11+s2], $0xA00, $0x38;
	[tilespmem:$0x14A00] =	vst v63  }
0x86: {  	_ =	swait.ge [sflag:s3], $0xA00  }
0x87: {  	s0 =	rddreg [dreg:$0x11]  }
0x88: {  	s7 =	rddreg [dreg:$0xf]  }
0x89: {  	s8 =	rddreg [dreg:$0xd]  }
0x8a: {  	s9 =	rddreg [dreg:$0xb]  }
0x8b: {  	s10 =	rddreg [dreg:$0x6];
	[sflag:s3] =	ssyncset.done $0x0  }
0x8c: {  	s11 =	rddreg [dreg:$0x5];
	[sflag:s3] =	ssyncadd.s32 $0xFFFFF600  }
0x8d: {  	[tilespmem:s5], [sflag:$0x1] =	stream.indirect.gather [hbm4b:s4+s6], $0x20, s2, s6, $0xb8;
	[tilespmem:$0x14A00] =	vst v63  }
0x8e: {  	s12 =	rddreg [dreg:$0x7]  }
0x8f: {  	[tilespmem:s11], [sflag:$0x1] =	stream.indirect.gather [hbm4b:s4+s6], $0x20, s6, s6, $0xb8;
	[tilespmem:$0x14A00] =	vst v63  }
0x90: {  	s13 =	rddreg [dreg:$0x9]  }
0x91: {  	[tilespmem:s12], [sflag:$0x1] =	stream.indirect.gather [hbm4b:s4+s6], $0x20, s10, s6, $0xb8;
	[tilespmem:$0x14A00] =	vst v63  }
0x92: {  	s11 =	rddreg [dreg:$0x8]  }
0x93: {  	[tilespmem:s13], [sflag:$0x1] =	stream.indirect.gather [hbm4b:s4+s6], $0x20, s11, s6, $0xb8;
	[tilespmem:$0x14A00] =	vst v63  }
0x94: {  	s12 =	rddreg [dreg:$0xa]  }
0x95: {  	[tilespmem:s9], [sflag:$0x1] =	stream.indirect.gather [hbm4b:s4+s6], $0x20, s12, s6, $0xb8;
	[tilespmem:$0x14A00] =	vst v63  }
0x96: {  	s13 =	rddreg [dreg:$0xc]  }
0x97: {  	[tilespmem:s8], [sflag:$0x1] =	stream.indirect.gather [hbm4b:s4+s6], $0x20, s13, s6, $0xb8;
	[tilespmem:$0x14A00] =	vst v63  }
0x98: {  	s10 =	rddreg [dreg:$0xe]  }
0x99: {  	[tilespmem:s7], [sflag:$0x1] =	stream.indirect.gather [hbm4b:s4+s6], $0x20, s10, s6, $0xb8;
	[tilespmem:$0x14A00] =	vst v63  }
0x9a: {  	s11 =	rddreg [dreg:$0x10]  }
0x9b: {  	[tilespmem:s0], [sflag:$0x1] =	stream.indirect.gather [hbm4b:s4+s6], $0x20, s11, s6, $0xb8;
	[tilespmem:$0x14A00] =	vst v63  }
0x9c: {  	s12 =	rddreg [dreg:$0x12];
	s13 =	simm.s32 $0x8A00  }
0x9d: {  	[tilespmem:s13], [sflag:$0x1] =	stream.indirect.gather [hbm4b:s4+s6], $0x20, s12, s6, $0xb8;
	[tilespmem:$0x14A00] =	vst v63  }
0x9e: {  	s9 =	simm.s32 $0x9A00;
	s8 =	simm.s32 $0x480  }
0x9f: {  	[tilespmem:s9], [sflag:$0x1] =	stream.indirect.gather [hbm4b:s4+s6], $0x20, s8, s6, $0xb8;
	[tilespmem:$0x14A00] =	vst v63  }
0xa0: {  	s10 =	simm.s32 $0x500;
	s11 =	simm.s32 $0xAA00  }
0xa1: {  	[tilespmem:s11], [sflag:$0x1] =	stream.indirect.gather [hbm4b:s4+s6], $0x20, s10, s6, $0xb8;
	[tilespmem:$0x14A00] =	vst v63  }
0xa2: {  	s12 =	simm.s32 $0x580;
	s13 =	simm.s32 $0xBA00  }
0xa3: {  	[tilespmem:s13], [sflag:$0x1] =	stream.indirect.gather [hbm4b:s4+s6], $0x20, s12, s6, $0xb8;
	[tilespmem:$0x14A00] =	vst v63  }
0xa4: {  	_ = 	snop  }
0xa5: {  	[tilespmem:s15], [sflag:$0x1] =	stream.indirect.gather [hbm4b:s4+s6], $0x20, s14, s6, $0xb8;
	[tilespmem:$0x14A00] =	vst v63  }
0xa6: {  	_ = 	snop  }
0xa7: {  	[tilespmem:s17], [sflag:$0x1] =	stream.indirect.gather [hbm4b:s4+s6], $0x20, s16, s6, $0xb8;
	[tilespmem:$0x14A00] =	vst v63  }
0xa8: {  	_ = 	snop  }
0xa9: {  	[tilespmem:s19], [sflag:$0x1] =	stream.indirect.gather [hbm4b:s4+s6], $0x20, s18, s6, $0xb8;
	[tilespmem:$0x14A00] =	vst v63  }
0xaa: {  	_ = 	snop  }
0xab: {  	[tilespmem:s21], [sflag:$0x1] =	stream.indirect.gather [hbm4b:s4+s6], $0x20, s20, s6, $0xb8;
	[tilespmem:$0x14A00] =	vst v63  }
0xac: {  	_ = 	snop  }
0xad: {  	[tilespmem:s23], [sflag:$0x1] =	stream.indirect.gather [hbm4b:s4+s6], $0x20, s22, s6, $0xb8;
	[tilespmem:$0x14A00] =	vst v63  }
0xae: {  	_ = 	snop  }
0xaf: {  	[tilespmem:s25], [sflag:$0x1] =	stream.indirect.gather [hbm4b:s4+s6], $0x20, s24, s6, $0xb8;
	[tilespmem:$0x14A00] =	vst v63  }
0xb0: {  	_ = 	snop  }
0xb1: {  	[tilespmem:s28], [sflag:$0x1] =	stream.indirect.gather [hbm4b:s4+s6], $0x20, s26, s6, $0xb8;
	[tilespmem:$0x14A00] =	vst v63  }
0xb2: {  	_ = 	snop  }
0xb3: {  	[tilespmem:s31], [sflag:$0x1] =	stream.indirect.gather [hbm4b:s4+s6], $0x20, s30, s6, $0xb8;
	[tilespmem:$0x14A00] =	vst v63  }
0xb4: {  	_ =	swait.ge [sflag:s29], $0x1000  }
0xb5: {  	[sflag:s29] =	ssyncset.done $0x0  }
0xb6: {  	[sflag:s29] =	ssyncadd.s32 $0xFFFFF000  }
0xb7: {  	_ =	swait.ge [sflag:s29], $0x1000  }
0xb8: {  	[sflag:s29] =	ssyncset.done $0x0  }
0xb9: {  	[sflag:s29] =	ssyncadd.s32 $0xFFFFF000  }
0xba: {  	_ =	swait.ge [sflag:s29], $0x1000  }
0xbb: {  	[sflag:s29] =	ssyncset.done $0x0  }
0xbc: {  	[sflag:s29] =	ssyncadd.s32 $0xFFFFF000  }
0xbd: {  	_ =	swait.ge [sflag:s29], $0x1000  }
0xbe: {  	[sflag:s29] =	ssyncset.done $0x0  }
0xbf: {  	[sflag:s29] =	ssyncadd.s32 $0xFFFFF000  }
0xc0: {  	_ =	swait.ge [sflag:s29], $0x1000  }
0xc1: {  	[sflag:s29] =	ssyncset.done $0x0  }
0xc2: {  	[sflag:s29] =	ssyncadd.s32 $0xFFFFF000  }
0xc3: {  	_ =	swait.ge [sflag:s29], $0x1000  }
0xc4: {  	[sflag:s29] =	ssyncset.done $0x0  }
0xc5: {  	[sflag:s29] =	ssyncadd.s32 $0xFFFFF000  }
0xc6: {  	_ =	swait.ge [sflag:s29], $0x1000  }
0xc7: {  	[sflag:s29] =	ssyncset.done $0x0  }
0xc8: {  	[sflag:s29] =	ssyncadd.s32 $0xFFFFF000  }
0xc9: {  	_ =	swait.ge [sflag:s29], $0x1000  }
0xca: {  	[sflag:s29] =	ssyncset.done $0x0  }
0xcb: {  	[sflag:s29] =	ssyncadd.s32 $0xFFFFF000  }
0xcc: {  	_ =	swait.ge [sflag:s29], $0x1000  }
0xcd: {  	[sflag:s29] =	ssyncset.done $0x0  }
0xce: {  	[sflag:s29] =	ssyncadd.s32 $0xFFFFF000  }
0xcf: {  	_ =	swait.ge [sflag:s29], $0x1000  }
0xd0: {  	[sflag:s29] =	ssyncset.done $0x0  }
0xd1: {  	[sflag:s29] =	ssyncadd.s32 $0xFFFFF000  }
0xd2: {  	_ =	swait.ge [sflag:s29], $0x1000  }
0xd3: {  	[sflag:s29] =	ssyncset.done $0x0  }
0xd4: {  	[sflag:s29] =	ssyncadd.s32 $0xFFFFF000  }
0xd5: {  	_ =	swait.ge [sflag:s29], $0x1000  }
0xd6: {  	[sflag:s29] =	ssyncset.done $0x0  }
0xd7: {  	[sflag:s29] =	ssyncadd.s32 $0xFFFFF000  }
0xd8: {  	_ =	swait.ge [sflag:s29], $0x1000  }
0xd9: {  	[sflag:s29] =	ssyncset.done $0x0  }
0xda: {  	[sflag:s29] =	ssyncadd.s32 $0xFFFFF000  }
0xdb: {  	_ =	swait.ge [sflag:s29], $0x1000  }
0xdc: {  	[sflag:s29] =	ssyncset.done $0x0  }
0xdd: {  	[sflag:s29] =	ssyncadd.s32 $0xFFFFF000  }
0xde: {  	_ =	swait.ge [sflag:s29], $0x1000  }
0xdf: {  	[sflag:s29] =	ssyncset.done $0x0  }
0xe0: {  	[sflag:s29] =	ssyncadd.s32 $0xFFFFF000  }
0xe1: {  	_ =	swait.ge [sflag:s29], $0x1000  }
0xe2: {  	[sflag:s29] =	ssyncset.done $0x0  }
0xe3: {  	[sflag:s29] =	ssyncadd.s32 $0xFFFFF000  }
0xe4: {  	_ =	swait.ge [sflag:s29], $0x1000  }
0xe5: {  	[sflag:s29] =	ssyncset.done $0x0  }
0xe6: {  	[sflag:s29] =	ssyncadd.s32 $0xFFFFF000  }
0xe7: {  	_ =	swait.ge [sflag:s29], $0x1000  }
0xe8: {  	p0 =	sne.s32 s1, $0x1;
	[sflag:s29] =	ssyncset.done $0x0  }
.Ltmp1:
0xe9: {  	[sflag:s29] =	ssyncadd.s32 $0xFFFFF000;
	(pc) =	sbr.rel @p0 .LBB2_1-.Ltmp1, $4  }
0xea: {  	_ =	swait.ge [sflag:s29], $0x1000  }
0xeb: {  	[sflag:s29] =	ssyncset.done $0x0  }
0xec: {  	[sflag:s29] =	ssyncadd.s32 $0xFFFFF000  }
0xed: {  	s1 =	sadd.s32 $0xFFFFFFFF, s1;
	_ =	swait.ge [sflag:s29], $0x1000  }
.LBB2_2:
0xee: {  	[sflag:s29] =	ssyncset.done $0x0  }
0xef: {  	s0 =	rddreg [dreg:$0x4];
	[sflag:s29] =	ssyncadd.s32 $0xFFFFF000  }
0xf0: {  	[hbm4b:s0+s2] =	stream.linear.scatter [tilespmem:s5], [sflag:$0x2], $0x14000, $0x38;
	[tilespmem:$0x14A00] =	vst v63  }
0xf1: {  	_ =	swait.ge [sflag:s3], $0x14000  }
0xf2: {  	[sflag:s3] =	ssyncset.done $0x0  }
0xf3: {  	[sflag:s3] =	ssyncadd.s32 $0xFFFEC000  }
0xf4: {  	_ =	sfence.sel $0x180000  }
0xf5: {  	[bflag:$0x0] =	sbarrier.arrive $0xFFFF  }
0xf6: {  	_ =	strace $0x90000047  }
0xf7: {  	s31 =	stileid.u32;
	[bflag:$0x2] =	sbarrier.arrive $0xFFFF  }
0xf8: {  	p0 =	sne.s32 s31, $0x0;
	s0 =	rddreg [dreg:$0x2]  }
0xf9: {  	s0 =	sadd.s32 @!p0 $0x100000, s0  }
0xfa: {  	[sflag:s0] =	ssyncadd.tile.s32 @!p0 $0x1;
	_ =	shalt  }
.Lfunc_end2:
_tile_overlayer_lowered:
.L_overlay_start_2:
0xfb: {  	(tag) =	ssettag $0x2  }
0xfc: {  	s0 =	rddreg [dreg:$0x0];
	s2 =	stileid.u32  }
0xfd: {  	s1 =	rddreg [dreg:$0x1];
	p0 =	sne.s32 s2, $0x0  }
0xfe: {  	s3 =	rddreg [dreg:$0x2];
	[bflag:$0x3] =	sbarrier.arrive $0xFFFF;
	s2 =	simm.s32 @!p0 $0x1C02  }
0xff: {  	[timem:s3], [sflag:s2] =	dma.local @!p0 [hbm:s0], s1  }
0x100: {  	s0 =	simm.s32 @!p0 $0x2  }
0x101: {  	_ =	swait.ge @!p0 [sflag:s0], s1  }
0x102: {  	s1 =	ssub.s32 @!p0 $0x0, s1;
	[sflag:s0] =	ssyncset.done @!p0 $0x0  }
0x103: {  	[sflag:s0] =	ssyncadd.s32 @!p0 s1  }
0x104: {  	[bflag:$0x3] =	sbarrier.arrive $0xFFFF  }
0x105: {  	_ =	shalt  }

</sc_bundles>
